<compile_context>
chip_gen: v7x
topology: tpu7x:2x2x1
jax: 0.10.2.dev20260603
libtpu: 0.0.44.dev20260713+nightly
codegen_flags: <defaults>
</compile_context>

<pallas_src>
import jax
import jax.numpy as jnp
from jax import lax
from jax.experimental import pallas as pl
from jax.experimental.pallas import tpu as pltpu
from jax.experimental.pallas import tpu_sc as plsc

_NUMEL = 16777216
_NNZ = 1677721
_LR = 0.1

_NC = 2
_NS = 16
_NW = _NC * _NS
_G = 4096
_GROUPS = 13
_NBUF = 5
_P = _G * _GROUPS
_TOTAL = _NW * _P


def _sc_body(idx_hbm, val_hbm, param_hbm, out_ref, *scr):
    idx_v = scr[0:_NBUF]
    val_v = scr[_NBUF:2 * _NBUF]
    gat_v = scr[2 * _NBUF:3 * _NBUF]
    sem_ld = scr[3 * _NBUF:4 * _NBUF]
    sem_g = scr[4 * _NBUF:5 * _NBUF]
    sem_s = scr[5 * _NBUF:6 * _NBUF]
    c = lax.axis_index("c")
    s = lax.axis_index("s")
    wid = s * _NC + c
    base0 = wid * _P

    def start_load(t, m):
        off = base0 + t * _G
        pltpu.make_async_copy(idx_hbm.at[pl.ds(off, _G)], idx_v[m],
                              sem_ld[m]).start()
        pltpu.make_async_copy(val_hbm.at[pl.ds(off, _G)], val_v[m],
                              sem_ld[m]).start()

    def wait_load(m):
        pltpu.make_async_copy(idx_hbm.at[pl.ds(0, _G)], idx_v[m],
                              sem_ld[m]).wait()
        pltpu.make_async_copy(val_hbm.at[pl.ds(0, _G)], val_v[m],
                              sem_ld[m]).wait()

    def fire_gather(m):
        pltpu.make_async_copy(param_hbm.at[idx_v[m]], gat_v[m],
                              sem_g[m]).start()

    def process(n):
        pltpu.make_async_copy(param_hbm.at[idx_v[n]], gat_v[n],
                              sem_g[n]).wait()

        @pl.loop(0, _G // 16, unroll=4)
        def _cmp(i):
            sl = pl.ds(i * 16, 16)
            gat_v[n][sl] = gat_v[n][sl] + _LR * val_v[n][sl]

        pltpu.make_async_copy(gat_v[n], out_ref.at[idx_v[n]],
                              sem_s[n]).start()

    def drain_scatter(m):
        pltpu.make_async_copy(gat_v[m], out_ref.at[idx_v[m]],
                              sem_s[m]).wait()

    for t in range(_GROUPS):
        m = t % _NBUF
        if t >= _NBUF:
            drain_scatter(m)
        start_load(t, m)
        if t >= 2:
            process((t - 2) % _NBUF)
        wait_load(m)
        fire_gather(m)
    for t in (_GROUPS - 2, _GROUPS - 1):
        process(t % _NBUF)
    for t in range(_GROUPS - _NBUF, _GROUPS):
        drain_scatter(t % _NBUF)


_sc_update = pl.kernel(
    _sc_body,
    out_type=(),
    mesh=plsc.VectorSubcoreMesh(core_axis_name="c", subcore_axis_name="s"),
    scratch_types=(
        [pltpu.VMEM((_G,), jnp.int32) for _ in range(_NBUF)]
        + [pltpu.VMEM((_G,), jnp.float32) for _ in range(_NBUF)]
        + [pltpu.VMEM((_G,), jnp.float32) for _ in range(_NBUF)]
        + [pltpu.SemaphoreType.DMA] * (3 * _NBUF)),
)


def kernel(param, values, indices):
    idx = indices.astype(jnp.int32)
    pad = _TOTAL - _NNZ
    idxp = jnp.pad(idx, (0, pad), mode="wrap")
    valp = jnp.pad(values, (0, pad), mode="wrap")
    out_ref = jax.new_ref(param)
    _sc_update(idxp, valp, param, out_ref)
    return out_ref[...]

# --- scband reference (transcript-rebuilt; emitter-appended) ---
"""Pipeline reference for scband-parameter-server-65214783422934 (READ-ONLY COPY).

The authoritative reference and input builder live on the scoring server;
editing this copy changes nothing except your own understanding.
"""

import jax, jax.numpy as jnp
import numpy as np

NUMEL = 16777216
NNZ = 1677721
LR_SCALE = 0.1

def setup_inputs(seed: int = 0) -> dict:
    key = jax.random.key(seed)
    k1, k2, k3 = jax.random.split(key, 3)
    param = jax.random.normal(k1, (NUMEL,), dtype=jnp.float32)
    values = jax.random.normal(k2, (NNZ,), dtype=jnp.float32)
    indices = jax.random.randint(k3, (NNZ,), 0, NUMEL, dtype=jnp.int64)
    return {"param": param, "values": values, "indices": indices}

def reference(param, values, indices):
    # desparsify: scatter sparse gradient values into a zero buffer (overwrite semantics,
    # matching torch scatter_), then apply the server update global_para.add_(deg * 0.1)
    decompressed = jnp.zeros((NUMEL,), dtype=values.dtype).at[indices].set(values)
    updated = param + decompressed * LR_SCALE
    return updated

if __name__ == "__main__":
    import jax
    _d = setup_inputs()
    print(jax.jit(kernel)(*tuple(_d.values())))

</pallas_src>

<mosaic_0001>
#map = affine_map<(d0, d1) -> (0)>
module attributes {stable_mosaic.version = 14 : i64} {
  func.func @new_body(%arg0: i32, %arg1: i32, %arg2: memref<1703936xi32, #tpu.memory_space<hbm>>, %arg3: memref<1703936xf32, #tpu.memory_space<hbm>>, %arg4: memref<16777216xf32, #tpu.memory_space<hbm>>, %arg5: memref<16777216xf32, #tpu.memory_space<hbm>>, %arg6: memref<16777216xf32, #tpu.memory_space<hbm>>, %arg7: memref<4096xi32, #tpu.memory_space<vmem>>, %arg8: memref<4096xi32, #tpu.memory_space<vmem>>, %arg9: memref<4096xi32, #tpu.memory_space<vmem>>, %arg10: memref<4096xi32, #tpu.memory_space<vmem>>, %arg11: memref<4096xi32, #tpu.memory_space<vmem>>, %arg12: memref<4096xf32, #tpu.memory_space<vmem>>, %arg13: memref<4096xf32, #tpu.memory_space<vmem>>, %arg14: memref<4096xf32, #tpu.memory_space<vmem>>, %arg15: memref<4096xf32, #tpu.memory_space<vmem>>, %arg16: memref<4096xf32, #tpu.memory_space<vmem>>, %arg17: memref<4096xf32, #tpu.memory_space<vmem>>, %arg18: memref<4096xf32, #tpu.memory_space<vmem>>, %arg19: memref<4096xf32, #tpu.memory_space<vmem>>, %arg20: memref<4096xf32, #tpu.memory_space<vmem>>, %arg21: memref<4096xf32, #tpu.memory_space<vmem>>, %arg22: memref<!tpu.dma_semaphore, #tpu.memory_space<semaphore_mem>>, %arg23: memref<!tpu.dma_semaphore, #tpu.memory_space<semaphore_mem>>, %arg24: memref<!tpu.dma_semaphore, #tpu.memory_space<semaphore_mem>>, %arg25: memref<!tpu.dma_semaphore, #tpu.memory_space<semaphore_mem>>, %arg26: memref<!tpu.dma_semaphore, #tpu.memory_space<semaphore_mem>>, %arg27: memref<!tpu.dma_semaphore, #tpu.memory_space<semaphore_mem>>, %arg28: memref<!tpu.dma_semaphore, #tpu.memory_space<semaphore_mem>>, %arg29: memref<!tpu.dma_semaphore, #tpu.memory_space<semaphore_mem>>, %arg30: memref<!tpu.dma_semaphore, #tpu.memory_space<semaphore_mem>>, %arg31: memref<!tpu.dma_semaphore, #tpu.memory_space<semaphore_mem>>, %arg32: memref<!tpu.dma_semaphore, #tpu.memory_space<semaphore_mem>>, %arg33: memref<!tpu.dma_semaphore, #tpu.memory_space<semaphore_mem>>, %arg34: memref<!tpu.dma_semaphore, #tpu.memory_space<semaphore_mem>>, %arg35: memref<!tpu.dma_semaphore, #tpu.memory_space<semaphore_mem>>, %arg36: memref<!tpu.dma_semaphore, #tpu.memory_space<semaphore_mem>>) attributes {dimension_semantics = [#tpu.dimension_semantics<core_parallel>, #tpu.dimension_semantics<subcore_parallel>], iteration_bounds = array<i64: 2, 16>, scalar_prefetch = 0 : i64, scratch_operands = 30 : i64, tpu.core_type = #tpu.core_type<sc_vector_subcore>, window_params = [{transform_indices = #map}, {transform_indices = #map}, {transform_indices = #map}, {transform_indices = #map}, {transform_indices = #map}]} {
    %mul3A = arith.constant 2 : i32
    %mul3A_0 = arith.muli %arg1, %mul3A : i32
    %add3A = arith.addi %mul3A_0, %arg0 : i32
    %mul3A_1 = arith.constant 53248 : i32
    %mul3A_2 = arith.muli %add3A, %mul3A_1 : i32
    %add3A_3 = arith.constant 0 : i32
    %add3A_4 = arith.addi %mul3A_2, %add3A_3 : i32
    %dma_start3A = tpu.memref_slice %arg2[%add3A_4] : memref<1703936xi32, #tpu.memory_space<hbm>> -> memref<4096xi32, #tpu.memory_space<hbm>>
    %dma_start3A_5 = tpu.memref_slice %arg2[%add3A_4] : memref<1703936xi32, #tpu.memory_space<hbm>> -> memref<4096xi32, #tpu.memory_space<hbm>>
    tpu.enqueue_dma source(%dma_start3A_5 : memref<4096xi32, #tpu.memory_space<hbm>>) target(%arg7 : memref<4096xi32, #tpu.memory_space<vmem>>) target_semaphore(%arg22 : memref<!tpu.dma_semaphore, #tpu.memory_space<semaphore_mem>>)
    %dma_start3A_6 = tpu.memref_slice %arg3[%add3A_4] : memref<1703936xf32, #tpu.memory_space<hbm>> -> memref<4096xf32, #tpu.memory_space<hbm>>
    %dma_start3A_7 = tpu.memref_slice %arg3[%add3A_4] : memref<1703936xf32, #tpu.memory_space<hbm>> -> memref<4096xf32, #tpu.memory_space<hbm>>
    tpu.enqueue_dma source(%dma_start3A_7 : memref<4096xf32, #tpu.memory_space<hbm>>) target(%arg12 : memref<4096xf32, #tpu.memory_space<vmem>>) target_semaphore(%arg22 : memref<!tpu.dma_semaphore, #tpu.memory_space<semaphore_mem>>)
    %dma_wait3A = arith.constant 0 : i32
    %dma_wait3A_8 = tpu.memref_slice %arg2[%dma_wait3A] : memref<1703936xi32, #tpu.memory_space<hbm>> -> memref<4096xi32, #tpu.memory_space<hbm>>
    %dma_wait3A_9 = arith.constant 0 : i32
    %dma_wait3A_10 = tpu.memref_slice %arg2[%dma_wait3A_9] : memref<1703936xi32, #tpu.memory_space<hbm>> -> memref<4096xi32, #tpu.memory_space<hbm>>
    tpu.wait_dma2 semaphore(%arg22 : memref<!tpu.dma_semaphore, #tpu.memory_space<semaphore_mem>>) src(%dma_wait3A_10 : memref<4096xi32, #tpu.memory_space<hbm>>) dst(%arg7 : memref<4096xi32, #tpu.memory_space<vmem>>)
    %dma_wait3A_11 = arith.constant 0 : i32
    %dma_wait3A_12 = tpu.memref_slice %arg3[%dma_wait3A_11] : memref<1703936xf32, #tpu.memory_space<hbm>> -> memref<4096xf32, #tpu.memory_space<hbm>>
    %dma_wait3A_13 = arith.constant 0 : i32
    %dma_wait3A_14 = tpu.memref_slice %arg3[%dma_wait3A_13] : memref<1703936xf32, #tpu.memory_space<hbm>> -> memref<4096xf32, #tpu.memory_space<hbm>>
    tpu.wait_dma2 semaphore(%arg22 : memref<!tpu.dma_semaphore, #tpu.memory_space<semaphore_mem>>) src(%dma_wait3A_14 : memref<4096xf32, #tpu.memory_space<hbm>>) dst(%arg12 : memref<4096xf32, #tpu.memory_space<vmem>>)
    %dma_start3A_15 = arith.constant 0 : i32
    %dma_start3A_16 = tpu.memref_slice %arg4[%dma_start3A_15] : memref<16777216xf32, #tpu.memory_space<hbm>> -> memref<16777216xf32, #tpu.memory_space<hbm>>
    tpu.enqueue_indirect_dma source(%dma_start3A_16 : memref<16777216xf32, #tpu.memory_space<hbm>>) target(%arg17 : memref<4096xf32, #tpu.memory_space<vmem>>) offsets(%arg7 : memref<4096xi32, #tpu.memory_space<vmem>>) semaphore(%arg27 : memref<!tpu.dma_semaphore, #tpu.memory_space<semaphore_mem>>)
    %add3A_17 = arith.constant 4096 : i32
    %add3A_18 = arith.addi %mul3A_2, %add3A_17 : i32
    %dma_start3A_19 = tpu.memref_slice %arg2[%add3A_18] : memref<1703936xi32, #tpu.memory_space<hbm>> -> memref<4096xi32, #tpu.memory_space<hbm>>
    %dma_start3A_20 = tpu.memref_slice %arg2[%add3A_18] : memref<1703936xi32, #tpu.memory_space<hbm>> -> memref<4096xi32, #tpu.memory_space<hbm>>
    tpu.enqueue_dma source(%dma_start3A_20 : memref<4096xi32, #tpu.memory_space<hbm>>) target(%arg8 : memref<4096xi32, #tpu.memory_space<vmem>>) target_semaphore(%arg23 : memref<!tpu.dma_semaphore, #tpu.memory_space<semaphore_mem>>)
    %dma_start3A_21 = tpu.memref_slice %arg3[%add3A_18] : memref<1703936xf32, #tpu.memory_space<hbm>> -> memref<4096xf32, #tpu.memory_space<hbm>>
    %dma_start3A_22 = tpu.memref_slice %arg3[%add3A_18] : memref<1703936xf32, #tpu.memory_space<hbm>> -> memref<4096xf32, #tpu.memory_space<hbm>>
    tpu.enqueue_dma source(%dma_start3A_22 : memref<4096xf32, #tpu.memory_space<hbm>>) target(%arg13 : memref<4096xf32, #tpu.memory_space<vmem>>) target_semaphore(%arg23 : memref<!tpu.dma_semaphore, #tpu.memory_space<semaphore_mem>>)
    %dma_wait3A_23 = arith.constant 0 : i32
    %dma_wait3A_24 = tpu.memref_slice %arg2[%dma_wait3A_23] : memref<1703936xi32, #tpu.memory_space<hbm>> -> memref<4096xi32, #tpu.memory_space<hbm>>
    %dma_wait3A_25 = arith.constant 0 : i32
    %dma_wait3A_26 = tpu.memref_slice %arg2[%dma_wait3A_25] : memref<1703936xi32, #tpu.memory_space<hbm>> -> memref<4096xi32, #tpu.memory_space<hbm>>
    tpu.wait_dma2 semaphore(%arg23 : memref<!tpu.dma_semaphore, #tpu.memory_space<semaphore_mem>>) src(%dma_wait3A_26 : memref<4096xi32, #tpu.memory_space<hbm>>) dst(%arg8 : memref<4096xi32, #tpu.memory_space<vmem>>)
    %dma_wait3A_27 = arith.constant 0 : i32
    %dma_wait3A_28 = tpu.memref_slice %arg3[%dma_wait3A_27] : memref<1703936xf32, #tpu.memory_space<hbm>> -> memref<4096xf32, #tpu.memory_space<hbm>>
    %dma_wait3A_29 = arith.constant 0 : i32
    %dma_wait3A_30 = tpu.memref_slice %arg3[%dma_wait3A_29] : memref<1703936xf32, #tpu.memory_space<hbm>> -> memref<4096xf32, #tpu.memory_space<hbm>>
    tpu.wait_dma2 semaphore(%arg23 : memref<!tpu.dma_semaphore, #tpu.memory_space<semaphore_mem>>) src(%dma_wait3A_30 : memref<4096xf32, #tpu.memory_space<hbm>>) dst(%arg13 : memref<4096xf32, #tpu.memory_space<vmem>>)
    %dma_start3A_31 = arith.constant 0 : i32
    %dma_start3A_32 = tpu.memref_slice %arg4[%dma_start3A_31] : memref<16777216xf32, #tpu.memory_space<hbm>> -> memref<16777216xf32, #tpu.memory_space<hbm>>
    tpu.enqueue_indirect_dma source(%dma_start3A_32 : memref<16777216xf32, #tpu.memory_space<hbm>>) target(%arg18 : memref<4096xf32, #tpu.memory_space<vmem>>) offsets(%arg8 : memref<4096xi32, #tpu.memory_space<vmem>>) semaphore(%arg28 : memref<!tpu.dma_semaphore, #tpu.memory_space<semaphore_mem>>)
    %add3A_33 = arith.constant 8192 : i32
    %add3A_34 = arith.addi %mul3A_2, %add3A_33 : i32
    %dma_start3A_35 = tpu.memref_slice %arg2[%add3A_34] : memref<1703936xi32, #tpu.memory_space<hbm>> -> memref<4096xi32, #tpu.memory_space<hbm>>
    %dma_start3A_36 = tpu.memref_slice %arg2[%add3A_34] : memref<1703936xi32, #tpu.memory_space<hbm>> -> memref<4096xi32, #tpu.memory_space<hbm>>
    tpu.enqueue_dma source(%dma_start3A_36 : memref<4096xi32, #tpu.memory_space<hbm>>) target(%arg9 : memref<4096xi32, #tpu.memory_space<vmem>>) target_semaphore(%arg24 : memref<!tpu.dma_semaphore, #tpu.memory_space<semaphore_mem>>)
    %dma_start3A_37 = tpu.memref_slice %arg3[%add3A_34] : memref<1703936xf32, #tpu.memory_space<hbm>> -> memref<4096xf32, #tpu.memory_space<hbm>>
    %dma_start3A_38 = tpu.memref_slice %arg3[%add3A_34] : memref<1703936xf32, #tpu.memory_space<hbm>> -> memref<4096xf32, #tpu.memory_space<hbm>>
    tpu.enqueue_dma source(%dma_start3A_38 : memref<4096xf32, #tpu.memory_space<hbm>>) target(%arg14 : memref<4096xf32, #tpu.memory_space<vmem>>) target_semaphore(%arg24 : memref<!tpu.dma_semaphore, #tpu.memory_space<semaphore_mem>>)
    %dma_wait3A_39 = arith.constant 0 : i32
    %dma_wait3A_40 = tpu.memref_slice %arg4[%dma_wait3A_39] : memref<16777216xf32, #tpu.memory_space<hbm>> -> memref<16777216xf32, #tpu.memory_space<hbm>>
    tpu.wait_indirect_dma semaphore(%arg27 : memref<!tpu.dma_semaphore, #tpu.memory_space<semaphore_mem>>) src(%dma_wait3A_40 : memref<16777216xf32, #tpu.memory_space<hbm>>) dst(%arg17 : memref<4096xf32, #tpu.memory_space<vmem>>)
    %scan3A = arith.constant 0 : i32
    %scan3A_41 = arith.constant 256 : i32
    %scan3A_42 = arith.addi %scan3A, %scan3A_41 : i32
    %scan3A_43 = arith.constant 4 : i32
    scf.for %scan3A_351 = %scan3A to %scan3A_42 step %scan3A_43  : i32 {
      %mul3A_352 = arith.constant 1 : i32
      %mul3A_353 = arith.muli %scan3A_351, %mul3A_352 : i32
      %add3A_354 = arith.constant 0 : i32
      %add3A_355 = arith.addi %add3A_354, %mul3A_353 : i32
      %mul3A_356 = arith.constant 16 : i32
      %mul3A_357 = arith.muli %add3A_355, %mul3A_356 : i32
      %get3A = arith.index_cast %mul3A_357 : i32 to index
      %get3A_358 = tpu.vector_load %arg17[%get3A] {strides = array<i32>} : memref<4096xf32, #tpu.memory_space<vmem>>, vector<16xf32>,
      %get3A_359 = vector.shape_cast %get3A_358 : vector<16xf32> to vector<16xf32>
      %get3A_360 = arith.index_cast %mul3A_357 : i32 to index
      %get3A_361 = tpu.vector_load %arg12[%get3A_360] {strides = array<i32>} : memref<4096xf32, #tpu.memory_space<vmem>>, vector<16xf32>,
      %get3A_362 = vector.shape_cast %get3A_361 : vector<16xf32> to vector<16xf32>
      %mul3A_363 = arith.constant 1.000000e-01 : f32
      %mul3A_364 = vector.broadcast %mul3A_363 : f32 to vector<16xf32>
      %mul3A_365 = arith.mulf %mul3A_364, %get3A_362 : vector<16xf32>
      %add3A_366 = arith.addf %get3A_359, %mul3A_365 : vector<16xf32>
      %swap3A = arith.index_cast %mul3A_357 : i32 to index
      %swap3A_367 = tpu.vector_load %arg17[%swap3A] {strides = array<i32>} : memref<4096xf32, #tpu.memory_space<vmem>>, vector<16xf32>,
      %swap3A_368 = vector.shape_cast %swap3A_367 : vector<16xf32> to vector<16xf32>
      %swap3A_369 = vector.shape_cast %add3A_366 : vector<16xf32> to vector<16xf32>
      tpu.vector_store %arg17[%swap3A], %swap3A_369 {strides = array<i32>} : memref<4096xf32, #tpu.memory_space<vmem>>, vector<16xf32>,
      %scan3A_370 = arith.constant 1 : i32
      %scan3A_371 = arith.addi %scan3A_351, %scan3A_370 : i32
      %mul3A_372 = arith.constant 1 : i32
      %mul3A_373 = arith.muli %scan3A_371, %mul3A_372 : i32
      %add3A_374 = arith.constant 0 : i32
      %add3A_375 = arith.addi %add3A_374, %mul3A_373 : i32
      %mul3A_376 = arith.constant 16 : i32
      %mul3A_377 = arith.muli %add3A_375, %mul3A_376 : i32
      %get3A_378 = arith.index_cast %mul3A_377 : i32 to index
      %get3A_379 = tpu.vector_load %arg17[%get3A_378] {strides = array<i32>} : memref<4096xf32, #tpu.memory_space<vmem>>, vector<16xf32>,
      %get3A_380 = vector.shape_cast %get3A_379 : vector<16xf32> to vector<16xf32>
      %get3A_381 = arith.index_cast %mul3A_377 : i32 to index
      %get3A_382 = tpu.vector_load %arg12[%get3A_381] {strides = array<i32>} : memref<4096xf32, #tpu.memory_space<vmem>>, vector<16xf32>,
      %get3A_383 = vector.shape_cast %get3A_382 : vector<16xf32> to vector<16xf32>
      %mul3A_384 = arith.constant 1.000000e-01 : f32
      %mul3A_385 = vector.broadcast %mul3A_384 : f32 to vector<16xf32>
      %mul3A_386 = arith.mulf %mul3A_385, %get3A_383 : vector<16xf32>
      %add3A_387 = arith.addf %get3A_380, %mul3A_386 : vector<16xf32>
      %swap3A_388 = arith.index_cast %mul3A_377 : i32 to index
      %swap3A_389 = tpu.vector_load %arg17[%swap3A_388] {strides = array<i32>} : memref<4096xf32, #tpu.memory_space<vmem>>, vector<16xf32>,
      %swap3A_390 = vector.shape_cast %swap3A_389 : vector<16xf32> to vector<16xf32>
      %swap3A_391 = vector.shape_cast %add3A_387 : vector<16xf32> to vector<16xf32>
      tpu.vector_store %arg17[%swap3A_388], %swap3A_391 {strides = array<i32>} : memref<4096xf32, #tpu.memory_space<vmem>>, vector<16xf32>,
      %scan3A_392 = arith.constant 2 : i32
      %scan3A_393 = arith.addi %scan3A_351, %scan3A_392 : i32
      %mul3A_394 = arith.constant 1 : i32
      %mul3A_395 = arith.muli %scan3A_393, %mul3A_394 : i32
      %add3A_396 = arith.constant 0 : i32
      %add3A_397 = arith.addi %add3A_396, %mul3A_395 : i32
      %mul3A_398 = arith.constant 16 : i32
      %mul3A_399 = arith.muli %add3A_397, %mul3A_398 : i32
      %get3A_400 = arith.index_cast %mul3A_399 : i32 to index
      %get3A_401 = tpu.vector_load %arg17[%get3A_400] {strides = array<i32>} : memref<4096xf32, #tpu.memory_space<vmem>>, vector<16xf32>,
      %get3A_402 = vector.shape_cast %get3A_401 : vector<16xf32> to vector<16xf32>
      %get3A_403 = arith.index_cast %mul3A_399 : i32 to index
      %get3A_404 = tpu.vector_load %arg12[%get3A_403] {strides = array<i32>} : memref<4096xf32, #tpu.memory_space<vmem>>, vector<16xf32>,
      %get3A_405 = vector.shape_cast %get3A_404 : vector<16xf32> to vector<16xf32>
      %mul3A_406 = arith.constant 1.000000e-01 : f32
      %mul3A_407 = vector.broadcast %mul3A_406 : f32 to vector<16xf32>
      %mul3A_408 = arith.mulf %mul3A_407, %get3A_405 : vector<16xf32>
      %add3A_409 = arith.addf %get3A_402, %mul3A_408 : vector<16xf32>
      %swap3A_410 = arith.index_cast %mul3A_399 : i32 to index
      %swap3A_411 = tpu.vector_load %arg17[%swap3A_410] {strides = array<i32>} : memref<4096xf32, #tpu.memory_space<vmem>>, vector<16xf32>,
      %swap3A_412 = vector.shape_cast %swap3A_411 : vector<16xf32> to vector<16xf32>
      %swap3A_413 = vector.shape_cast %add3A_409 : vector<16xf32> to vector<16xf32>
      tpu.vector_store %arg17[%swap3A_410], %swap3A_413 {strides = array<i32>} : memref<4096xf32, #tpu.memory_space<vmem>>, vector<16xf32>,
      %scan3A_414 = arith.constant 3 : i32
      %scan3A_415 = arith.addi %scan3A_351, %scan3A_414 : i32
      %mul3A_416 = arith.constant 1 : i32
      %mul3A_417 = arith.muli %scan3A_415, %mul3A_416 : i32
      %add3A_418 = arith.constant 0 : i32
      %add3A_419 = arith.addi %add3A_418, %mul3A_417 : i32
      %mul3A_420 = arith.constant 16 : i32
      %mul3A_421 = arith.muli %add3A_419, %mul3A_420 : i32
      %get3A_422 = arith.index_cast %mul3A_421 : i32 to index
      %get3A_423 = tpu.vector_load %arg17[%get3A_422] {strides = array<i32>} : memref<4096xf32, #tpu.memory_space<vmem>>, vector<16xf32>,
      %get3A_424 = vector.shape_cast %get3A_423 : vector<16xf32> to vector<16xf32>
      %get3A_425 = arith.index_cast %mul3A_421 : i32 to index
      %get3A_426 = tpu.vector_load %arg12[%get3A_425] {strides = array<i32>} : memref<4096xf32, #tpu.memory_space<vmem>>, vector<16xf32>,
      %get3A_427 = vector.shape_cast %get3A_426 : vector<16xf32> to vector<16xf32>
      %mul3A_428 = arith.constant 1.000000e-01 : f32
      %mul3A_429 = vector.broadcast %mul3A_428 : f32 to vector<16xf32>
      %mul3A_430 = arith.mulf %mul3A_429, %get3A_427 : vector<16xf32>
      %add3A_431 = arith.addf %get3A_424, %mul3A_430 : vector<16xf32>
      %swap3A_432 = arith.index_cast %mul3A_421 : i32 to index
      %swap3A_433 = tpu.vector_load %arg17[%swap3A_432] {strides = array<i32>} : memref<4096xf32, #tpu.memory_space<vmem>>, vector<16xf32>,
      %swap3A_434 = vector.shape_cast %swap3A_433 : vector<16xf32> to vector<16xf32>
      %swap3A_435 = vector.shape_cast %add3A_431 : vector<16xf32> to vector<16xf32>
      tpu.vector_store %arg17[%swap3A_432], %swap3A_435 {strides = array<i32>} : memref<4096xf32, #tpu.memory_space<vmem>>, vector<16xf32>,
    }
    %scan3A_44 = arith.constant 256 : i32
    %dma_start3A_45 = arith.constant 0 : i32
    %dma_start3A_46 = tpu.memref_slice %arg5[%dma_start3A_45] : memref<16777216xf32, #tpu.memory_space<hbm>> -> memref<16777216xf32, #tpu.memory_space<hbm>>
    tpu.enqueue_indirect_dma source(%arg17 : memref<4096xf32, #tpu.memory_space<vmem>>) target(%dma_start3A_46 : memref<16777216xf32, #tpu.memory_space<hbm>>) offsets(%arg7 : memref<4096xi32, #tpu.memory_space<vmem>>) semaphore(%arg32 : memref<!tpu.dma_semaphore, #tpu.memory_space<semaphore_mem>>)
    %dma_wait3A_47 = arith.constant 0 : i32
    %dma_wait3A_48 = tpu.memref_slice %arg2[%dma_wait3A_47] : memref<1703936xi32, #tpu.memory_space<hbm>> -> memref<4096xi32, #tpu.memory_space<hbm>>
    %dma_wait3A_49 = arith.constant 0 : i32
    %dma_wait3A_50 = tpu.memref_slice %arg2[%dma_wait3A_49] : memref<1703936xi32, #tpu.memory_space<hbm>> -> memref<4096xi32, #tpu.memory_space<hbm>>
    tpu.wait_dma2 semaphore(%arg24 : memref<!tpu.dma_semaphore, #tpu.memory_space<semaphore_mem>>) src(%dma_wait3A_50 : memref<4096xi32, #tpu.memory_space<hbm>>) dst(%arg9 : memref<4096xi32, #tpu.memory_space<vmem>>)
    %dma_wait3A_51 = arith.constant 0 : i32
    %dma_wait3A_52 = tpu.memref_slice %arg3[%dma_wait3A_51] : memref<1703936xf32, #tpu.memory_space<hbm>> -> memref<4096xf32, #tpu.memory_space<hbm>>
    %dma_wait3A_53 = arith.constant 0 : i32
    %dma_wait3A_54 = tpu.memref_slice %arg3[%dma_wait3A_53] : memref<1703936xf32, #tpu.memory_space<hbm>> -> memref<4096xf32, #tpu.memory_space<hbm>>
    tpu.wait_dma2 semaphore(%arg24 : memref<!tpu.dma_semaphore, #tpu.memory_space<semaphore_mem>>) src(%dma_wait3A_54 : memref<4096xf32, #tpu.memory_space<hbm>>) dst(%arg14 : memref<4096xf32, #tpu.memory_space<vmem>>)
    %dma_start3A_55 = arith.constant 0 : i32
    %dma_start3A_56 = tpu.memref_slice %arg4[%dma_start3A_55] : memref<16777216xf32, #tpu.memory_space<hbm>> -> memref<16777216xf32, #tpu.memory_space<hbm>>
    tpu.enqueue_indirect_dma source(%dma_start3A_56 : memref<16777216xf32, #tpu.memory_space<hbm>>) target(%arg19 : memref<4096xf32, #tpu.memory_space<vmem>>) offsets(%arg9 : memref<4096xi32, #tpu.memory_space<vmem>>) semaphore(%arg29 : memref<!tpu.dma_semaphore, #tpu.memory_space<semaphore_mem>>)
    %add3A_57 = arith.constant 12288 : i32
    %add3A_58 = arith.addi %mul3A_2, %add3A_57 : i32
    %dma_start3A_59 = tpu.memref_slice %arg2[%add3A_58] : memref<1703936xi32, #tpu.memory_space<hbm>> -> memref<4096xi32, #tpu.memory_space<hbm>>
    %dma_start3A_60 = tpu.memref_slice %arg2[%add3A_58] : memref<1703936xi32, #tpu.memory_space<hbm>> -> memref<4096xi32, #tpu.memory_space<hbm>>
    tpu.enqueue_dma source(%dma_start3A_60 : memref<4096xi32, #tpu.memory_space<hbm>>) target(%arg10 : memref<4096xi32, #tpu.memory_space<vmem>>) target_semaphore(%arg25 : memref<!tpu.dma_semaphore, #tpu.memory_space<semaphore_mem>>)
    %dma_start3A_61 = tpu.memref_slice %arg3[%add3A_58] : memref<1703936xf32, #tpu.memory_space<hbm>> -> memref<4096xf32, #tpu.memory_space<hbm>>
    %dma_start3A_62 = tpu.memref_slice %arg3[%add3A_58] : memref<1703936xf32, #tpu.memory_space<hbm>> -> memref<4096xf32, #tpu.memory_space<hbm>>
    tpu.enqueue_dma source(%dma_start3A_62 : memref<4096xf32, #tpu.memory_space<hbm>>) target(%arg15 : memref<4096xf32, #tpu.memory_space<vmem>>) target_semaphore(%arg25 : memref<!tpu.dma_semaphore, #tpu.memory_space<semaphore_mem>>)
    %dma_wait3A_63 = arith.constant 0 : i32
    %dma_wait3A_64 = tpu.memref_slice %arg4[%dma_wait3A_63] : memref<16777216xf32, #tpu.memory_space<hbm>> -> memref<16777216xf32, #tpu.memory_space<hbm>>
    tpu.wait_indirect_dma semaphore(%arg28 : memref<!tpu.dma_semaphore, #tpu.memory_space<semaphore_mem>>) src(%dma_wait3A_64 : memref<16777216xf32, #tpu.memory_space<hbm>>) dst(%arg18 : memref<4096xf32, #tpu.memory_space<vmem>>)
    %scan3A_65 = arith.constant 0 : i32
    %scan3A_66 = arith.constant 256 : i32
    %scan3A_67 = arith.addi %scan3A_65, %scan3A_66 : i32
    %scan3A_68 = arith.constant 4 : i32
    scf.for %scan3A_351 = %scan3A_65 to %scan3A_67 step %scan3A_68  : i32 {
      %mul3A_352 = arith.constant 1 : i32
      %mul3A_353 = arith.muli %scan3A_351, %mul3A_352 : i32
      %add3A_354 = arith.constant 0 : i32
      %add3A_355 = arith.addi %add3A_354, %mul3A_353 : i32
      %mul3A_356 = arith.constant 16 : i32
      %mul3A_357 = arith.muli %add3A_355, %mul3A_356 : i32
      %get3A = arith.index_cast %mul3A_357 : i32 to index
      %get3A_358 = tpu.vector_load %arg18[%get3A] {strides = array<i32>} : memref<4096xf32, #tpu.memory_space<vmem>>, vector<16xf32>,
      %get3A_359 = vector.shape_cast %get3A_358 : vector<16xf32> to vector<16xf32>
      %get3A_360 = arith.index_cast %mul3A_357 : i32 to index
      %get3A_361 = tpu.vector_load %arg13[%get3A_360] {strides = array<i32>} : memref<4096xf32, #tpu.memory_space<vmem>>, vector<16xf32>,
      %get3A_362 = vector.shape_cast %get3A_361 : vector<16xf32> to vector<16xf32>
      %mul3A_363 = arith.constant 1.000000e-01 : f32
      %mul3A_364 = vector.broadcast %mul3A_363 : f32 to vector<16xf32>
      %mul3A_365 = arith.mulf %mul3A_364, %get3A_362 : vector<16xf32>
      %add3A_366 = arith.addf %get3A_359, %mul3A_365 : vector<16xf32>
      %swap3A = arith.index_cast %mul3A_357 : i32 to index
      %swap3A_367 = tpu.vector_load %arg18[%swap3A] {strides = array<i32>} : memref<4096xf32, #tpu.memory_space<vmem>>, vector<16xf32>,
      %swap3A_368 = vector.shape_cast %swap3A_367 : vector<16xf32> to vector<16xf32>
      %swap3A_369 = vector.shape_cast %add3A_366 : vector<16xf32> to vector<16xf32>
      tpu.vector_store %arg18[%swap3A], %swap3A_369 {strides = array<i32>} : memref<4096xf32, #tpu.memory_space<vmem>>, vector<16xf32>,
      %scan3A_370 = arith.constant 1 : i32
      %scan3A_371 = arith.addi %scan3A_351, %scan3A_370 : i32
      %mul3A_372 = arith.constant 1 : i32
      %mul3A_373 = arith.muli %scan3A_371, %mul3A_372 : i32
      %add3A_374 = arith.constant 0 : i32
      %add3A_375 = arith.addi %add3A_374, %mul3A_373 : i32
      %mul3A_376 = arith.constant 16 : i32
      %mul3A_377 = arith.muli %add3A_375, %mul3A_376 : i32
      %get3A_378 = arith.index_cast %mul3A_377 : i32 to index
      %get3A_379 = tpu.vector_load %arg18[%get3A_378] {strides = array<i32>} : memref<4096xf32, #tpu.memory_space<vmem>>, vector<16xf32>,
      %get3A_380 = vector.shape_cast %get3A_379 : vector<16xf32> to vector<16xf32>
      %get3A_381 = arith.index_cast %mul3A_377 : i32 to index
      %get3A_382 = tpu.vector_load %arg13[%get3A_381] {strides = array<i32>} : memref<4096xf32, #tpu.memory_space<vmem>>, vector<16xf32>,
      %get3A_383 = vector.shape_cast %get3A_382 : vector<16xf32> to vector<16xf32>
      %mul3A_384 = arith.constant 1.000000e-01 : f32
      %mul3A_385 = vector.broadcast %mul3A_384 : f32 to vector<16xf32>
      %mul3A_386 = arith.mulf %mul3A_385, %get3A_383 : vector<16xf32>
      %add3A_387 = arith.addf %get3A_380, %mul3A_386 : vector<16xf32>
      %swap3A_388 = arith.index_cast %mul3A_377 : i32 to index
      %swap3A_389 = tpu.vector_load %arg18[%swap3A_388] {strides = array<i32>} : memref<4096xf32, #tpu.memory_space<vmem>>, vector<16xf32>,
      %swap3A_390 = vector.shape_cast %swap3A_389 : vector<16xf32> to vector<16xf32>
      %swap3A_391 = vector.shape_cast %add3A_387 : vector<16xf32> to vector<16xf32>
      tpu.vector_store %arg18[%swap3A_388], %swap3A_391 {strides = array<i32>} : memref<4096xf32, #tpu.memory_space<vmem>>, vector<16xf32>,
      %scan3A_392 = arith.constant 2 : i32
      %scan3A_393 = arith.addi %scan3A_351, %scan3A_392 : i32
      %mul3A_394 = arith.constant 1 : i32
      %mul3A_395 = arith.muli %scan3A_393, %mul3A_394 : i32
      %add3A_396 = arith.constant 0 : i32
      %add3A_397 = arith.addi %add3A_396, %mul3A_395 : i32
      %mul3A_398 = arith.constant 16 : i32
      %mul3A_399 = arith.muli %add3A_397, %mul3A_398 : i32
      %get3A_400 = arith.index_cast %mul3A_399 : i32 to index
      %get3A_401 = tpu.vector_load %arg18[%get3A_400] {strides = array<i32>} : memref<4096xf32, #tpu.memory_space<vmem>>, vector<16xf32>,
      %get3A_402 = vector.shape_cast %get3A_401 : vector<16xf32> to vector<16xf32>
      %get3A_403 = arith.index_cast %mul3A_399 : i32 to index
      %get3A_404 = tpu.vector_load %arg13[%get3A_403] {strides = array<i32>} : memref<4096xf32, #tpu.memory_space<vmem>>, vector<16xf32>,
      %get3A_405 = vector.shape_cast %get3A_404 : vector<16xf32> to vector<16xf32>
      %mul3A_406 = arith.constant 1.000000e-01 : f32
      %mul3A_407 = vector.broadcast %mul3A_406 : f32 to vector<16xf32>
      %mul3A_408 = arith.mulf %mul3A_407, %get3A_405 : vector<16xf32>
      %add3A_409 = arith.addf %get3A_402, %mul3A_408 : vector<16xf32>
      %swap3A_410 = arith.index_cast %mul3A_399 : i32 to index
      %swap3A_411 = tpu.vector_load %arg18[%swap3A_410] {strides = array<i32>} : memref<4096xf32, #tpu.memory_space<vmem>>, vector<16xf32>,
      %swap3A_412 = vector.shape_cast %swap3A_411 : vector<16xf32> to vector<16xf32>
      %swap3A_413 = vector.shape_cast %add3A_409 : vector<16xf32> to vector<16xf32>
      tpu.vector_store %arg18[%swap3A_410], %swap3A_413 {strides = array<i32>} : memref<4096xf32, #tpu.memory_space<vmem>>, vector<16xf32>,
      %scan3A_414 = arith.constant 3 : i32
      %scan3A_415 = arith.addi %scan3A_351, %scan3A_414 : i32
      %mul3A_416 = arith.constant 1 : i32
      %mul3A_417 = arith.muli %scan3A_415, %mul3A_416 : i32
      %add3A_418 = arith.constant 0 : i32
      %add3A_419 = arith.addi %add3A_418, %mul3A_417 : i32
      %mul3A_420 = arith.constant 16 : i32
      %mul3A_421 = arith.muli %add3A_419, %mul3A_420 : i32
      %get3A_422 = arith.index_cast %mul3A_421 : i32 to index
      %get3A_423 = tpu.vector_load %arg18[%get3A_422] {strides = array<i32>} : memref<4096xf32, #tpu.memory_space<vmem>>, vector<16xf32>,
      %get3A_424 = vector.shape_cast %get3A_423 : vector<16xf32> to vector<16xf32>
      %get3A_425 = arith.index_cast %mul3A_421 : i32 to index
      %get3A_426 = tpu.vector_load %arg13[%get3A_425] {strides = array<i32>} : memref<4096xf32, #tpu.memory_space<vmem>>, vector<16xf32>,
      %get3A_427 = vector.shape_cast %get3A_426 : vector<16xf32> to vector<16xf32>
      %mul3A_428 = arith.constant 1.000000e-01 : f32
      %mul3A_429 = vector.broadcast %mul3A_428 : f32 to vector<16xf32>
      %mul3A_430 = arith.mulf %mul3A_429, %get3A_427 : vector<16xf32>
      %add3A_431 = arith.addf %get3A_424, %mul3A_430 : vector<16xf32>
      %swap3A_432 = arith.index_cast %mul3A_421 : i32 to index
      %swap3A_433 = tpu.vector_load %arg18[%swap3A_432] {strides = array<i32>} : memref<4096xf32, #tpu.memory_space<vmem>>, vector<16xf32>,
      %swap3A_434 = vector.shape_cast %swap3A_433 : vector<16xf32> to vector<16xf32>
      %swap3A_435 = vector.shape_cast %add3A_431 : vector<16xf32> to vector<16xf32>
      tpu.vector_store %arg18[%swap3A_432], %swap3A_435 {strides = array<i32>} : memref<4096xf32, #tpu.memory_space<vmem>>, vector<16xf32>,
    }
    %scan3A_69 = arith.constant 256 : i32
    %dma_start3A_70 = arith.constant 0 : i32
    %dma_start3A_71 = tpu.memref_slice %arg5[%dma_start3A_70] : memref<16777216xf32, #tpu.memory_space<hbm>> -> memref<16777216xf32, #tpu.memory_space<hbm>>
    tpu.enqueue_indirect_dma source(%arg18 : memref<4096xf32, #tpu.memory_space<vmem>>) target(%dma_start3A_71 : memref<16777216xf32, #tpu.memory_space<hbm>>) offsets(%arg8 : memref<4096xi32, #tpu.memory_space<vmem>>) semaphore(%arg33 : memref<!tpu.dma_semaphore, #tpu.memory_space<semaphore_mem>>)
    %dma_wait3A_72 = arith.constant 0 : i32
    %dma_wait3A_73 = tpu.memref_slice %arg2[%dma_wait3A_72] : memref<1703936xi32, #tpu.memory_space<hbm>> -> memref<4096xi32, #tpu.memory_space<hbm>>
    %dma_wait3A_74 = arith.constant 0 : i32
    %dma_wait3A_75 = tpu.memref_slice %arg2[%dma_wait3A_74] : memref<1703936xi32, #tpu.memory_space<hbm>> -> memref<4096xi32, #tpu.memory_space<hbm>>
    tpu.wait_dma2 semaphore(%arg25 : memref<!tpu.dma_semaphore, #tpu.memory_space<semaphore_mem>>) src(%dma_wait3A_75 : memref<4096xi32, #tpu.memory_space<hbm>>) dst(%arg10 : memref<4096xi32, #tpu.memory_space<vmem>>)
    %dma_wait3A_76 = arith.constant 0 : i32
    %dma_wait3A_77 = tpu.memref_slice %arg3[%dma_wait3A_76] : memref<1703936xf32, #tpu.memory_space<hbm>> -> memref<4096xf32, #tpu.memory_space<hbm>>
    %dma_wait3A_78 = arith.constant 0 : i32
    %dma_wait3A_79 = tpu.memref_slice %arg3[%dma_wait3A_78] : memref<1703936xf32, #tpu.memory_space<hbm>> -> memref<4096xf32, #tpu.memory_space<hbm>>
    tpu.wait_dma2 semaphore(%arg25 : memref<!tpu.dma_semaphore, #tpu.memory_space<semaphore_mem>>) src(%dma_wait3A_79 : memref<4096xf32, #tpu.memory_space<hbm>>) dst(%arg15 : memref<4096xf32, #tpu.memory_space<vmem>>)
    %dma_start3A_80 = arith.constant 0 : i32
    %dma_start3A_81 = tpu.memref_slice %arg4[%dma_start3A_80] : memref<16777216xf32, #tpu.memory_space<hbm>> -> memref<16777216xf32, #tpu.memory_space<hbm>>
    tpu.enqueue_indirect_dma source(%dma_start3A_81 : memref<16777216xf32, #tpu.memory_space<hbm>>) target(%arg20 : memref<4096xf32, #tpu.memory_space<vmem>>) offsets(%arg10 : memref<4096xi32, #tpu.memory_space<vmem>>) semaphore(%arg30 : memref<!tpu.dma_semaphore, #tpu.memory_space<semaphore_mem>>)
    %add3A_82 = arith.constant 16384 : i32
    %add3A_83 = arith.addi %mul3A_2, %add3A_82 : i32
    %dma_start3A_84 = tpu.memref_slice %arg2[%add3A_83] : memref<1703936xi32, #tpu.memory_space<hbm>> -> memref<4096xi32, #tpu.memory_space<hbm>>
    %dma_start3A_85 = tpu.memref_slice %arg2[%add3A_83] : memref<1703936xi32, #tpu.memory_space<hbm>> -> memref<4096xi32, #tpu.memory_space<hbm>>
    tpu.enqueue_dma source(%dma_start3A_85 : memref<4096xi32, #tpu.memory_space<hbm>>) target(%arg11 : memref<4096xi32, #tpu.memory_space<vmem>>) target_semaphore(%arg26 : memref<!tpu.dma_semaphore, #tpu.memory_space<semaphore_mem>>)
    %dma_start3A_86 = tpu.memref_slice %arg3[%add3A_83] : memref<1703936xf32, #tpu.memory_space<hbm>> -> memref<4096xf32, #tpu.memory_space<hbm>>
    %dma_start3A_87 = tpu.memref_slice %arg3[%add3A_83] : memref<1703936xf32, #tpu.memory_space<hbm>> -> memref<4096xf32, #tpu.memory_space<hbm>>
    tpu.enqueue_dma source(%dma_start3A_87 : memref<4096xf32, #tpu.memory_space<hbm>>) target(%arg16 : memref<4096xf32, #tpu.memory_space<vmem>>) target_semaphore(%arg26 : memref<!tpu.dma_semaphore, #tpu.memory_space<semaphore_mem>>)
    %dma_wait3A_88 = arith.constant 0 : i32
    %dma_wait3A_89 = tpu.memref_slice %arg4[%dma_wait3A_88] : memref<16777216xf32, #tpu.memory_space<hbm>> -> memref<16777216xf32, #tpu.memory_space<hbm>>
    tpu.wait_indirect_dma semaphore(%arg29 : memref<!tpu.dma_semaphore, #tpu.memory_space<semaphore_mem>>) src(%dma_wait3A_89 : memref<16777216xf32, #tpu.memory_space<hbm>>) dst(%arg19 : memref<4096xf32, #tpu.memory_space<vmem>>)
    %scan3A_90 = arith.constant 0 : i32
    %scan3A_91 = arith.constant 256 : i32
    %scan3A_92 = arith.addi %scan3A_90, %scan3A_91 : i32
    %scan3A_93 = arith.constant 4 : i32
    scf.for %scan3A_351 = %scan3A_90 to %scan3A_92 step %scan3A_93  : i32 {
      %mul3A_352 = arith.constant 1 : i32
      %mul3A_353 = arith.muli %scan3A_351, %mul3A_352 : i32
      %add3A_354 = arith.constant 0 : i32
      %add3A_355 = arith.addi %add3A_354, %mul3A_353 : i32
      %mul3A_356 = arith.constant 16 : i32
      %mul3A_357 = arith.muli %add3A_355, %mul3A_356 : i32
      %get3A = arith.index_cast %mul3A_357 : i32 to index
      %get3A_358 = tpu.vector_load %arg19[%get3A] {strides = array<i32>} : memref<4096xf32, #tpu.memory_space<vmem>>, vector<16xf32>,
      %get3A_359 = vector.shape_cast %get3A_358 : vector<16xf32> to vector<16xf32>
      %get3A_360 = arith.index_cast %mul3A_357 : i32 to index
      %get3A_361 = tpu.vector_load %arg14[%get3A_360] {strides = array<i32>} : memref<4096xf32, #tpu.memory_space<vmem>>, vector<16xf32>,
      %get3A_362 = vector.shape_cast %get3A_361 : vector<16xf32> to vector<16xf32>
      %mul3A_363 = arith.constant 1.000000e-01 : f32
      %mul3A_364 = vector.broadcast %mul3A_363 : f32 to vector<16xf32>
      %mul3A_365 = arith.mulf %mul3A_364, %get3A_362 : vector<16xf32>
      %add3A_366 = arith.addf %get3A_359, %mul3A_365 : vector<16xf32>
      %swap3A = arith.index_cast %mul3A_357 : i32 to index
      %swap3A_367 = tpu.vector_load %arg19[%swap3A] {strides = array<i32>} : memref<4096xf32, #tpu.memory_space<vmem>>, vector<16xf32>,
      %swap3A_368 = vector.shape_cast %swap3A_367 : vector<16xf32> to vector<16xf32>
      %swap3A_369 = vector.shape_cast %add3A_366 : vector<16xf32> to vector<16xf32>
      tpu.vector_store %arg19[%swap3A], %swap3A_369 {strides = array<i32>} : memref<4096xf32, #tpu.memory_space<vmem>>, vector<16xf32>,
      %scan3A_370 = arith.constant 1 : i32
      %scan3A_371 = arith.addi %scan3A_351, %scan3A_370 : i32
      %mul3A_372 = arith.constant 1 : i32
      %mul3A_373 = arith.muli %scan3A_371, %mul3A_372 : i32
      %add3A_374 = arith.constant 0 : i32
      %add3A_375 = arith.addi %add3A_374, %mul3A_373 : i32
      %mul3A_376 = arith.constant 16 : i32
      %mul3A_377 = arith.muli %add3A_375, %mul3A_376 : i32
      %get3A_378 = arith.index_cast %mul3A_377 : i32 to index
      %get3A_379 = tpu.vector_load %arg19[%get3A_378] {strides = array<i32>} : memref<4096xf32, #tpu.memory_space<vmem>>, vector<16xf32>,
      %get3A_380 = vector.shape_cast %get3A_379 : vector<16xf32> to vector<16xf32>
      %get3A_381 = arith.index_cast %mul3A_377 : i32 to index
      %get3A_382 = tpu.vector_load %arg14[%get3A_381] {strides = array<i32>} : memref<4096xf32, #tpu.memory_space<vmem>>, vector<16xf32>,
      %get3A_383 = vector.shape_cast %get3A_382 : vector<16xf32> to vector<16xf32>
      %mul3A_384 = arith.constant 1.000000e-01 : f32
      %mul3A_385 = vector.broadcast %mul3A_384 : f32 to vector<16xf32>
      %mul3A_386 = arith.mulf %mul3A_385, %get3A_383 : vector<16xf32>
      %add3A_387 = arith.addf %get3A_380, %mul3A_386 : vector<16xf32>
      %swap3A_388 = arith.index_cast %mul3A_377 : i32 to index
      %swap3A_389 = tpu.vector_load %arg19[%swap3A_388] {strides = array<i32>} : memref<4096xf32, #tpu.memory_space<vmem>>, vector<16xf32>,
      %swap3A_390 = vector.shape_cast %swap3A_389 : vector<16xf32> to vector<16xf32>
      %swap3A_391 = vector.shape_cast %add3A_387 : vector<16xf32> to vector<16xf32>
      tpu.vector_store %arg19[%swap3A_388], %swap3A_391 {strides = array<i32>} : memref<4096xf32, #tpu.memory_space<vmem>>, vector<16xf32>,
      %scan3A_392 = arith.constant 2 : i32
      %scan3A_393 = arith.addi %scan3A_351, %scan3A_392 : i32
      %mul3A_394 = arith.constant 1 : i32
      %mul3A_395 = arith.muli %scan3A_393, %mul3A_394 : i32
      %add3A_396 = arith.constant 0 : i32
      %add3A_397 = arith.addi %add3A_396, %mul3A_395 : i32
      %mul3A_398 = arith.constant 16 : i32
      %mul3A_399 = arith.muli %add3A_397, %mul3A_398 : i32
      %get3A_400 = arith.index_cast %mul3A_399 : i32 to index
      %get3A_401 = tpu.vector_load %arg19[%get3A_400] {strides = array<i32>} : memref<4096xf32, #tpu.memory_space<vmem>>, vector<16xf32>,
      %get3A_402 = vector.shape_cast %get3A_401 : vector<16xf32> to vector<16xf32>
      %get3A_403 = arith.index_cast %mul3A_399 : i32 to index
      %get3A_404 = tpu.vector_load %arg14[%get3A_403] {strides = array<i32>} : memref<4096xf32, #tpu.memory_space<vmem>>, vector<16xf32>,
      %get3A_405 = vector.shape_cast %get3A_404 : vector<16xf32> to vector<16xf32>
      %mul3A_406 = arith.constant 1.000000e-01 : f32
      %mul3A_407 = vector.broadcast %mul3A_406 : f32 to vector<16xf32>
      %mul3A_408 = arith.mulf %mul3A_407, %get3A_405 : vector<16xf32>
      %add3A_409 = arith.addf %get3A_402, %mul3A_408 : vector<16xf32>
      %swap3A_410 = arith.index_cast %mul3A_399 : i32 to index
      %swap3A_411 = tpu.vector_load %arg19[%swap3A_410] {strides = array<i32>} : memref<4096xf32, #tpu.memory_space<vmem>>, vector<16xf32>,
      %swap3A_412 = vector.shape_cast %swap3A_411 : vector<16xf32> to vector<16xf32>
      %swap3A_413 = vector.shape_cast %add3A_409 : vector<16xf32> to vector<16xf32>
      tpu.vector_store %arg19[%swap3A_410], %swap3A_413 {strides = array<i32>} : memref<4096xf32, #tpu.memory_space<vmem>>, vector<16xf32>,
      %scan3A_414 = arith.constant 3 : i32
      %scan3A_415 = arith.addi %scan3A_351, %scan3A_414 : i32
      %mul3A_416 = arith.constant 1 : i32
      %mul3A_417 = arith.muli %scan3A_415, %mul3A_416 : i32
      %add3A_418 = arith.constant 0 : i32
      %add3A_419 = arith.addi %add3A_418, %mul3A_417 : i32
      %mul3A_420 = arith.constant 16 : i32
      %mul3A_421 = arith.muli %add3A_419, %mul3A_420 : i32
      %get3A_422 = arith.index_cast %mul3A_421 : i32 to index
      %get3A_423 = tpu.vector_load %arg19[%get3A_422] {strides = array<i32>} : memref<4096xf32, #tpu.memory_space<vmem>>, vector<16xf32>,
      %get3A_424 = vector.shape_cast %get3A_423 : vector<16xf32> to vector<16xf32>
      %get3A_425 = arith.index_cast %mul3A_421 : i32 to index
      %get3A_426 = tpu.vector_load %arg14[%get3A_425] {strides = array<i32>} : memref<4096xf32, #tpu.memory_space<vmem>>, vector<16xf32>,
      %get3A_427 = vector.shape_cast %get3A_426 : vector<16xf32> to vector<16xf32>
      %mul3A_428 = arith.constant 1.000000e-01 : f32
      %mul3A_429 = vector.broadcast %mul3A_428 : f32 to vector<16xf32>
      %mul3A_430 = arith.mulf %mul3A_429, %get3A_427 : vector<16xf32>
      %add3A_431 = arith.addf %get3A_424, %mul3A_430 : vector<16xf32>
      %swap3A_432 = arith.index_cast %mul3A_421 : i32 to index
      %swap3A_433 = tpu.vector_load %arg19[%swap3A_432] {strides = array<i32>} : memref<4096xf32, #tpu.memory_space<vmem>>, vector<16xf32>,
      %swap3A_434 = vector.shape_cast %swap3A_433 : vector<16xf32> to vector<16xf32>
      %swap3A_435 = vector.shape_cast %add3A_431 : vector<16xf32> to vector<16xf32>
      tpu.vector_store %arg19[%swap3A_432], %swap3A_435 {strides = array<i32>} : memref<4096xf32, #tpu.memory_space<vmem>>, vector<16xf32>,
    }
    %scan3A_94 = arith.constant 256 : i32
    %dma_start3A_95 = arith.constant 0 : i32
    %dma_start3A_96 = tpu.memref_slice %arg5[%dma_start3A_95] : memref<16777216xf32, #tpu.memory_space<hbm>> -> memref<16777216xf32, #tpu.memory_space<hbm>>
    tpu.enqueue_indirect_dma source(%arg19 : memref<4096xf32, #tpu.memory_space<vmem>>) target(%dma_start3A_96 : memref<16777216xf32, #tpu.memory_space<hbm>>) offsets(%arg9 : memref<4096xi32, #tpu.memory_space<vmem>>) semaphore(%arg34 : memref<!tpu.dma_semaphore, #tpu.memory_space<semaphore_mem>>)
    %dma_wait3A_97 = arith.constant 0 : i32
    %dma_wait3A_98 = tpu.memref_slice %arg2[%dma_wait3A_97] : memref<1703936xi32, #tpu.memory_space<hbm>> -> memref<4096xi32, #tpu.memory_space<hbm>>
    %dma_wait3A_99 = arith.constant 0 : i32
    %dma_wait3A_100 = tpu.memref_slice %arg2[%dma_wait3A_99] : memref<1703936xi32, #tpu.memory_space<hbm>> -> memref<4096xi32, #tpu.memory_space<hbm>>
    tpu.wait_dma2 semaphore(%arg26 : memref<!tpu.dma_semaphore, #tpu.memory_space<semaphore_mem>>) src(%dma_wait3A_100 : memref<4096xi32, #tpu.memory_space<hbm>>) dst(%arg11 : memref<4096xi32, #tpu.memory_space<vmem>>)
    %dma_wait3A_101 = arith.constant 0 : i32
    %dma_wait3A_102 = tpu.memref_slice %arg3[%dma_wait3A_101] : memref<1703936xf32, #tpu.memory_space<hbm>> -> memref<4096xf32, #tpu.memory_space<hbm>>
    %dma_wait3A_103 = arith.constant 0 : i32
    %dma_wait3A_104 = tpu.memref_slice %arg3[%dma_wait3A_103] : memref<1703936xf32, #tpu.memory_space<hbm>> -> memref<4096xf32, #tpu.memory_space<hbm>>
    tpu.wait_dma2 semaphore(%arg26 : memref<!tpu.dma_semaphore, #tpu.memory_space<semaphore_mem>>) src(%dma_wait3A_104 : memref<4096xf32, #tpu.memory_space<hbm>>) dst(%arg16 : memref<4096xf32, #tpu.memory_space<vmem>>)
    %dma_start3A_105 = arith.constant 0 : i32
    %dma_start3A_106 = tpu.memref_slice %arg4[%dma_start3A_105] : memref<16777216xf32, #tpu.memory_space<hbm>> -> memref<16777216xf32, #tpu.memory_space<hbm>>
    tpu.enqueue_indirect_dma source(%dma_start3A_106 : memref<16777216xf32, #tpu.memory_space<hbm>>) target(%arg21 : memref<4096xf32, #tpu.memory_space<vmem>>) offsets(%arg11 : memref<4096xi32, #tpu.memory_space<vmem>>) semaphore(%arg31 : memref<!tpu.dma_semaphore, #tpu.memory_space<semaphore_mem>>)
    %dma_wait3A_107 = arith.constant 0 : i32
    %dma_wait3A_108 = tpu.memref_slice %arg5[%dma_wait3A_107] : memref<16777216xf32, #tpu.memory_space<hbm>> -> memref<16777216xf32, #tpu.memory_space<hbm>>
    tpu.wait_indirect_dma semaphore(%arg32 : memref<!tpu.dma_semaphore, #tpu.memory_space<semaphore_mem>>) src(%arg17 : memref<4096xf32, #tpu.memory_space<vmem>>) dst(%dma_wait3A_108 : memref<16777216xf32, #tpu.memory_space<hbm>>)
    %add3A_109 = arith.constant 20480 : i32
    %add3A_110 = arith.addi %mul3A_2, %add3A_109 : i32
    %dma_start3A_111 = tpu.memref_slice %arg2[%add3A_110] : memref<1703936xi32, #tpu.memory_space<hbm>> -> memref<4096xi32, #tpu.memory_space<hbm>>
    %dma_start3A_112 = tpu.memref_slice %arg2[%add3A_110] : memref<1703936xi32, #tpu.memory_space<hbm>> -> memref<4096xi32, #tpu.memory_space<hbm>>
    tpu.enqueue_dma source(%dma_start3A_112 : memref<4096xi32, #tpu.memory_space<hbm>>) target(%arg7 : memref<4096xi32, #tpu.memory_space<vmem>>) target_semaphore(%arg22 : memref<!tpu.dma_semaphore, #tpu.memory_space<semaphore_mem>>)
    %dma_start3A_113 = tpu.memref_slice %arg3[%add3A_110] : memref<1703936xf32, #tpu.memory_space<hbm>> -> memref<4096xf32, #tpu.memory_space<hbm>>
    %dma_start3A_114 = tpu.memref_slice %arg3[%add3A_110] : memref<1703936xf32, #tpu.memory_space<hbm>> -> memref<4096xf32, #tpu.memory_space<hbm>>
    tpu.enqueue_dma source(%dma_start3A_114 : memref<4096xf32, #tpu.memory_space<hbm>>) target(%arg12 : memref<4096xf32, #tpu.memory_space<vmem>>) target_semaphore(%arg22 : memref<!tpu.dma_semaphore, #tpu.memory_space<semaphore_mem>>)
    %dma_wait3A_115 = arith.constant 0 : i32
    %dma_wait3A_116 = tpu.memref_slice %arg4[%dma_wait3A_115] : memref<16777216xf32, #tpu.memory_space<hbm>> -> memref<16777216xf32, #tpu.memory_space<hbm>>
    tpu.wait_indirect_dma semaphore(%arg30 : memref<!tpu.dma_semaphore, #tpu.memory_space<semaphore_mem>>) src(%dma_wait3A_116 : memref<16777216xf32, #tpu.memory_space<hbm>>) dst(%arg20 : memref<4096xf32, #tpu.memory_space<vmem>>)
    %scan3A_117 = arith.constant 0 : i32
    %scan3A_118 = arith.constant 256 : i32
    %scan3A_119 = arith.addi %scan3A_117, %scan3A_118 : i32
    %scan3A_120 = arith.constant 4 : i32
    scf.for %scan3A_351 = %scan3A_117 to %scan3A_119 step %scan3A_120  : i32 {
      %mul3A_352 = arith.constant 1 : i32
      %mul3A_353 = arith.muli %scan3A_351, %mul3A_352 : i32
      %add3A_354 = arith.constant 0 : i32
      %add3A_355 = arith.addi %add3A_354, %mul3A_353 : i32
      %mul3A_356 = arith.constant 16 : i32
      %mul3A_357 = arith.muli %add3A_355, %mul3A_356 : i32
      %get3A = arith.index_cast %mul3A_357 : i32 to index
      %get3A_358 = tpu.vector_load %arg20[%get3A] {strides = array<i32>} : memref<4096xf32, #tpu.memory_space<vmem>>, vector<16xf32>,
      %get3A_359 = vector.shape_cast %get3A_358 : vector<16xf32> to vector<16xf32>
      %get3A_360 = arith.index_cast %mul3A_357 : i32 to index
      %get3A_361 = tpu.vector_load %arg15[%get3A_360] {strides = array<i32>} : memref<4096xf32, #tpu.memory_space<vmem>>, vector<16xf32>,
      %get3A_362 = vector.shape_cast %get3A_361 : vector<16xf32> to vector<16xf32>
      %mul3A_363 = arith.constant 1.000000e-01 : f32
      %mul3A_364 = vector.broadcast %mul3A_363 : f32 to vector<16xf32>
      %mul3A_365 = arith.mulf %mul3A_364, %get3A_362 : vector<16xf32>
      %add3A_366 = arith.addf %get3A_359, %mul3A_365 : vector<16xf32>
      %swap3A = arith.index_cast %mul3A_357 : i32 to index
      %swap3A_367 = tpu.vector_load %arg20[%swap3A] {strides = array<i32>} : memref<4096xf32, #tpu.memory_space<vmem>>, vector<16xf32>,
      %swap3A_368 = vector.shape_cast %swap3A_367 : vector<16xf32> to vector<16xf32>
      %swap3A_369 = vector.shape_cast %add3A_366 : vector<16xf32> to vector<16xf32>
      tpu.vector_store %arg20[%swap3A], %swap3A_369 {strides = array<i32>} : memref<4096xf32, #tpu.memory_space<vmem>>, vector<16xf32>,
      %scan3A_370 = arith.constant 1 : i32
      %scan3A_371 = arith.addi %scan3A_351, %scan3A_370 : i32
      %mul3A_372 = arith.constant 1 : i32
      %mul3A_373 = arith.muli %scan3A_371, %mul3A_372 : i32
      %add3A_374 = arith.constant 0 : i32
      %add3A_375 = arith.addi %add3A_374, %mul3A_373 : i32
      %mul3A_376 = arith.constant 16 : i32
      %mul3A_377 = arith.muli %add3A_375, %mul3A_376 : i32
      %get3A_378 = arith.index_cast %mul3A_377 : i32 to index
      %get3A_379 = tpu.vector_load %arg20[%get3A_378] {strides = array<i32>} : memref<4096xf32, #tpu.memory_space<vmem>>, vector<16xf32>,
      %get3A_380 = vector.shape_cast %get3A_379 : vector<16xf32> to vector<16xf32>
      %get3A_381 = arith.index_cast %mul3A_377 : i32 to index
      %get3A_382 = tpu.vector_load %arg15[%get3A_381] {strides = array<i32>} : memref<4096xf32, #tpu.memory_space<vmem>>, vector<16xf32>,
      %get3A_383 = vector.shape_cast %get3A_382 : vector<16xf32> to vector<16xf32>
      %mul3A_384 = arith.constant 1.000000e-01 : f32
      %mul3A_385 = vector.broadcast %mul3A_384 : f32 to vector<16xf32>
      %mul3A_386 = arith.mulf %mul3A_385, %get3A_383 : vector<16xf32>
      %add3A_387 = arith.addf %get3A_380, %mul3A_386 : vector<16xf32>
      %swap3A_388 = arith.index_cast %mul3A_377 : i32 to index
      %swap3A_389 = tpu.vector_load %arg20[%swap3A_388] {strides = array<i32>} : memref<4096xf32, #tpu.memory_space<vmem>>, vector<16xf32>,
      %swap3A_390 = vector.shape_cast %swap3A_389 : vector<16xf32> to vector<16xf32>
      %swap3A_391 = vector.shape_cast %add3A_387 : vector<16xf32> to vector<16xf32>
      tpu.vector_store %arg20[%swap3A_388], %swap3A_391 {strides = array<i32>} : memref<4096xf32, #tpu.memory_space<vmem>>, vector<16xf32>,
      %scan3A_392 = arith.constant 2 : i32
      %scan3A_393 = arith.addi %scan3A_351, %scan3A_392 : i32
      %mul3A_394 = arith.constant 1 : i32
      %mul3A_395 = arith.muli %scan3A_393, %mul3A_394 : i32
      %add3A_396 = arith.constant 0 : i32
      %add3A_397 = arith.addi %add3A_396, %mul3A_395 : i32
      %mul3A_398 = arith.constant 16 : i32
      %mul3A_399 = arith.muli %add3A_397, %mul3A_398 : i32
      %get3A_400 = arith.index_cast %mul3A_399 : i32 to index
      %get3A_401 = tpu.vector_load %arg20[%get3A_400] {strides = array<i32>} : memref<4096xf32, #tpu.memory_space<vmem>>, vector<16xf32>,
      %get3A_402 = vector.shape_cast %get3A_401 : vector<16xf32> to vector<16xf32>
      %get3A_403 = arith.index_cast %mul3A_399 : i32 to index
      %get3A_404 = tpu.vector_load %arg15[%get3A_403] {strides = array<i32>} : memref<4096xf32, #tpu.memory_space<vmem>>, vector<16xf32>,
      %get3A_405 = vector.shape_cast %get3A_404 : vector<16xf32> to vector<16xf32>
      %mul3A_406 = arith.constant 1.000000e-01 : f32
      %mul3A_407 = vector.broadcast %mul3A_406 : f32 to vector<16xf32>
      %mul3A_408 = arith.mulf %mul3A_407, %get3A_405 : vector<16xf32>
      %add3A_409 = arith.addf %get3A_402, %mul3A_408 : vector<16xf32>
      %swap3A_410 = arith.index_cast %mul3A_399 : i32 to index
      %swap3A_411 = tpu.vector_load %arg20[%swap3A_410] {strides = array<i32>} : memref<4096xf32, #tpu.memory_space<vmem>>, vector<16xf32>,
      %swap3A_412 = vector.shape_cast %swap3A_411 : vector<16xf32> to vector<16xf32>
      %swap3A_413 = vector.shape_cast %add3A_409 : vector<16xf32> to vector<16xf32>
      tpu.vector_store %arg20[%swap3A_410], %swap3A_413 {strides = array<i32>} : memref<4096xf32, #tpu.memory_space<vmem>>, vector<16xf32>,
      %scan3A_414 = arith.constant 3 : i32
      %scan3A_415 = arith.addi %scan3A_351, %scan3A_414 : i32
      %mul3A_416 = arith.constant 1 : i32
      %mul3A_417 = arith.muli %scan3A_415, %mul3A_416 : i32
      %add3A_418 = arith.constant 0 : i32
      %add3A_419 = arith.addi %add3A_418, %mul3A_417 : i32
      %mul3A_420 = arith.constant 16 : i32
      %mul3A_421 = arith.muli %add3A_419, %mul3A_420 : i32
      %get3A_422 = arith.index_cast %mul3A_421 : i32 to index
      %get3A_423 = tpu.vector_load %arg20[%get3A_422] {strides = array<i32>} : memref<4096xf32, #tpu.memory_space<vmem>>, vector<16xf32>,
      %get3A_424 = vector.shape_cast %get3A_423 : vector<16xf32> to vector<16xf32>
      %get3A_425 = arith.index_cast %mul3A_421 : i32 to index
      %get3A_426 = tpu.vector_load %arg15[%get3A_425] {strides = array<i32>} : memref<4096xf32, #tpu.memory_space<vmem>>, vector<16xf32>,
      %get3A_427 = vector.shape_cast %get3A_426 : vector<16xf32> to vector<16xf32>
      %mul3A_428 = arith.constant 1.000000e-01 : f32
      %mul3A_429 = vector.broadcast %mul3A_428 : f32 to vector<16xf32>
      %mul3A_430 = arith.mulf %mul3A_429, %get3A_427 : vector<16xf32>
      %add3A_431 = arith.addf %get3A_424, %mul3A_430 : vector<16xf32>
      %swap3A_432 = arith.index_cast %mul3A_421 : i32 to index
      %swap3A_433 = tpu.vector_load %arg20[%swap3A_432] {strides = array<i32>} : memref<4096xf32, #tpu.memory_space<vmem>>, vector<16xf32>,
      %swap3A_434 = vector.shape_cast %swap3A_433 : vector<16xf32> to vector<16xf32>
      %swap3A_435 = vector.shape_cast %add3A_431 : vector<16xf32> to vector<16xf32>
      tpu.vector_store %arg20[%swap3A_432], %swap3A_435 {strides = array<i32>} : memref<4096xf32, #tpu.memory_space<vmem>>, vector<16xf32>,
    }
    %scan3A_121 = arith.constant 256 : i32
    %dma_start3A_122 = arith.constant 0 : i32
    %dma_start3A_123 = tpu.memref_slice %arg5[%dma_start3A_122] : memref<16777216xf32, #tpu.memory_space<hbm>> -> memref<16777216xf32, #tpu.memory_space<hbm>>
    tpu.enqueue_indirect_dma source(%arg20 : memref<4096xf32, #tpu.memory_space<vmem>>) target(%dma_start3A_123 : memref<16777216xf32, #tpu.memory_space<hbm>>) offsets(%arg10 : memref<4096xi32, #tpu.memory_space<vmem>>) semaphore(%arg35 : memref<!tpu.dma_semaphore, #tpu.memory_space<semaphore_mem>>)
    %dma_wait3A_124 = arith.constant 0 : i32
    %dma_wait3A_125 = tpu.memref_slice %arg2[%dma_wait3A_124] : memref<1703936xi32, #tpu.memory_space<hbm>> -> memref<4096xi32, #tpu.memory_space<hbm>>
    %dma_wait3A_126 = arith.constant 0 : i32
    %dma_wait3A_127 = tpu.memref_slice %arg2[%dma_wait3A_126] : memref<1703936xi32, #tpu.memory_space<hbm>> -> memref<4096xi32, #tpu.memory_space<hbm>>
    tpu.wait_dma2 semaphore(%arg22 : memref<!tpu.dma_semaphore, #tpu.memory_space<semaphore_mem>>) src(%dma_wait3A_127 : memref<4096xi32, #tpu.memory_space<hbm>>) dst(%arg7 : memref<4096xi32, #tpu.memory_space<vmem>>)
    %dma_wait3A_128 = arith.constant 0 : i32
    %dma_wait3A_129 = tpu.memref_slice %arg3[%dma_wait3A_128] : memref<1703936xf32, #tpu.memory_space<hbm>> -> memref<4096xf32, #tpu.memory_space<hbm>>
    %dma_wait3A_130 = arith.constant 0 : i32
    %dma_wait3A_131 = tpu.memref_slice %arg3[%dma_wait3A_130] : memref<1703936xf32, #tpu.memory_space<hbm>> -> memref<4096xf32, #tpu.memory_space<hbm>>
    tpu.wait_dma2 semaphore(%arg22 : memref<!tpu.dma_semaphore, #tpu.memory_space<semaphore_mem>>) src(%dma_wait3A_131 : memref<4096xf32, #tpu.memory_space<hbm>>) dst(%arg12 : memref<4096xf32, #tpu.memory_space<vmem>>)
    %dma_start3A_132 = arith.constant 0 : i32
    %dma_start3A_133 = tpu.memref_slice %arg4[%dma_start3A_132] : memref<16777216xf32, #tpu.memory_space<hbm>> -> memref<16777216xf32, #tpu.memory_space<hbm>>
    tpu.enqueue_indirect_dma source(%dma_start3A_133 : memref<16777216xf32, #tpu.memory_space<hbm>>) target(%arg17 : memref<4096xf32, #tpu.memory_space<vmem>>) offsets(%arg7 : memref<4096xi32, #tpu.memory_space<vmem>>) semaphore(%arg27 : memref<!tpu.dma_semaphore, #tpu.memory_space<semaphore_mem>>)
    %dma_wait3A_134 = arith.constant 0 : i32
    %dma_wait3A_135 = tpu.memref_slice %arg5[%dma_wait3A_134] : memref<16777216xf32, #tpu.memory_space<hbm>> -> memref<16777216xf32, #tpu.memory_space<hbm>>
    tpu.wait_indirect_dma semaphore(%arg33 : memref<!tpu.dma_semaphore, #tpu.memory_space<semaphore_mem>>) src(%arg18 : memref<4096xf32, #tpu.memory_space<vmem>>) dst(%dma_wait3A_135 : memref<16777216xf32, #tpu.memory_space<hbm>>)
    %add3A_136 = arith.constant 24576 : i32
    %add3A_137 = arith.addi %mul3A_2, %add3A_136 : i32
    %dma_start3A_138 = tpu.memref_slice %arg2[%add3A_137] : memref<1703936xi32, #tpu.memory_space<hbm>> -> memref<4096xi32, #tpu.memory_space<hbm>>
    %dma_start3A_139 = tpu.memref_slice %arg2[%add3A_137] : memref<1703936xi32, #tpu.memory_space<hbm>> -> memref<4096xi32, #tpu.memory_space<hbm>>
    tpu.enqueue_dma source(%dma_start3A_139 : memref<4096xi32, #tpu.memory_space<hbm>>) target(%arg8 : memref<4096xi32, #tpu.memory_space<vmem>>) target_semaphore(%arg23 : memref<!tpu.dma_semaphore, #tpu.memory_space<semaphore_mem>>)
    %dma_start3A_140 = tpu.memref_slice %arg3[%add3A_137] : memref<1703936xf32, #tpu.memory_space<hbm>> -> memref<4096xf32, #tpu.memory_space<hbm>>
    %dma_start3A_141 = tpu.memref_slice %arg3[%add3A_137] : memref<1703936xf32, #tpu.memory_space<hbm>> -> memref<4096xf32, #tpu.memory_space<hbm>>
    tpu.enqueue_dma source(%dma_start3A_141 : memref<4096xf32, #tpu.memory_space<hbm>>) target(%arg13 : memref<4096xf32, #tpu.memory_space<vmem>>) target_semaphore(%arg23 : memref<!tpu.dma_semaphore, #tpu.memory_space<semaphore_mem>>)
    %dma_wait3A_142 = arith.constant 0 : i32
    %dma_wait3A_143 = tpu.memref_slice %arg4[%dma_wait3A_142] : memref<16777216xf32, #tpu.memory_space<hbm>> -> memref<16777216xf32, #tpu.memory_space<hbm>>
    tpu.wait_indirect_dma semaphore(%arg31 : memref<!tpu.dma_semaphore, #tpu.memory_space<semaphore_mem>>) src(%dma_wait3A_143 : memref<16777216xf32, #tpu.memory_space<hbm>>) dst(%arg21 : memref<4096xf32, #tpu.memory_space<vmem>>)
    %scan3A_144 = arith.constant 0 : i32
    %scan3A_145 = arith.constant 256 : i32
    %scan3A_146 = arith.addi %scan3A_144, %scan3A_145 : i32
    %scan3A_147 = arith.constant 4 : i32
    scf.for %scan3A_351 = %scan3A_144 to %scan3A_146 step %scan3A_147  : i32 {
      %mul3A_352 = arith.constant 1 : i32
      %mul3A_353 = arith.muli %scan3A_351, %mul3A_352 : i32
      %add3A_354 = arith.constant 0 : i32
      %add3A_355 = arith.addi %add3A_354, %mul3A_353 : i32
      %mul3A_356 = arith.constant 16 : i32
      %mul3A_357 = arith.muli %add3A_355, %mul3A_356 : i32
      %get3A = arith.index_cast %mul3A_357 : i32 to index
      %get3A_358 = tpu.vector_load %arg21[%get3A] {strides = array<i32>} : memref<4096xf32, #tpu.memory_space<vmem>>, vector<16xf32>,
      %get3A_359 = vector.shape_cast %get3A_358 : vector<16xf32> to vector<16xf32>
      %get3A_360 = arith.index_cast %mul3A_357 : i32 to index
      %get3A_361 = tpu.vector_load %arg16[%get3A_360] {strides = array<i32>} : memref<4096xf32, #tpu.memory_space<vmem>>, vector<16xf32>,
      %get3A_362 = vector.shape_cast %get3A_361 : vector<16xf32> to vector<16xf32>
      %mul3A_363 = arith.constant 1.000000e-01 : f32
      %mul3A_364 = vector.broadcast %mul3A_363 : f32 to vector<16xf32>
      %mul3A_365 = arith.mulf %mul3A_364, %get3A_362 : vector<16xf32>
      %add3A_366 = arith.addf %get3A_359, %mul3A_365 : vector<16xf32>
      %swap3A = arith.index_cast %mul3A_357 : i32 to index
      %swap3A_367 = tpu.vector_load %arg21[%swap3A] {strides = array<i32>} : memref<4096xf32, #tpu.memory_space<vmem>>, vector<16xf32>,
      %swap3A_368 = vector.shape_cast %swap3A_367 : vector<16xf32> to vector<16xf32>
      %swap3A_369 = vector.shape_cast %add3A_366 : vector<16xf32> to vector<16xf32>
      tpu.vector_store %arg21[%swap3A], %swap3A_369 {strides = array<i32>} : memref<4096xf32, #tpu.memory_space<vmem>>, vector<16xf32>,
      %scan3A_370 = arith.constant 1 : i32
      %scan3A_371 = arith.addi %scan3A_351, %scan3A_370 : i32
      %mul3A_372 = arith.constant 1 : i32
      %mul3A_373 = arith.muli %scan3A_371, %mul3A_372 : i32
      %add3A_374 = arith.constant 0 : i32
      %add3A_375 = arith.addi %add3A_374, %mul3A_373 : i32
      %mul3A_376 = arith.constant 16 : i32
      %mul3A_377 = arith.muli %add3A_375, %mul3A_376 : i32
      %get3A_378 = arith.index_cast %mul3A_377 : i32 to index
      %get3A_379 = tpu.vector_load %arg21[%get3A_378] {strides = array<i32>} : memref<4096xf32, #tpu.memory_space<vmem>>, vector<16xf32>,
      %get3A_380 = vector.shape_cast %get3A_379 : vector<16xf32> to vector<16xf32>
      %get3A_381 = arith.index_cast %mul3A_377 : i32 to index
      %get3A_382 = tpu.vector_load %arg16[%get3A_381] {strides = array<i32>} : memref<4096xf32, #tpu.memory_space<vmem>>, vector<16xf32>,
      %get3A_383 = vector.shape_cast %get3A_382 : vector<16xf32> to vector<16xf32>
      %mul3A_384 = arith.constant 1.000000e-01 : f32
      %mul3A_385 = vector.broadcast %mul3A_384 : f32 to vector<16xf32>
      %mul3A_386 = arith.mulf %mul3A_385, %get3A_383 : vector<16xf32>
      %add3A_387 = arith.addf %get3A_380, %mul3A_386 : vector<16xf32>
      %swap3A_388 = arith.index_cast %mul3A_377 : i32 to index
      %swap3A_389 = tpu.vector_load %arg21[%swap3A_388] {strides = array<i32>} : memref<4096xf32, #tpu.memory_space<vmem>>, vector<16xf32>,
      %swap3A_390 = vector.shape_cast %swap3A_389 : vector<16xf32> to vector<16xf32>
      %swap3A_391 = vector.shape_cast %add3A_387 : vector<16xf32> to vector<16xf32>
      tpu.vector_store %arg21[%swap3A_388], %swap3A_391 {strides = array<i32>} : memref<4096xf32, #tpu.memory_space<vmem>>, vector<16xf32>,
      %scan3A_392 = arith.constant 2 : i32
      %scan3A_393 = arith.addi %scan3A_351, %scan3A_392 : i32
      %mul3A_394 = arith.constant 1 : i32
      %mul3A_395 = arith.muli %scan3A_393, %mul3A_394 : i32
      %add3A_396 = arith.constant 0 : i32
      %add3A_397 = arith.addi %add3A_396, %mul3A_395 : i32
      %mul3A_398 = arith.constant 16 : i32
      %mul3A_399 = arith.muli %add3A_397, %mul3A_398 : i32
      %get3A_400 = arith.index_cast %mul3A_399 : i32 to index
      %get3A_401 = tpu.vector_load %arg21[%get3A_400] {strides = array<i32>} : memref<4096xf32, #tpu.memory_space<vmem>>, vector<16xf32>,
      %get3A_402 = vector.shape_cast %get3A_401 : vector<16xf32> to vector<16xf32>
      %get3A_403 = arith.index_cast %mul3A_399 : i32 to index
      %get3A_404 = tpu.vector_load %arg16[%get3A_403] {strides = array<i32>} : memref<4096xf32, #tpu.memory_space<vmem>>, vector<16xf32>,
      %get3A_405 = vector.shape_cast %get3A_404 : vector<16xf32> to vector<16xf32>
      %mul3A_406 = arith.constant 1.000000e-01 : f32
      %mul3A_407 = vector.broadcast %mul3A_406 : f32 to vector<16xf32>
      %mul3A_408 = arith.mulf %mul3A_407, %get3A_405 : vector<16xf32>
      %add3A_409 = arith.addf %get3A_402, %mul3A_408 : vector<16xf32>
      %swap3A_410 = arith.index_cast %mul3A_399 : i32 to index
      %swap3A_411 = tpu.vector_load %arg21[%swap3A_410] {strides = array<i32>} : memref<4096xf32, #tpu.memory_space<vmem>>, vector<16xf32>,
      %swap3A_412 = vector.shape_cast %swap3A_411 : vector<16xf32> to vector<16xf32>
      %swap3A_413 = vector.shape_cast %add3A_409 : vector<16xf32> to vector<16xf32>
      tpu.vector_store %arg21[%swap3A_410], %swap3A_413 {strides = array<i32>} : memref<4096xf32, #tpu.memory_space<vmem>>, vector<16xf32>,
      %scan3A_414 = arith.constant 3 : i32
      %scan3A_415 = arith.addi %scan3A_351, %scan3A_414 : i32
      %mul3A_416 = arith.constant 1 : i32
      %mul3A_417 = arith.muli %scan3A_415, %mul3A_416 : i32
      %add3A_418 = arith.constant 0 : i32
      %add3A_419 = arith.addi %add3A_418, %mul3A_417 : i32
      %mul3A_420 = arith.constant 16 : i32
      %mul3A_421 = arith.muli %add3A_419, %mul3A_420 : i32
      %get3A_422 = arith.index_cast %mul3A_421 : i32 to index
      %get3A_423 = tpu.vector_load %arg21[%get3A_422] {strides = array<i32>} : memref<4096xf32, #tpu.memory_space<vmem>>, vector<16xf32>,
      %get3A_424 = vector.shape_cast %get3A_423 : vector<16xf32> to vector<16xf32>
      %get3A_425 = arith.index_cast %mul3A_421 : i32 to index
      %get3A_426 = tpu.vector_load %arg16[%get3A_425] {strides = array<i32>} : memref<4096xf32, #tpu.memory_space<vmem>>, vector<16xf32>,
      %get3A_427 = vector.shape_cast %get3A_426 : vector<16xf32> to vector<16xf32>
      %mul3A_428 = arith.constant 1.000000e-01 : f32
      %mul3A_429 = vector.broadcast %mul3A_428 : f32 to vector<16xf32>
      %mul3A_430 = arith.mulf %mul3A_429, %get3A_427 : vector<16xf32>
      %add3A_431 = arith.addf %get3A_424, %mul3A_430 : vector<16xf32>
      %swap3A_432 = arith.index_cast %mul3A_421 : i32 to index
      %swap3A_433 = tpu.vector_load %arg21[%swap3A_432] {strides = array<i32>} : memref<4096xf32, #tpu.memory_space<vmem>>, vector<16xf32>,
      %swap3A_434 = vector.shape_cast %swap3A_433 : vector<16xf32> to vector<16xf32>
      %swap3A_435 = vector.shape_cast %add3A_431 : vector<16xf32> to vector<16xf32>
      tpu.vector_store %arg21[%swap3A_432], %swap3A_435 {strides = array<i32>} : memref<4096xf32, #tpu.memory_space<vmem>>, vector<16xf32>,
    }
    %scan3A_148 = arith.constant 256 : i32
    %dma_start3A_149 = arith.constant 0 : i32
    %dma_start3A_150 = tpu.memref_slice %arg5[%dma_start3A_149] : memref<16777216xf32, #tpu.memory_space<hbm>> -> memref<16777216xf32, #tpu.memory_space<hbm>>
    tpu.enqueue_indirect_dma source(%arg21 : memref<4096xf32, #tpu.memory_space<vmem>>) target(%dma_start3A_150 : memref<16777216xf32, #tpu.memory_space<hbm>>) offsets(%arg11 : memref<4096xi32, #tpu.memory_space<vmem>>) semaphore(%arg36 : memref<!tpu.dma_semaphore, #tpu.memory_space<semaphore_mem>>)
    %dma_wait3A_151 = arith.constant 0 : i32
    %dma_wait3A_152 = tpu.memref_slice %arg2[%dma_wait3A_151] : memref<1703936xi32, #tpu.memory_space<hbm>> -> memref<4096xi32, #tpu.memory_space<hbm>>
    %dma_wait3A_153 = arith.constant 0 : i32
    %dma_wait3A_154 = tpu.memref_slice %arg2[%dma_wait3A_153] : memref<1703936xi32, #tpu.memory_space<hbm>> -> memref<4096xi32, #tpu.memory_space<hbm>>
    tpu.wait_dma2 semaphore(%arg23 : memref<!tpu.dma_semaphore, #tpu.memory_space<semaphore_mem>>) src(%dma_wait3A_154 : memref<4096xi32, #tpu.memory_space<hbm>>) dst(%arg8 : memref<4096xi32, #tpu.memory_space<vmem>>)
    %dma_wait3A_155 = arith.constant 0 : i32
    %dma_wait3A_156 = tpu.memref_slice %arg3[%dma_wait3A_155] : memref<1703936xf32, #tpu.memory_space<hbm>> -> memref<4096xf32, #tpu.memory_space<hbm>>
    %dma_wait3A_157 = arith.constant 0 : i32
    %dma_wait3A_158 = tpu.memref_slice %arg3[%dma_wait3A_157] : memref<1703936xf32, #tpu.memory_space<hbm>> -> memref<4096xf32, #tpu.memory_space<hbm>>
    tpu.wait_dma2 semaphore(%arg23 : memref<!tpu.dma_semaphore, #tpu.memory_space<semaphore_mem>>) src(%dma_wait3A_158 : memref<4096xf32, #tpu.memory_space<hbm>>) dst(%arg13 : memref<4096xf32, #tpu.memory_space<vmem>>)
    %dma_start3A_159 = arith.constant 0 : i32
    %dma_start3A_160 = tpu.memref_slice %arg4[%dma_start3A_159] : memref<16777216xf32, #tpu.memory_space<hbm>> -> memref<16777216xf32, #tpu.memory_space<hbm>>
    tpu.enqueue_indirect_dma source(%dma_start3A_160 : memref<16777216xf32, #tpu.memory_space<hbm>>) target(%arg18 : memref<4096xf32, #tpu.memory_space<vmem>>) offsets(%arg8 : memref<4096xi32, #tpu.memory_space<vmem>>) semaphore(%arg28 : memref<!tpu.dma_semaphore, #tpu.memory_space<semaphore_mem>>)
    %dma_wait3A_161 = arith.constant 0 : i32
    %dma_wait3A_162 = tpu.memref_slice %arg5[%dma_wait3A_161] : memref<16777216xf32, #tpu.memory_space<hbm>> -> memref<16777216xf32, #tpu.memory_space<hbm>>
    tpu.wait_indirect_dma semaphore(%arg34 : memref<!tpu.dma_semaphore, #tpu.memory_space<semaphore_mem>>) src(%arg19 : memref<4096xf32, #tpu.memory_space<vmem>>) dst(%dma_wait3A_162 : memref<16777216xf32, #tpu.memory_space<hbm>>)
    %add3A_163 = arith.constant 28672 : i32
    %add3A_164 = arith.addi %mul3A_2, %add3A_163 : i32
    %dma_start3A_165 = tpu.memref_slice %arg2[%add3A_164] : memref<1703936xi32, #tpu.memory_space<hbm>> -> memref<4096xi32, #tpu.memory_space<hbm>>
    %dma_start3A_166 = tpu.memref_slice %arg2[%add3A_164] : memref<1703936xi32, #tpu.memory_space<hbm>> -> memref<4096xi32, #tpu.memory_space<hbm>>
    tpu.enqueue_dma source(%dma_start3A_166 : memref<4096xi32, #tpu.memory_space<hbm>>) target(%arg9 : memref<4096xi32, #tpu.memory_space<vmem>>) target_semaphore(%arg24 : memref<!tpu.dma_semaphore, #tpu.memory_space<semaphore_mem>>)
    %dma_start3A_167 = tpu.memref_slice %arg3[%add3A_164] : memref<1703936xf32, #tpu.memory_space<hbm>> -> memref<4096xf32, #tpu.memory_space<hbm>>
    %dma_start3A_168 = tpu.memref_slice %arg3[%add3A_164] : memref<1703936xf32, #tpu.memory_space<hbm>> -> memref<4096xf32, #tpu.memory_space<hbm>>
    tpu.enqueue_dma source(%dma_start3A_168 : memref<4096xf32, #tpu.memory_space<hbm>>) target(%arg14 : memref<4096xf32, #tpu.memory_space<vmem>>) target_semaphore(%arg24 : memref<!tpu.dma_semaphore, #tpu.memory_space<semaphore_mem>>)
    %dma_wait3A_169 = arith.constant 0 : i32
    %dma_wait3A_170 = tpu.memref_slice %arg4[%dma_wait3A_169] : memref<16777216xf32, #tpu.memory_space<hbm>> -> memref<16777216xf32, #tpu.memory_space<hbm>>
    tpu.wait_indirect_dma semaphore(%arg27 : memref<!tpu.dma_semaphore, #tpu.memory_space<semaphore_mem>>) src(%dma_wait3A_170 : memref<16777216xf32, #tpu.memory_space<hbm>>) dst(%arg17 : memref<4096xf32, #tpu.memory_space<vmem>>)
    %scan3A_171 = arith.constant 0 : i32
    %scan3A_172 = arith.constant 256 : i32
    %scan3A_173 = arith.addi %scan3A_171, %scan3A_172 : i32
    %scan3A_174 = arith.constant 4 : i32
    scf.for %scan3A_351 = %scan3A_171 to %scan3A_173 step %scan3A_174  : i32 {
      %mul3A_352 = arith.constant 1 : i32
      %mul3A_353 = arith.muli %scan3A_351, %mul3A_352 : i32
      %add3A_354 = arith.constant 0 : i32
      %add3A_355 = arith.addi %add3A_354, %mul3A_353 : i32
      %mul3A_356 = arith.constant 16 : i32
      %mul3A_357 = arith.muli %add3A_355, %mul3A_356 : i32
      %get3A = arith.index_cast %mul3A_357 : i32 to index
      %get3A_358 = tpu.vector_load %arg17[%get3A] {strides = array<i32>} : memref<4096xf32, #tpu.memory_space<vmem>>, vector<16xf32>,
      %get3A_359 = vector.shape_cast %get3A_358 : vector<16xf32> to vector<16xf32>
      %get3A_360 = arith.index_cast %mul3A_357 : i32 to index
      %get3A_361 = tpu.vector_load %arg12[%get3A_360] {strides = array<i32>} : memref<4096xf32, #tpu.memory_space<vmem>>, vector<16xf32>,
      %get3A_362 = vector.shape_cast %get3A_361 : vector<16xf32> to vector<16xf32>
      %mul3A_363 = arith.constant 1.000000e-01 : f32
      %mul3A_364 = vector.broadcast %mul3A_363 : f32 to vector<16xf32>
      %mul3A_365 = arith.mulf %mul3A_364, %get3A_362 : vector<16xf32>
      %add3A_366 = arith.addf %get3A_359, %mul3A_365 : vector<16xf32>
      %swap3A = arith.index_cast %mul3A_357 : i32 to index
      %swap3A_367 = tpu.vector_load %arg17[%swap3A] {strides = array<i32>} : memref<4096xf32, #tpu.memory_space<vmem>>, vector<16xf32>,
      %swap3A_368 = vector.shape_cast %swap3A_367 : vector<16xf32> to vector<16xf32>
      %swap3A_369 = vector.shape_cast %add3A_366 : vector<16xf32> to vector<16xf32>
      tpu.vector_store %arg17[%swap3A], %swap3A_369 {strides = array<i32>} : memref<4096xf32, #tpu.memory_space<vmem>>, vector<16xf32>,
      %scan3A_370 = arith.constant 1 : i32
      %scan3A_371 = arith.addi %scan3A_351, %scan3A_370 : i32
      %mul3A_372 = arith.constant 1 : i32
      %mul3A_373 = arith.muli %scan3A_371, %mul3A_372 : i32
      %add3A_374 = arith.constant 0 : i32
      %add3A_375 = arith.addi %add3A_374, %mul3A_373 : i32
      %mul3A_376 = arith.constant 16 : i32
      %mul3A_377 = arith.muli %add3A_375, %mul3A_376 : i32
      %get3A_378 = arith.index_cast %mul3A_377 : i32 to index
      %get3A_379 = tpu.vector_load %arg17[%get3A_378] {strides = array<i32>} : memref<4096xf32, #tpu.memory_space<vmem>>, vector<16xf32>,
      %get3A_380 = vector.shape_cast %get3A_379 : vector<16xf32> to vector<16xf32>
      %get3A_381 = arith.index_cast %mul3A_377 : i32 to index
      %get3A_382 = tpu.vector_load %arg12[%get3A_381] {strides = array<i32>} : memref<4096xf32, #tpu.memory_space<vmem>>, vector<16xf32>,
      %get3A_383 = vector.shape_cast %get3A_382 : vector<16xf32> to vector<16xf32>
      %mul3A_384 = arith.constant 1.000000e-01 : f32
      %mul3A_385 = vector.broadcast %mul3A_384 : f32 to vector<16xf32>
      %mul3A_386 = arith.mulf %mul3A_385, %get3A_383 : vector<16xf32>
      %add3A_387 = arith.addf %get3A_380, %mul3A_386 : vector<16xf32>
      %swap3A_388 = arith.index_cast %mul3A_377 : i32 to index
      %swap3A_389 = tpu.vector_load %arg17[%swap3A_388] {strides = array<i32>} : memref<4096xf32, #tpu.memory_space<vmem>>, vector<16xf32>,
      %swap3A_390 = vector.shape_cast %swap3A_389 : vector<16xf32> to vector<16xf32>
      %swap3A_391 = vector.shape_cast %add3A_387 : vector<16xf32> to vector<16xf32>
      tpu.vector_store %arg17[%swap3A_388], %swap3A_391 {strides = array<i32>} : memref<4096xf32, #tpu.memory_space<vmem>>, vector<16xf32>,
      %scan3A_392 = arith.constant 2 : i32
      %scan3A_393 = arith.addi %scan3A_351, %scan3A_392 : i32
      %mul3A_394 = arith.constant 1 : i32
      %mul3A_395 = arith.muli %scan3A_393, %mul3A_394 : i32
      %add3A_396 = arith.constant 0 : i32
      %add3A_397 = arith.addi %add3A_396, %mul3A_395 : i32
      %mul3A_398 = arith.constant 16 : i32
      %mul3A_399 = arith.muli %add3A_397, %mul3A_398 : i32
      %get3A_400 = arith.index_cast %mul3A_399 : i32 to index
      %get3A_401 = tpu.vector_load %arg17[%get3A_400] {strides = array<i32>} : memref<4096xf32, #tpu.memory_space<vmem>>, vector<16xf32>,
      %get3A_402 = vector.shape_cast %get3A_401 : vector<16xf32> to vector<16xf32>
      %get3A_403 = arith.index_cast %mul3A_399 : i32 to index
      %get3A_404 = tpu.vector_load %arg12[%get3A_403] {strides = array<i32>} : memref<4096xf32, #tpu.memory_space<vmem>>, vector<16xf32>,
      %get3A_405 = vector.shape_cast %get3A_404 : vector<16xf32> to vector<16xf32>
      %mul3A_406 = arith.constant 1.000000e-01 : f32
      %mul3A_407 = vector.broadcast %mul3A_406 : f32 to vector<16xf32>
      %mul3A_408 = arith.mulf %mul3A_407, %get3A_405 : vector<16xf32>
      %add3A_409 = arith.addf %get3A_402, %mul3A_408 : vector<16xf32>
      %swap3A_410 = arith.index_cast %mul3A_399 : i32 to index
      %swap3A_411 = tpu.vector_load %arg17[%swap3A_410] {strides = array<i32>} : memref<4096xf32, #tpu.memory_space<vmem>>, vector<16xf32>,
      %swap3A_412 = vector.shape_cast %swap3A_411 : vector<16xf32> to vector<16xf32>
      %swap3A_413 = vector.shape_cast %add3A_409 : vector<16xf32> to vector<16xf32>
      tpu.vector_store %arg17[%swap3A_410], %swap3A_413 {strides = array<i32>} : memref<4096xf32, #tpu.memory_space<vmem>>, vector<16xf32>,
      %scan3A_414 = arith.constant 3 : i32
      %scan3A_415 = arith.addi %scan3A_351, %scan3A_414 : i32
      %mul3A_416 = arith.constant 1 : i32
      %mul3A_417 = arith.muli %scan3A_415, %mul3A_416 : i32
      %add3A_418 = arith.constant 0 : i32
      %add3A_419 = arith.addi %add3A_418, %mul3A_417 : i32
      %mul3A_420 = arith.constant 16 : i32
      %mul3A_421 = arith.muli %add3A_419, %mul3A_420 : i32
      %get3A_422 = arith.index_cast %mul3A_421 : i32 to index
      %get3A_423 = tpu.vector_load %arg17[%get3A_422] {strides = array<i32>} : memref<4096xf32, #tpu.memory_space<vmem>>, vector<16xf32>,
      %get3A_424 = vector.shape_cast %get3A_423 : vector<16xf32> to vector<16xf32>
      %get3A_425 = arith.index_cast %mul3A_421 : i32 to index
      %get3A_426 = tpu.vector_load %arg12[%get3A_425] {strides = array<i32>} : memref<4096xf32, #tpu.memory_space<vmem>>, vector<16xf32>,
      %get3A_427 = vector.shape_cast %get3A_426 : vector<16xf32> to vector<16xf32>
      %mul3A_428 = arith.constant 1.000000e-01 : f32
      %mul3A_429 = vector.broadcast %mul3A_428 : f32 to vector<16xf32>
      %mul3A_430 = arith.mulf %mul3A_429, %get3A_427 : vector<16xf32>
      %add3A_431 = arith.addf %get3A_424, %mul3A_430 : vector<16xf32>
      %swap3A_432 = arith.index_cast %mul3A_421 : i32 to index
      %swap3A_433 = tpu.vector_load %arg17[%swap3A_432] {strides = array<i32>} : memref<4096xf32, #tpu.memory_space<vmem>>, vector<16xf32>,
      %swap3A_434 = vector.shape_cast %swap3A_433 : vector<16xf32> to vector<16xf32>
      %swap3A_435 = vector.shape_cast %add3A_431 : vector<16xf32> to vector<16xf32>
      tpu.vector_store %arg17[%swap3A_432], %swap3A_435 {strides = array<i32>} : memref<4096xf32, #tpu.memory_space<vmem>>, vector<16xf32>,
    }
    %scan3A_175 = arith.constant 256 : i32
    %dma_start3A_176 = arith.constant 0 : i32
    %dma_start3A_177 = tpu.memref_slice %arg5[%dma_start3A_176] : memref<16777216xf32, #tpu.memory_space<hbm>> -> memref<16777216xf32, #tpu.memory_space<hbm>>
    tpu.enqueue_indirect_dma source(%arg17 : memref<4096xf32, #tpu.memory_space<vmem>>) target(%dma_start3A_177 : memref<16777216xf32, #tpu.memory_space<hbm>>) offsets(%arg7 : memref<4096xi32, #tpu.memory_space<vmem>>) semaphore(%arg32 : memref<!tpu.dma_semaphore, #tpu.memory_space<semaphore_mem>>)
    %dma_wait3A_178 = arith.constant 0 : i32
    %dma_wait3A_179 = tpu.memref_slice %arg2[%dma_wait3A_178] : memref<1703936xi32, #tpu.memory_space<hbm>> -> memref<4096xi32, #tpu.memory_space<hbm>>
    %dma_wait3A_180 = arith.constant 0 : i32
    %dma_wait3A_181 = tpu.memref_slice %arg2[%dma_wait3A_180] : memref<1703936xi32, #tpu.memory_space<hbm>> -> memref<4096xi32, #tpu.memory_space<hbm>>
    tpu.wait_dma2 semaphore(%arg24 : memref<!tpu.dma_semaphore, #tpu.memory_space<semaphore_mem>>) src(%dma_wait3A_181 : memref<4096xi32, #tpu.memory_space<hbm>>) dst(%arg9 : memref<4096xi32, #tpu.memory_space<vmem>>)
    %dma_wait3A_182 = arith.constant 0 : i32
    %dma_wait3A_183 = tpu.memref_slice %arg3[%dma_wait3A_182] : memref<1703936xf32, #tpu.memory_space<hbm>> -> memref<4096xf32, #tpu.memory_space<hbm>>
    %dma_wait3A_184 = arith.constant 0 : i32
    %dma_wait3A_185 = tpu.memref_slice %arg3[%dma_wait3A_184] : memref<1703936xf32, #tpu.memory_space<hbm>> -> memref<4096xf32, #tpu.memory_space<hbm>>
    tpu.wait_dma2 semaphore(%arg24 : memref<!tpu.dma_semaphore, #tpu.memory_space<semaphore_mem>>) src(%dma_wait3A_185 : memref<4096xf32, #tpu.memory_space<hbm>>) dst(%arg14 : memref<4096xf32, #tpu.memory_space<vmem>>)
    %dma_start3A_186 = arith.constant 0 : i32
    %dma_start3A_187 = tpu.memref_slice %arg4[%dma_start3A_186] : memref<16777216xf32, #tpu.memory_space<hbm>> -> memref<16777216xf32, #tpu.memory_space<hbm>>
    tpu.enqueue_indirect_dma source(%dma_start3A_187 : memref<16777216xf32, #tpu.memory_space<hbm>>) target(%arg19 : memref<4096xf32, #tpu.memory_space<vmem>>) offsets(%arg9 : memref<4096xi32, #tpu.memory_space<vmem>>) semaphore(%arg29 : memref<!tpu.dma_semaphore, #tpu.memory_space<semaphore_mem>>)
    %dma_wait3A_188 = arith.constant 0 : i32
    %dma_wait3A_189 = tpu.memref_slice %arg5[%dma_wait3A_188] : memref<16777216xf32, #tpu.memory_space<hbm>> -> memref<16777216xf32, #tpu.memory_space<hbm>>
    tpu.wait_indirect_dma semaphore(%arg35 : memref<!tpu.dma_semaphore, #tpu.memory_space<semaphore_mem>>) src(%arg20 : memref<4096xf32, #tpu.memory_space<vmem>>) dst(%dma_wait3A_189 : memref<16777216xf32, #tpu.memory_space<hbm>>)
    %add3A_190 = arith.constant 32768 : i32
    %add3A_191 = arith.addi %mul3A_2, %add3A_190 : i32
    %dma_start3A_192 = tpu.memref_slice %arg2[%add3A_191] : memref<1703936xi32, #tpu.memory_space<hbm>> -> memref<4096xi32, #tpu.memory_space<hbm>>
    %dma_start3A_193 = tpu.memref_slice %arg2[%add3A_191] : memref<1703936xi32, #tpu.memory_space<hbm>> -> memref<4096xi32, #tpu.memory_space<hbm>>
    tpu.enqueue_dma source(%dma_start3A_193 : memref<4096xi32, #tpu.memory_space<hbm>>) target(%arg10 : memref<4096xi32, #tpu.memory_space<vmem>>) target_semaphore(%arg25 : memref<!tpu.dma_semaphore, #tpu.memory_space<semaphore_mem>>)
    %dma_start3A_194 = tpu.memref_slice %arg3[%add3A_191] : memref<1703936xf32, #tpu.memory_space<hbm>> -> memref<4096xf32, #tpu.memory_space<hbm>>
    %dma_start3A_195 = tpu.memref_slice %arg3[%add3A_191] : memref<1703936xf32, #tpu.memory_space<hbm>> -> memref<4096xf32, #tpu.memory_space<hbm>>
    tpu.enqueue_dma source(%dma_start3A_195 : memref<4096xf32, #tpu.memory_space<hbm>>) target(%arg15 : memref<4096xf32, #tpu.memory_space<vmem>>) target_semaphore(%arg25 : memref<!tpu.dma_semaphore, #tpu.memory_space<semaphore_mem>>)
    %dma_wait3A_196 = arith.constant 0 : i32
    %dma_wait3A_197 = tpu.memref_slice %arg4[%dma_wait3A_196] : memref<16777216xf32, #tpu.memory_space<hbm>> -> memref<16777216xf32, #tpu.memory_space<hbm>>
    tpu.wait_indirect_dma semaphore(%arg28 : memref<!tpu.dma_semaphore, #tpu.memory_space<semaphore_mem>>) src(%dma_wait3A_197 : memref<16777216xf32, #tpu.memory_space<hbm>>) dst(%arg18 : memref<4096xf32, #tpu.memory_space<vmem>>)
    %scan3A_198 = arith.constant 0 : i32
    %scan3A_199 = arith.constant 256 : i32
    %scan3A_200 = arith.addi %scan3A_198, %scan3A_199 : i32
    %scan3A_201 = arith.constant 4 : i32
    scf.for %scan3A_351 = %scan3A_198 to %scan3A_200 step %scan3A_201  : i32 {
      %mul3A_352 = arith.constant 1 : i32
      %mul3A_353 = arith.muli %scan3A_351, %mul3A_352 : i32
      %add3A_354 = arith.constant 0 : i32
      %add3A_355 = arith.addi %add3A_354, %mul3A_353 : i32
      %mul3A_356 = arith.constant 16 : i32
      %mul3A_357 = arith.muli %add3A_355, %mul3A_356 : i32
      %get3A = arith.index_cast %mul3A_357 : i32 to index
      %get3A_358 = tpu.vector_load %arg18[%get3A] {strides = array<i32>} : memref<4096xf32, #tpu.memory_space<vmem>>, vector<16xf32>,
      %get3A_359 = vector.shape_cast %get3A_358 : vector<16xf32> to vector<16xf32>
      %get3A_360 = arith.index_cast %mul3A_357 : i32 to index
      %get3A_361 = tpu.vector_load %arg13[%get3A_360] {strides = array<i32>} : memref<4096xf32, #tpu.memory_space<vmem>>, vector<16xf32>,
      %get3A_362 = vector.shape_cast %get3A_361 : vector<16xf32> to vector<16xf32>
      %mul3A_363 = arith.constant 1.000000e-01 : f32
      %mul3A_364 = vector.broadcast %mul3A_363 : f32 to vector<16xf32>
      %mul3A_365 = arith.mulf %mul3A_364, %get3A_362 : vector<16xf32>
      %add3A_366 = arith.addf %get3A_359, %mul3A_365 : vector<16xf32>
      %swap3A = arith.index_cast %mul3A_357 : i32 to index
      %swap3A_367 = tpu.vector_load %arg18[%swap3A] {strides = array<i32>} : memref<4096xf32, #tpu.memory_space<vmem>>, vector<16xf32>,
      %swap3A_368 = vector.shape_cast %swap3A_367 : vector<16xf32> to vector<16xf32>
      %swap3A_369 = vector.shape_cast %add3A_366 : vector<16xf32> to vector<16xf32>
      tpu.vector_store %arg18[%swap3A], %swap3A_369 {strides = array<i32>} : memref<4096xf32, #tpu.memory_space<vmem>>, vector<16xf32>,
      %scan3A_370 = arith.constant 1 : i32
      %scan3A_371 = arith.addi %scan3A_351, %scan3A_370 : i32
      %mul3A_372 = arith.constant 1 : i32
      %mul3A_373 = arith.muli %scan3A_371, %mul3A_372 : i32
      %add3A_374 = arith.constant 0 : i32
      %add3A_375 = arith.addi %add3A_374, %mul3A_373 : i32
      %mul3A_376 = arith.constant 16 : i32
      %mul3A_377 = arith.muli %add3A_375, %mul3A_376 : i32
      %get3A_378 = arith.index_cast %mul3A_377 : i32 to index
      %get3A_379 = tpu.vector_load %arg18[%get3A_378] {strides = array<i32>} : memref<4096xf32, #tpu.memory_space<vmem>>, vector<16xf32>,
      %get3A_380 = vector.shape_cast %get3A_379 : vector<16xf32> to vector<16xf32>
      %get3A_381 = arith.index_cast %mul3A_377 : i32 to index
      %get3A_382 = tpu.vector_load %arg13[%get3A_381] {strides = array<i32>} : memref<4096xf32, #tpu.memory_space<vmem>>, vector<16xf32>,
      %get3A_383 = vector.shape_cast %get3A_382 : vector<16xf32> to vector<16xf32>
      %mul3A_384 = arith.constant 1.000000e-01 : f32
      %mul3A_385 = vector.broadcast %mul3A_384 : f32 to vector<16xf32>
      %mul3A_386 = arith.mulf %mul3A_385, %get3A_383 : vector<16xf32>
      %add3A_387 = arith.addf %get3A_380, %mul3A_386 : vector<16xf32>
      %swap3A_388 = arith.index_cast %mul3A_377 : i32 to index
      %swap3A_389 = tpu.vector_load %arg18[%swap3A_388] {strides = array<i32>} : memref<4096xf32, #tpu.memory_space<vmem>>, vector<16xf32>,
      %swap3A_390 = vector.shape_cast %swap3A_389 : vector<16xf32> to vector<16xf32>
      %swap3A_391 = vector.shape_cast %add3A_387 : vector<16xf32> to vector<16xf32>
      tpu.vector_store %arg18[%swap3A_388], %swap3A_391 {strides = array<i32>} : memref<4096xf32, #tpu.memory_space<vmem>>, vector<16xf32>,
      %scan3A_392 = arith.constant 2 : i32
      %scan3A_393 = arith.addi %scan3A_351, %scan3A_392 : i32
      %mul3A_394 = arith.constant 1 : i32
      %mul3A_395 = arith.muli %scan3A_393, %mul3A_394 : i32
      %add3A_396 = arith.constant 0 : i32
      %add3A_397 = arith.addi %add3A_396, %mul3A_395 : i32
      %mul3A_398 = arith.constant 16 : i32
      %mul3A_399 = arith.muli %add3A_397, %mul3A_398 : i32
      %get3A_400 = arith.index_cast %mul3A_399 : i32 to index
      %get3A_401 = tpu.vector_load %arg18[%get3A_400] {strides = array<i32>} : memref<4096xf32, #tpu.memory_space<vmem>>, vector<16xf32>,
      %get3A_402 = vector.shape_cast %get3A_401 : vector<16xf32> to vector<16xf32>
      %get3A_403 = arith.index_cast %mul3A_399 : i32 to index
      %get3A_404 = tpu.vector_load %arg13[%get3A_403] {strides = array<i32>} : memref<4096xf32, #tpu.memory_space<vmem>>, vector<16xf32>,
      %get3A_405 = vector.shape_cast %get3A_404 : vector<16xf32> to vector<16xf32>
      %mul3A_406 = arith.constant 1.000000e-01 : f32
      %mul3A_407 = vector.broadcast %mul3A_406 : f32 to vector<16xf32>
      %mul3A_408 = arith.mulf %mul3A_407, %get3A_405 : vector<16xf32>
      %add3A_409 = arith.addf %get3A_402, %mul3A_408 : vector<16xf32>
      %swap3A_410 = arith.index_cast %mul3A_399 : i32 to index
      %swap3A_411 = tpu.vector_load %arg18[%swap3A_410] {strides = array<i32>} : memref<4096xf32, #tpu.memory_space<vmem>>, vector<16xf32>,
      %swap3A_412 = vector.shape_cast %swap3A_411 : vector<16xf32> to vector<16xf32>
      %swap3A_413 = vector.shape_cast %add3A_409 : vector<16xf32> to vector<16xf32>
      tpu.vector_store %arg18[%swap3A_410], %swap3A_413 {strides = array<i32>} : memref<4096xf32, #tpu.memory_space<vmem>>, vector<16xf32>,
      %scan3A_414 = arith.constant 3 : i32
      %scan3A_415 = arith.addi %scan3A_351, %scan3A_414 : i32
      %mul3A_416 = arith.constant 1 : i32
      %mul3A_417 = arith.muli %scan3A_415, %mul3A_416 : i32
      %add3A_418 = arith.constant 0 : i32
      %add3A_419 = arith.addi %add3A_418, %mul3A_417 : i32
      %mul3A_420 = arith.constant 16 : i32
      %mul3A_421 = arith.muli %add3A_419, %mul3A_420 : i32
      %get3A_422 = arith.index_cast %mul3A_421 : i32 to index
      %get3A_423 = tpu.vector_load %arg18[%get3A_422] {strides = array<i32>} : memref<4096xf32, #tpu.memory_space<vmem>>, vector<16xf32>,
      %get3A_424 = vector.shape_cast %get3A_423 : vector<16xf32> to vector<16xf32>
      %get3A_425 = arith.index_cast %mul3A_421 : i32 to index
      %get3A_426 = tpu.vector_load %arg13[%get3A_425] {strides = array<i32>} : memref<4096xf32, #tpu.memory_space<vmem>>, vector<16xf32>,
      %get3A_427 = vector.shape_cast %get3A_426 : vector<16xf32> to vector<16xf32>
      %mul3A_428 = arith.constant 1.000000e-01 : f32
      %mul3A_429 = vector.broadcast %mul3A_428 : f32 to vector<16xf32>
      %mul3A_430 = arith.mulf %mul3A_429, %get3A_427 : vector<16xf32>
      %add3A_431 = arith.addf %get3A_424, %mul3A_430 : vector<16xf32>
      %swap3A_432 = arith.index_cast %mul3A_421 : i32 to index
      %swap3A_433 = tpu.vector_load %arg18[%swap3A_432] {strides = array<i32>} : memref<4096xf32, #tpu.memory_space<vmem>>, vector<16xf32>,
      %swap3A_434 = vector.shape_cast %swap3A_433 : vector<16xf32> to vector<16xf32>
      %swap3A_435 = vector.shape_cast %add3A_431 : vector<16xf32> to vector<16xf32>
      tpu.vector_store %arg18[%swap3A_432], %swap3A_435 {strides = array<i32>} : memref<4096xf32, #tpu.memory_space<vmem>>, vector<16xf32>,
    }
    %scan3A_202 = arith.constant 256 : i32
    %dma_start3A_203 = arith.constant 0 : i32
    %dma_start3A_204 = tpu.memref_slice %arg5[%dma_start3A_203] : memref<16777216xf32, #tpu.memory_space<hbm>> -> memref<16777216xf32, #tpu.memory_space<hbm>>
    tpu.enqueue_indirect_dma source(%arg18 : memref<4096xf32, #tpu.memory_space<vmem>>) target(%dma_start3A_204 : memref<16777216xf32, #tpu.memory_space<hbm>>) offsets(%arg8 : memref<4096xi32, #tpu.memory_space<vmem>>) semaphore(%arg33 : memref<!tpu.dma_semaphore, #tpu.memory_space<semaphore_mem>>)
    %dma_wait3A_205 = arith.constant 0 : i32
    %dma_wait3A_206 = tpu.memref_slice %arg2[%dma_wait3A_205] : memref<1703936xi32, #tpu.memory_space<hbm>> -> memref<4096xi32, #tpu.memory_space<hbm>>
    %dma_wait3A_207 = arith.constant 0 : i32
    %dma_wait3A_208 = tpu.memref_slice %arg2[%dma_wait3A_207] : memref<1703936xi32, #tpu.memory_space<hbm>> -> memref<4096xi32, #tpu.memory_space<hbm>>
    tpu.wait_dma2 semaphore(%arg25 : memref<!tpu.dma_semaphore, #tpu.memory_space<semaphore_mem>>) src(%dma_wait3A_208 : memref<4096xi32, #tpu.memory_space<hbm>>) dst(%arg10 : memref<4096xi32, #tpu.memory_space<vmem>>)
    %dma_wait3A_209 = arith.constant 0 : i32
    %dma_wait3A_210 = tpu.memref_slice %arg3[%dma_wait3A_209] : memref<1703936xf32, #tpu.memory_space<hbm>> -> memref<4096xf32, #tpu.memory_space<hbm>>
    %dma_wait3A_211 = arith.constant 0 : i32
    %dma_wait3A_212 = tpu.memref_slice %arg3[%dma_wait3A_211] : memref<1703936xf32, #tpu.memory_space<hbm>> -> memref<4096xf32, #tpu.memory_space<hbm>>
    tpu.wait_dma2 semaphore(%arg25 : memref<!tpu.dma_semaphore, #tpu.memory_space<semaphore_mem>>) src(%dma_wait3A_212 : memref<4096xf32, #tpu.memory_space<hbm>>) dst(%arg15 : memref<4096xf32, #tpu.memory_space<vmem>>)
    %dma_start3A_213 = arith.constant 0 : i32
    %dma_start3A_214 = tpu.memref_slice %arg4[%dma_start3A_213] : memref<16777216xf32, #tpu.memory_space<hbm>> -> memref<16777216xf32, #tpu.memory_space<hbm>>
    tpu.enqueue_indirect_dma source(%dma_start3A_214 : memref<16777216xf32, #tpu.memory_space<hbm>>) target(%arg20 : memref<4096xf32, #tpu.memory_space<vmem>>) offsets(%arg10 : memref<4096xi32, #tpu.memory_space<vmem>>) semaphore(%arg30 : memref<!tpu.dma_semaphore, #tpu.memory_space<semaphore_mem>>)
    %dma_wait3A_215 = arith.constant 0 : i32
    %dma_wait3A_216 = tpu.memref_slice %arg5[%dma_wait3A_215] : memref<16777216xf32, #tpu.memory_space<hbm>> -> memref<16777216xf32, #tpu.memory_space<hbm>>
    tpu.wait_indirect_dma semaphore(%arg36 : memref<!tpu.dma_semaphore, #tpu.memory_space<semaphore_mem>>) src(%arg21 : memref<4096xf32, #tpu.memory_space<vmem>>) dst(%dma_wait3A_216 : memref<16777216xf32, #tpu.memory_space<hbm>>)
    %add3A_217 = arith.constant 36864 : i32
    %add3A_218 = arith.addi %mul3A_2, %add3A_217 : i32
    %dma_start3A_219 = tpu.memref_slice %arg2[%add3A_218] : memref<1703936xi32, #tpu.memory_space<hbm>> -> memref<4096xi32, #tpu.memory_space<hbm>>
    %dma_start3A_220 = tpu.memref_slice %arg2[%add3A_218] : memref<1703936xi32, #tpu.memory_space<hbm>> -> memref<4096xi32, #tpu.memory_space<hbm>>
    tpu.enqueue_dma source(%dma_start3A_220 : memref<4096xi32, #tpu.memory_space<hbm>>) target(%arg11 : memref<4096xi32, #tpu.memory_space<vmem>>) target_semaphore(%arg26 : memref<!tpu.dma_semaphore, #tpu.memory_space<semaphore_mem>>)
    %dma_start3A_221 = tpu.memref_slice %arg3[%add3A_218] : memref<1703936xf32, #tpu.memory_space<hbm>> -> memref<4096xf32, #tpu.memory_space<hbm>>
    %dma_start3A_222 = tpu.memref_slice %arg3[%add3A_218] : memref<1703936xf32, #tpu.memory_space<hbm>> -> memref<4096xf32, #tpu.memory_space<hbm>>
    tpu.enqueue_dma source(%dma_start3A_222 : memref<4096xf32, #tpu.memory_space<hbm>>) target(%arg16 : memref<4096xf32, #tpu.memory_space<vmem>>) target_semaphore(%arg26 : memref<!tpu.dma_semaphore, #tpu.memory_space<semaphore_mem>>)
    %dma_wait3A_223 = arith.constant 0 : i32
    %dma_wait3A_224 = tpu.memref_slice %arg4[%dma_wait3A_223] : memref<16777216xf32, #tpu.memory_space<hbm>> -> memref<16777216xf32, #tpu.memory_space<hbm>>
    tpu.wait_indirect_dma semaphore(%arg29 : memref<!tpu.dma_semaphore, #tpu.memory_space<semaphore_mem>>) src(%dma_wait3A_224 : memref<16777216xf32, #tpu.memory_space<hbm>>) dst(%arg19 : memref<4096xf32, #tpu.memory_space<vmem>>)
    %scan3A_225 = arith.constant 0 : i32
    %scan3A_226 = arith.constant 256 : i32
    %scan3A_227 = arith.addi %scan3A_225, %scan3A_226 : i32
    %scan3A_228 = arith.constant 4 : i32
    scf.for %scan3A_351 = %scan3A_225 to %scan3A_227 step %scan3A_228  : i32 {
      %mul3A_352 = arith.constant 1 : i32
      %mul3A_353 = arith.muli %scan3A_351, %mul3A_352 : i32
      %add3A_354 = arith.constant 0 : i32
      %add3A_355 = arith.addi %add3A_354, %mul3A_353 : i32
      %mul3A_356 = arith.constant 16 : i32
      %mul3A_357 = arith.muli %add3A_355, %mul3A_356 : i32
      %get3A = arith.index_cast %mul3A_357 : i32 to index
      %get3A_358 = tpu.vector_load %arg19[%get3A] {strides = array<i32>} : memref<4096xf32, #tpu.memory_space<vmem>>, vector<16xf32>,
      %get3A_359 = vector.shape_cast %get3A_358 : vector<16xf32> to vector<16xf32>
      %get3A_360 = arith.index_cast %mul3A_357 : i32 to index
      %get3A_361 = tpu.vector_load %arg14[%get3A_360] {strides = array<i32>} : memref<4096xf32, #tpu.memory_space<vmem>>, vector<16xf32>,
      %get3A_362 = vector.shape_cast %get3A_361 : vector<16xf32> to vector<16xf32>
      %mul3A_363 = arith.constant 1.000000e-01 : f32
      %mul3A_364 = vector.broadcast %mul3A_363 : f32 to vector<16xf32>
      %mul3A_365 = arith.mulf %mul3A_364, %get3A_362 : vector<16xf32>
      %add3A_366 = arith.addf %get3A_359, %mul3A_365 : vector<16xf32>
      %swap3A = arith.index_cast %mul3A_357 : i32 to index
      %swap3A_367 = tpu.vector_load %arg19[%swap3A] {strides = array<i32>} : memref<4096xf32, #tpu.memory_space<vmem>>, vector<16xf32>,
      %swap3A_368 = vector.shape_cast %swap3A_367 : vector<16xf32> to vector<16xf32>
      %swap3A_369 = vector.shape_cast %add3A_366 : vector<16xf32> to vector<16xf32>
      tpu.vector_store %arg19[%swap3A], %swap3A_369 {strides = array<i32>} : memref<4096xf32, #tpu.memory_space<vmem>>, vector<16xf32>,
      %scan3A_370 = arith.constant 1 : i32
      %scan3A_371 = arith.addi %scan3A_351, %scan3A_370 : i32
      %mul3A_372 = arith.constant 1 : i32
      %mul3A_373 = arith.muli %scan3A_371, %mul3A_372 : i32
      %add3A_374 = arith.constant 0 : i32
      %add3A_375 = arith.addi %add3A_374, %mul3A_373 : i32
      %mul3A_376 = arith.constant 16 : i32
      %mul3A_377 = arith.muli %add3A_375, %mul3A_376 : i32
      %get3A_378 = arith.index_cast %mul3A_377 : i32 to index
      %get3A_379 = tpu.vector_load %arg19[%get3A_378] {strides = array<i32>} : memref<4096xf32, #tpu.memory_space<vmem>>, vector<16xf32>,
      %get3A_380 = vector.shape_cast %get3A_379 : vector<16xf32> to vector<16xf32>
      %get3A_381 = arith.index_cast %mul3A_377 : i32 to index
      %get3A_382 = tpu.vector_load %arg14[%get3A_381] {strides = array<i32>} : memref<4096xf32, #tpu.memory_space<vmem>>, vector<16xf32>,
      %get3A_383 = vector.shape_cast %get3A_382 : vector<16xf32> to vector<16xf32>
      %mul3A_384 = arith.constant 1.000000e-01 : f32
      %mul3A_385 = vector.broadcast %mul3A_384 : f32 to vector<16xf32>
      %mul3A_386 = arith.mulf %mul3A_385, %get3A_383 : vector<16xf32>
      %add3A_387 = arith.addf %get3A_380, %mul3A_386 : vector<16xf32>
      %swap3A_388 = arith.index_cast %mul3A_377 : i32 to index
      %swap3A_389 = tpu.vector_load %arg19[%swap3A_388] {strides = array<i32>} : memref<4096xf32, #tpu.memory_space<vmem>>, vector<16xf32>,
      %swap3A_390 = vector.shape_cast %swap3A_389 : vector<16xf32> to vector<16xf32>
      %swap3A_391 = vector.shape_cast %add3A_387 : vector<16xf32> to vector<16xf32>
      tpu.vector_store %arg19[%swap3A_388], %swap3A_391 {strides = array<i32>} : memref<4096xf32, #tpu.memory_space<vmem>>, vector<16xf32>,
      %scan3A_392 = arith.constant 2 : i32
      %scan3A_393 = arith.addi %scan3A_351, %scan3A_392 : i32
      %mul3A_394 = arith.constant 1 : i32
      %mul3A_395 = arith.muli %scan3A_393, %mul3A_394 : i32
      %add3A_396 = arith.constant 0 : i32
      %add3A_397 = arith.addi %add3A_396, %mul3A_395 : i32
      %mul3A_398 = arith.constant 16 : i32
      %mul3A_399 = arith.muli %add3A_397, %mul3A_398 : i32
      %get3A_400 = arith.index_cast %mul3A_399 : i32 to index
      %get3A_401 = tpu.vector_load %arg19[%get3A_400] {strides = array<i32>} : memref<4096xf32, #tpu.memory_space<vmem>>, vector<16xf32>,
      %get3A_402 = vector.shape_cast %get3A_401 : vector<16xf32> to vector<16xf32>
      %get3A_403 = arith.index_cast %mul3A_399 : i32 to index
      %get3A_404 = tpu.vector_load %arg14[%get3A_403] {strides = array<i32>} : memref<4096xf32, #tpu.memory_space<vmem>>, vector<16xf32>,
      %get3A_405 = vector.shape_cast %get3A_404 : vector<16xf32> to vector<16xf32>
      %mul3A_406 = arith.constant 1.000000e-01 : f32
      %mul3A_407 = vector.broadcast %mul3A_406 : f32 to vector<16xf32>
      %mul3A_408 = arith.mulf %mul3A_407, %get3A_405 : vector<16xf32>
      %add3A_409 = arith.addf %get3A_402, %mul3A_408 : vector<16xf32>
      %swap3A_410 = arith.index_cast %mul3A_399 : i32 to index
      %swap3A_411 = tpu.vector_load %arg19[%swap3A_410] {strides = array<i32>} : memref<4096xf32, #tpu.memory_space<vmem>>, vector<16xf32>,
      %swap3A_412 = vector.shape_cast %swap3A_411 : vector<16xf32> to vector<16xf32>
      %swap3A_413 = vector.shape_cast %add3A_409 : vector<16xf32> to vector<16xf32>
      tpu.vector_store %arg19[%swap3A_410], %swap3A_413 {strides = array<i32>} : memref<4096xf32, #tpu.memory_space<vmem>>, vector<16xf32>,
      %scan3A_414 = arith.constant 3 : i32
      %scan3A_415 = arith.addi %scan3A_351, %scan3A_414 : i32
      %mul3A_416 = arith.constant 1 : i32
      %mul3A_417 = arith.muli %scan3A_415, %mul3A_416 : i32
      %add3A_418 = arith.constant 0 : i32
      %add3A_419 = arith.addi %add3A_418, %mul3A_417 : i32
      %mul3A_420 = arith.constant 16 : i32
      %mul3A_421 = arith.muli %add3A_419, %mul3A_420 : i32
      %get3A_422 = arith.index_cast %mul3A_421 : i32 to index
      %get3A_423 = tpu.vector_load %arg19[%get3A_422] {strides = array<i32>} : memref<4096xf32, #tpu.memory_space<vmem>>, vector<16xf32>,
      %get3A_424 = vector.shape_cast %get3A_423 : vector<16xf32> to vector<16xf32>
      %get3A_425 = arith.index_cast %mul3A_421 : i32 to index
      %get3A_426 = tpu.vector_load %arg14[%get3A_425] {strides = array<i32>} : memref<4096xf32, #tpu.memory_space<vmem>>, vector<16xf32>,
      %get3A_427 = vector.shape_cast %get3A_426 : vector<16xf32> to vector<16xf32>
      %mul3A_428 = arith.constant 1.000000e-01 : f32
      %mul3A_429 = vector.broadcast %mul3A_428 : f32 to vector<16xf32>
      %mul3A_430 = arith.mulf %mul3A_429, %get3A_427 : vector<16xf32>
      %add3A_431 = arith.addf %get3A_424, %mul3A_430 : vector<16xf32>
      %swap3A_432 = arith.index_cast %mul3A_421 : i32 to index
      %swap3A_433 = tpu.vector_load %arg19[%swap3A_432] {strides = array<i32>} : memref<4096xf32, #tpu.memory_space<vmem>>, vector<16xf32>,
      %swap3A_434 = vector.shape_cast %swap3A_433 : vector<16xf32> to vector<16xf32>
      %swap3A_435 = vector.shape_cast %add3A_431 : vector<16xf32> to vector<16xf32>
      tpu.vector_store %arg19[%swap3A_432], %swap3A_435 {strides = array<i32>} : memref<4096xf32, #tpu.memory_space<vmem>>, vector<16xf32>,
    }
    %scan3A_229 = arith.constant 256 : i32
    %dma_start3A_230 = arith.constant 0 : i32
    %dma_start3A_231 = tpu.memref_slice %arg5[%dma_start3A_230] : memref<16777216xf32, #tpu.memory_space<hbm>> -> memref<16777216xf32, #tpu.memory_space<hbm>>
    tpu.enqueue_indirect_dma source(%arg19 : memref<4096xf32, #tpu.memory_space<vmem>>) target(%dma_start3A_231 : memref<16777216xf32, #tpu.memory_space<hbm>>) offsets(%arg9 : memref<4096xi32, #tpu.memory_space<vmem>>) semaphore(%arg34 : memref<!tpu.dma_semaphore, #tpu.memory_space<semaphore_mem>>)
    %dma_wait3A_232 = arith.constant 0 : i32
    %dma_wait3A_233 = tpu.memref_slice %arg2[%dma_wait3A_232] : memref<1703936xi32, #tpu.memory_space<hbm>> -> memref<4096xi32, #tpu.memory_space<hbm>>
    %dma_wait3A_234 = arith.constant 0 : i32
    %dma_wait3A_235 = tpu.memref_slice %arg2[%dma_wait3A_234] : memref<1703936xi32, #tpu.memory_space<hbm>> -> memref<4096xi32, #tpu.memory_space<hbm>>
    tpu.wait_dma2 semaphore(%arg26 : memref<!tpu.dma_semaphore, #tpu.memory_space<semaphore_mem>>) src(%dma_wait3A_235 : memref<4096xi32, #tpu.memory_space<hbm>>) dst(%arg11 : memref<4096xi32, #tpu.memory_space<vmem>>)
    %dma_wait3A_236 = arith.constant 0 : i32
    %dma_wait3A_237 = tpu.memref_slice %arg3[%dma_wait3A_236] : memref<1703936xf32, #tpu.memory_space<hbm>> -> memref<4096xf32, #tpu.memory_space<hbm>>
    %dma_wait3A_238 = arith.constant 0 : i32
    %dma_wait3A_239 = tpu.memref_slice %arg3[%dma_wait3A_238] : memref<1703936xf32, #tpu.memory_space<hbm>> -> memref<4096xf32, #tpu.memory_space<hbm>>
    tpu.wait_dma2 semaphore(%arg26 : memref<!tpu.dma_semaphore, #tpu.memory_space<semaphore_mem>>) src(%dma_wait3A_239 : memref<4096xf32, #tpu.memory_space<hbm>>) dst(%arg16 : memref<4096xf32, #tpu.memory_space<vmem>>)
    %dma_start3A_240 = arith.constant 0 : i32
    %dma_start3A_241 = tpu.memref_slice %arg4[%dma_start3A_240] : memref<16777216xf32, #tpu.memory_space<hbm>> -> memref<16777216xf32, #tpu.memory_space<hbm>>
    tpu.enqueue_indirect_dma source(%dma_start3A_241 : memref<16777216xf32, #tpu.memory_space<hbm>>) target(%arg21 : memref<4096xf32, #tpu.memory_space<vmem>>) offsets(%arg11 : memref<4096xi32, #tpu.memory_space<vmem>>) semaphore(%arg31 : memref<!tpu.dma_semaphore, #tpu.memory_space<semaphore_mem>>)
    %dma_wait3A_242 = arith.constant 0 : i32
    %dma_wait3A_243 = tpu.memref_slice %arg5[%dma_wait3A_242] : memref<16777216xf32, #tpu.memory_space<hbm>> -> memref<16777216xf32, #tpu.memory_space<hbm>>
    tpu.wait_indirect_dma semaphore(%arg32 : memref<!tpu.dma_semaphore, #tpu.memory_space<semaphore_mem>>) src(%arg17 : memref<4096xf32, #tpu.memory_space<vmem>>) dst(%dma_wait3A_243 : memref<16777216xf32, #tpu.memory_space<hbm>>)
    %add3A_244 = arith.constant 40960 : i32
    %add3A_245 = arith.addi %mul3A_2, %add3A_244 : i32
    %dma_start3A_246 = tpu.memref_slice %arg2[%add3A_245] : memref<1703936xi32, #tpu.memory_space<hbm>> -> memref<4096xi32, #tpu.memory_space<hbm>>
    %dma_start3A_247 = tpu.memref_slice %arg2[%add3A_245] : memref<1703936xi32, #tpu.memory_space<hbm>> -> memref<4096xi32, #tpu.memory_space<hbm>>
    tpu.enqueue_dma source(%dma_start3A_247 : memref<4096xi32, #tpu.memory_space<hbm>>) target(%arg7 : memref<4096xi32, #tpu.memory_space<vmem>>) target_semaphore(%arg22 : memref<!tpu.dma_semaphore, #tpu.memory_space<semaphore_mem>>)
    %dma_start3A_248 = tpu.memref_slice %arg3[%add3A_245] : memref<1703936xf32, #tpu.memory_space<hbm>> -> memref<4096xf32, #tpu.memory_space<hbm>>
    %dma_start3A_249 = tpu.memref_slice %arg3[%add3A_245] : memref<1703936xf32, #tpu.memory_space<hbm>> -> memref<4096xf32, #tpu.memory_space<hbm>>
    tpu.enqueue_dma source(%dma_start3A_249 : memref<4096xf32, #tpu.memory_space<hbm>>) target(%arg12 : memref<4096xf32, #tpu.memory_space<vmem>>) target_semaphore(%arg22 : memref<!tpu.dma_semaphore, #tpu.memory_space<semaphore_mem>>)
    %dma_wait3A_250 = arith.constant 0 : i32
    %dma_wait3A_251 = tpu.memref_slice %arg4[%dma_wait3A_250] : memref<16777216xf32, #tpu.memory_space<hbm>> -> memref<16777216xf32, #tpu.memory_space<hbm>>
    tpu.wait_indirect_dma semaphore(%arg30 : memref<!tpu.dma_semaphore, #tpu.memory_space<semaphore_mem>>) src(%dma_wait3A_251 : memref<16777216xf32, #tpu.memory_space<hbm>>) dst(%arg20 : memref<4096xf32, #tpu.memory_space<vmem>>)
    %scan3A_252 = arith.constant 0 : i32
    %scan3A_253 = arith.constant 256 : i32
    %scan3A_254 = arith.addi %scan3A_252, %scan3A_253 : i32
    %scan3A_255 = arith.constant 4 : i32
    scf.for %scan3A_351 = %scan3A_252 to %scan3A_254 step %scan3A_255  : i32 {
      %mul3A_352 = arith.constant 1 : i32
      %mul3A_353 = arith.muli %scan3A_351, %mul3A_352 : i32
      %add3A_354 = arith.constant 0 : i32
      %add3A_355 = arith.addi %add3A_354, %mul3A_353 : i32
      %mul3A_356 = arith.constant 16 : i32
      %mul3A_357 = arith.muli %add3A_355, %mul3A_356 : i32
      %get3A = arith.index_cast %mul3A_357 : i32 to index
      %get3A_358 = tpu.vector_load %arg20[%get3A] {strides = array<i32>} : memref<4096xf32, #tpu.memory_space<vmem>>, vector<16xf32>,
      %get3A_359 = vector.shape_cast %get3A_358 : vector<16xf32> to vector<16xf32>
      %get3A_360 = arith.index_cast %mul3A_357 : i32 to index
      %get3A_361 = tpu.vector_load %arg15[%get3A_360] {strides = array<i32>} : memref<4096xf32, #tpu.memory_space<vmem>>, vector<16xf32>,
      %get3A_362 = vector.shape_cast %get3A_361 : vector<16xf32> to vector<16xf32>
      %mul3A_363 = arith.constant 1.000000e-01 : f32
      %mul3A_364 = vector.broadcast %mul3A_363 : f32 to vector<16xf32>
      %mul3A_365 = arith.mulf %mul3A_364, %get3A_362 : vector<16xf32>
      %add3A_366 = arith.addf %get3A_359, %mul3A_365 : vector<16xf32>
      %swap3A = arith.index_cast %mul3A_357 : i32 to index
      %swap3A_367 = tpu.vector_load %arg20[%swap3A] {strides = array<i32>} : memref<4096xf32, #tpu.memory_space<vmem>>, vector<16xf32>,
      %swap3A_368 = vector.shape_cast %swap3A_367 : vector<16xf32> to vector<16xf32>
      %swap3A_369 = vector.shape_cast %add3A_366 : vector<16xf32> to vector<16xf32>
      tpu.vector_store %arg20[%swap3A], %swap3A_369 {strides = array<i32>} : memref<4096xf32, #tpu.memory_space<vmem>>, vector<16xf32>,
      %scan3A_370 = arith.constant 1 : i32
      %scan3A_371 = arith.addi %scan3A_351, %scan3A_370 : i32
      %mul3A_372 = arith.constant 1 : i32
      %mul3A_373 = arith.muli %scan3A_371, %mul3A_372 : i32
      %add3A_374 = arith.constant 0 : i32
      %add3A_375 = arith.addi %add3A_374, %mul3A_373 : i32
      %mul3A_376 = arith.constant 16 : i32
      %mul3A_377 = arith.muli %add3A_375, %mul3A_376 : i32
      %get3A_378 = arith.index_cast %mul3A_377 : i32 to index
      %get3A_379 = tpu.vector_load %arg20[%get3A_378] {strides = array<i32>} : memref<4096xf32, #tpu.memory_space<vmem>>, vector<16xf32>,
      %get3A_380 = vector.shape_cast %get3A_379 : vector<16xf32> to vector<16xf32>
      %get3A_381 = arith.index_cast %mul3A_377 : i32 to index
      %get3A_382 = tpu.vector_load %arg15[%get3A_381] {strides = array<i32>} : memref<4096xf32, #tpu.memory_space<vmem>>, vector<16xf32>,
      %get3A_383 = vector.shape_cast %get3A_382 : vector<16xf32> to vector<16xf32>
      %mul3A_384 = arith.constant 1.000000e-01 : f32
      %mul3A_385 = vector.broadcast %mul3A_384 : f32 to vector<16xf32>
      %mul3A_386 = arith.mulf %mul3A_385, %get3A_383 : vector<16xf32>
      %add3A_387 = arith.addf %get3A_380, %mul3A_386 : vector<16xf32>
      %swap3A_388 = arith.index_cast %mul3A_377 : i32 to index
      %swap3A_389 = tpu.vector_load %arg20[%swap3A_388] {strides = array<i32>} : memref<4096xf32, #tpu.memory_space<vmem>>, vector<16xf32>,
      %swap3A_390 = vector.shape_cast %swap3A_389 : vector<16xf32> to vector<16xf32>
      %swap3A_391 = vector.shape_cast %add3A_387 : vector<16xf32> to vector<16xf32>
      tpu.vector_store %arg20[%swap3A_388], %swap3A_391 {strides = array<i32>} : memref<4096xf32, #tpu.memory_space<vmem>>, vector<16xf32>,
      %scan3A_392 = arith.constant 2 : i32
      %scan3A_393 = arith.addi %scan3A_351, %scan3A_392 : i32
      %mul3A_394 = arith.constant 1 : i32
      %mul3A_395 = arith.muli %scan3A_393, %mul3A_394 : i32
      %add3A_396 = arith.constant 0 : i32
      %add3A_397 = arith.addi %add3A_396, %mul3A_395 : i32
      %mul3A_398 = arith.constant 16 : i32
      %mul3A_399 = arith.muli %add3A_397, %mul3A_398 : i32
      %get3A_400 = arith.index_cast %mul3A_399 : i32 to index
      %get3A_401 = tpu.vector_load %arg20[%get3A_400] {strides = array<i32>} : memref<4096xf32, #tpu.memory_space<vmem>>, vector<16xf32>,
      %get3A_402 = vector.shape_cast %get3A_401 : vector<16xf32> to vector<16xf32>
      %get3A_403 = arith.index_cast %mul3A_399 : i32 to index
      %get3A_404 = tpu.vector_load %arg15[%get3A_403] {strides = array<i32>} : memref<4096xf32, #tpu.memory_space<vmem>>, vector<16xf32>,
      %get3A_405 = vector.shape_cast %get3A_404 : vector<16xf32> to vector<16xf32>
      %mul3A_406 = arith.constant 1.000000e-01 : f32
      %mul3A_407 = vector.broadcast %mul3A_406 : f32 to vector<16xf32>
      %mul3A_408 = arith.mulf %mul3A_407, %get3A_405 : vector<16xf32>
      %add3A_409 = arith.addf %get3A_402, %mul3A_408 : vector<16xf32>
      %swap3A_410 = arith.index_cast %mul3A_399 : i32 to index
      %swap3A_411 = tpu.vector_load %arg20[%swap3A_410] {strides = array<i32>} : memref<4096xf32, #tpu.memory_space<vmem>>, vector<16xf32>,
      %swap3A_412 = vector.shape_cast %swap3A_411 : vector<16xf32> to vector<16xf32>
      %swap3A_413 = vector.shape_cast %add3A_409 : vector<16xf32> to vector<16xf32>
      tpu.vector_store %arg20[%swap3A_410], %swap3A_413 {strides = array<i32>} : memref<4096xf32, #tpu.memory_space<vmem>>, vector<16xf32>,
      %scan3A_414 = arith.constant 3 : i32
      %scan3A_415 = arith.addi %scan3A_351, %scan3A_414 : i32
      %mul3A_416 = arith.constant 1 : i32
      %mul3A_417 = arith.muli %scan3A_415, %mul3A_416 : i32
      %add3A_418 = arith.constant 0 : i32
      %add3A_419 = arith.addi %add3A_418, %mul3A_417 : i32
      %mul3A_420 = arith.constant 16 : i32
      %mul3A_421 = arith.muli %add3A_419, %mul3A_420 : i32
      %get3A_422 = arith.index_cast %mul3A_421 : i32 to index
      %get3A_423 = tpu.vector_load %arg20[%get3A_422] {strides = array<i32>} : memref<4096xf32, #tpu.memory_space<vmem>>, vector<16xf32>,
      %get3A_424 = vector.shape_cast %get3A_423 : vector<16xf32> to vector<16xf32>
      %get3A_425 = arith.index_cast %mul3A_421 : i32 to index
      %get3A_426 = tpu.vector_load %arg15[%get3A_425] {strides = array<i32>} : memref<4096xf32, #tpu.memory_space<vmem>>, vector<16xf32>,
      %get3A_427 = vector.shape_cast %get3A_426 : vector<16xf32> to vector<16xf32>
      %mul3A_428 = arith.constant 1.000000e-01 : f32
      %mul3A_429 = vector.broadcast %mul3A_428 : f32 to vector<16xf32>
      %mul3A_430 = arith.mulf %mul3A_429, %get3A_427 : vector<16xf32>
      %add3A_431 = arith.addf %get3A_424, %mul3A_430 : vector<16xf32>
      %swap3A_432 = arith.index_cast %mul3A_421 : i32 to index
      %swap3A_433 = tpu.vector_load %arg20[%swap3A_432] {strides = array<i32>} : memref<4096xf32, #tpu.memory_space<vmem>>, vector<16xf32>,
      %swap3A_434 = vector.shape_cast %swap3A_433 : vector<16xf32> to vector<16xf32>
      %swap3A_435 = vector.shape_cast %add3A_431 : vector<16xf32> to vector<16xf32>
      tpu.vector_store %arg20[%swap3A_432], %swap3A_435 {strides = array<i32>} : memref<4096xf32, #tpu.memory_space<vmem>>, vector<16xf32>,
    }
    %scan3A_256 = arith.constant 256 : i32
    %dma_start3A_257 = arith.constant 0 : i32
    %dma_start3A_258 = tpu.memref_slice %arg5[%dma_start3A_257] : memref<16777216xf32, #tpu.memory_space<hbm>> -> memref<16777216xf32, #tpu.memory_space<hbm>>
    tpu.enqueue_indirect_dma source(%arg20 : memref<4096xf32, #tpu.memory_space<vmem>>) target(%dma_start3A_258 : memref<16777216xf32, #tpu.memory_space<hbm>>) offsets(%arg10 : memref<4096xi32, #tpu.memory_space<vmem>>) semaphore(%arg35 : memref<!tpu.dma_semaphore, #tpu.memory_space<semaphore_mem>>)
    %dma_wait3A_259 = arith.constant 0 : i32
    %dma_wait3A_260 = tpu.memref_slice %arg2[%dma_wait3A_259] : memref<1703936xi32, #tpu.memory_space<hbm>> -> memref<4096xi32, #tpu.memory_space<hbm>>
    %dma_wait3A_261 = arith.constant 0 : i32
    %dma_wait3A_262 = tpu.memref_slice %arg2[%dma_wait3A_261] : memref<1703936xi32, #tpu.memory_space<hbm>> -> memref<4096xi32, #tpu.memory_space<hbm>>
    tpu.wait_dma2 semaphore(%arg22 : memref<!tpu.dma_semaphore, #tpu.memory_space<semaphore_mem>>) src(%dma_wait3A_262 : memref<4096xi32, #tpu.memory_space<hbm>>) dst(%arg7 : memref<4096xi32, #tpu.memory_space<vmem>>)
    %dma_wait3A_263 = arith.constant 0 : i32
    %dma_wait3A_264 = tpu.memref_slice %arg3[%dma_wait3A_263] : memref<1703936xf32, #tpu.memory_space<hbm>> -> memref<4096xf32, #tpu.memory_space<hbm>>
    %dma_wait3A_265 = arith.constant 0 : i32
    %dma_wait3A_266 = tpu.memref_slice %arg3[%dma_wait3A_265] : memref<1703936xf32, #tpu.memory_space<hbm>> -> memref<4096xf32, #tpu.memory_space<hbm>>
    tpu.wait_dma2 semaphore(%arg22 : memref<!tpu.dma_semaphore, #tpu.memory_space<semaphore_mem>>) src(%dma_wait3A_266 : memref<4096xf32, #tpu.memory_space<hbm>>) dst(%arg12 : memref<4096xf32, #tpu.memory_space<vmem>>)
    %dma_start3A_267 = arith.constant 0 : i32
    %dma_start3A_268 = tpu.memref_slice %arg4[%dma_start3A_267] : memref<16777216xf32, #tpu.memory_space<hbm>> -> memref<16777216xf32, #tpu.memory_space<hbm>>
    tpu.enqueue_indirect_dma source(%dma_start3A_268 : memref<16777216xf32, #tpu.memory_space<hbm>>) target(%arg17 : memref<4096xf32, #tpu.memory_space<vmem>>) offsets(%arg7 : memref<4096xi32, #tpu.memory_space<vmem>>) semaphore(%arg27 : memref<!tpu.dma_semaphore, #tpu.memory_space<semaphore_mem>>)
    %dma_wait3A_269 = arith.constant 0 : i32
    %dma_wait3A_270 = tpu.memref_slice %arg5[%dma_wait3A_269] : memref<16777216xf32, #tpu.memory_space<hbm>> -> memref<16777216xf32, #tpu.memory_space<hbm>>
    tpu.wait_indirect_dma semaphore(%arg33 : memref<!tpu.dma_semaphore, #tpu.memory_space<semaphore_mem>>) src(%arg18 : memref<4096xf32, #tpu.memory_space<vmem>>) dst(%dma_wait3A_270 : memref<16777216xf32, #tpu.memory_space<hbm>>)
    %add3A_271 = arith.constant 45056 : i32
    %add3A_272 = arith.addi %mul3A_2, %add3A_271 : i32
    %dma_start3A_273 = tpu.memref_slice %arg2[%add3A_272] : memref<1703936xi32, #tpu.memory_space<hbm>> -> memref<4096xi32, #tpu.memory_space<hbm>>
    %dma_start3A_274 = tpu.memref_slice %arg2[%add3A_272] : memref<1703936xi32, #tpu.memory_space<hbm>> -> memref<4096xi32, #tpu.memory_space<hbm>>
    tpu.enqueue_dma source(%dma_start3A_274 : memref<4096xi32, #tpu.memory_space<hbm>>) target(%arg8 : memref<4096xi32, #tpu.memory_space<vmem>>) target_semaphore(%arg23 : memref<!tpu.dma_semaphore, #tpu.memory_space<semaphore_mem>>)
    %dma_start3A_275 = tpu.memref_slice %arg3[%add3A_272] : memref<1703936xf32, #tpu.memory_space<hbm>> -> memref<4096xf32, #tpu.memory_space<hbm>>
    %dma_start3A_276 = tpu.memref_slice %arg3[%add3A_272] : memref<1703936xf32, #tpu.memory_space<hbm>> -> memref<4096xf32, #tpu.memory_space<hbm>>
    tpu.enqueue_dma source(%dma_start3A_276 : memref<4096xf32, #tpu.memory_space<hbm>>) target(%arg13 : memref<4096xf32, #tpu.memory_space<vmem>>) target_semaphore(%arg23 : memref<!tpu.dma_semaphore, #tpu.memory_space<semaphore_mem>>)
    %dma_wait3A_277 = arith.constant 0 : i32
    %dma_wait3A_278 = tpu.memref_slice %arg4[%dma_wait3A_277] : memref<16777216xf32, #tpu.memory_space<hbm>> -> memref<16777216xf32, #tpu.memory_space<hbm>>
    tpu.wait_indirect_dma semaphore(%arg31 : memref<!tpu.dma_semaphore, #tpu.memory_space<semaphore_mem>>) src(%dma_wait3A_278 : memref<16777216xf32, #tpu.memory_space<hbm>>) dst(%arg21 : memref<4096xf32, #tpu.memory_space<vmem>>)
    %scan3A_279 = arith.constant 0 : i32
    %scan3A_280 = arith.constant 256 : i32
    %scan3A_281 = arith.addi %scan3A_279, %scan3A_280 : i32
    %scan3A_282 = arith.constant 4 : i32
    scf.for %scan3A_351 = %scan3A_279 to %scan3A_281 step %scan3A_282  : i32 {
      %mul3A_352 = arith.constant 1 : i32
      %mul3A_353 = arith.muli %scan3A_351, %mul3A_352 : i32
      %add3A_354 = arith.constant 0 : i32
      %add3A_355 = arith.addi %add3A_354, %mul3A_353 : i32
      %mul3A_356 = arith.constant 16 : i32
      %mul3A_357 = arith.muli %add3A_355, %mul3A_356 : i32
      %get3A = arith.index_cast %mul3A_357 : i32 to index
      %get3A_358 = tpu.vector_load %arg21[%get3A] {strides = array<i32>} : memref<4096xf32, #tpu.memory_space<vmem>>, vector<16xf32>,
      %get3A_359 = vector.shape_cast %get3A_358 : vector<16xf32> to vector<16xf32>
      %get3A_360 = arith.index_cast %mul3A_357 : i32 to index
      %get3A_361 = tpu.vector_load %arg16[%get3A_360] {strides = array<i32>} : memref<4096xf32, #tpu.memory_space<vmem>>, vector<16xf32>,
      %get3A_362 = vector.shape_cast %get3A_361 : vector<16xf32> to vector<16xf32>
      %mul3A_363 = arith.constant 1.000000e-01 : f32
      %mul3A_364 = vector.broadcast %mul3A_363 : f32 to vector<16xf32>
      %mul3A_365 = arith.mulf %mul3A_364, %get3A_362 : vector<16xf32>
      %add3A_366 = arith.addf %get3A_359, %mul3A_365 : vector<16xf32>
      %swap3A = arith.index_cast %mul3A_357 : i32 to index
      %swap3A_367 = tpu.vector_load %arg21[%swap3A] {strides = array<i32>} : memref<4096xf32, #tpu.memory_space<vmem>>, vector<16xf32>,
      %swap3A_368 = vector.shape_cast %swap3A_367 : vector<16xf32> to vector<16xf32>
      %swap3A_369 = vector.shape_cast %add3A_366 : vector<16xf32> to vector<16xf32>
      tpu.vector_store %arg21[%swap3A], %swap3A_369 {strides = array<i32>} : memref<4096xf32, #tpu.memory_space<vmem>>, vector<16xf32>,
      %scan3A_370 = arith.constant 1 : i32
      %scan3A_371 = arith.addi %scan3A_351, %scan3A_370 : i32
      %mul3A_372 = arith.constant 1 : i32
      %mul3A_373 = arith.muli %scan3A_371, %mul3A_372 : i32
      %add3A_374 = arith.constant 0 : i32
      %add3A_375 = arith.addi %add3A_374, %mul3A_373 : i32
      %mul3A_376 = arith.constant 16 : i32
      %mul3A_377 = arith.muli %add3A_375, %mul3A_376 : i32
      %get3A_378 = arith.index_cast %mul3A_377 : i32 to index
      %get3A_379 = tpu.vector_load %arg21[%get3A_378] {strides = array<i32>} : memref<4096xf32, #tpu.memory_space<vmem>>, vector<16xf32>,
      %get3A_380 = vector.shape_cast %get3A_379 : vector<16xf32> to vector<16xf32>
      %get3A_381 = arith.index_cast %mul3A_377 : i32 to index
      %get3A_382 = tpu.vector_load %arg16[%get3A_381] {strides = array<i32>} : memref<4096xf32, #tpu.memory_space<vmem>>, vector<16xf32>,
      %get3A_383 = vector.shape_cast %get3A_382 : vector<16xf32> to vector<16xf32>
      %mul3A_384 = arith.constant 1.000000e-01 : f32
      %mul3A_385 = vector.broadcast %mul3A_384 : f32 to vector<16xf32>
      %mul3A_386 = arith.mulf %mul3A_385, %get3A_383 : vector<16xf32>
      %add3A_387 = arith.addf %get3A_380, %mul3A_386 : vector<16xf32>
      %swap3A_388 = arith.index_cast %mul3A_377 : i32 to index
      %swap3A_389 = tpu.vector_load %arg21[%swap3A_388] {strides = array<i32>} : memref<4096xf32, #tpu.memory_space<vmem>>, vector<16xf32>,
      %swap3A_390 = vector.shape_cast %swap3A_389 : vector<16xf32> to vector<16xf32>
      %swap3A_391 = vector.shape_cast %add3A_387 : vector<16xf32> to vector<16xf32>
      tpu.vector_store %arg21[%swap3A_388], %swap3A_391 {strides = array<i32>} : memref<4096xf32, #tpu.memory_space<vmem>>, vector<16xf32>,
      %scan3A_392 = arith.constant 2 : i32
      %scan3A_393 = arith.addi %scan3A_351, %scan3A_392 : i32
      %mul3A_394 = arith.constant 1 : i32
      %mul3A_395 = arith.muli %scan3A_393, %mul3A_394 : i32
      %add3A_396 = arith.constant 0 : i32
      %add3A_397 = arith.addi %add3A_396, %mul3A_395 : i32
      %mul3A_398 = arith.constant 16 : i32
      %mul3A_399 = arith.muli %add3A_397, %mul3A_398 : i32
      %get3A_400 = arith.index_cast %mul3A_399 : i32 to index
      %get3A_401 = tpu.vector_load %arg21[%get3A_400] {strides = array<i32>} : memref<4096xf32, #tpu.memory_space<vmem>>, vector<16xf32>,
      %get3A_402 = vector.shape_cast %get3A_401 : vector<16xf32> to vector<16xf32>
      %get3A_403 = arith.index_cast %mul3A_399 : i32 to index
      %get3A_404 = tpu.vector_load %arg16[%get3A_403] {strides = array<i32>} : memref<4096xf32, #tpu.memory_space<vmem>>, vector<16xf32>,
      %get3A_405 = vector.shape_cast %get3A_404 : vector<16xf32> to vector<16xf32>
      %mul3A_406 = arith.constant 1.000000e-01 : f32
      %mul3A_407 = vector.broadcast %mul3A_406 : f32 to vector<16xf32>
      %mul3A_408 = arith.mulf %mul3A_407, %get3A_405 : vector<16xf32>
      %add3A_409 = arith.addf %get3A_402, %mul3A_408 : vector<16xf32>
      %swap3A_410 = arith.index_cast %mul3A_399 : i32 to index
      %swap3A_411 = tpu.vector_load %arg21[%swap3A_410] {strides = array<i32>} : memref<4096xf32, #tpu.memory_space<vmem>>, vector<16xf32>,
      %swap3A_412 = vector.shape_cast %swap3A_411 : vector<16xf32> to vector<16xf32>
      %swap3A_413 = vector.shape_cast %add3A_409 : vector<16xf32> to vector<16xf32>
      tpu.vector_store %arg21[%swap3A_410], %swap3A_413 {strides = array<i32>} : memref<4096xf32, #tpu.memory_space<vmem>>, vector<16xf32>,
      %scan3A_414 = arith.constant 3 : i32
      %scan3A_415 = arith.addi %scan3A_351, %scan3A_414 : i32
      %mul3A_416 = arith.constant 1 : i32
      %mul3A_417 = arith.muli %scan3A_415, %mul3A_416 : i32
      %add3A_418 = arith.constant 0 : i32
      %add3A_419 = arith.addi %add3A_418, %mul3A_417 : i32
      %mul3A_420 = arith.constant 16 : i32
      %mul3A_421 = arith.muli %add3A_419, %mul3A_420 : i32
      %get3A_422 = arith.index_cast %mul3A_421 : i32 to index
      %get3A_423 = tpu.vector_load %arg21[%get3A_422] {strides = array<i32>} : memref<4096xf32, #tpu.memory_space<vmem>>, vector<16xf32>,
      %get3A_424 = vector.shape_cast %get3A_423 : vector<16xf32> to vector<16xf32>
      %get3A_425 = arith.index_cast %mul3A_421 : i32 to index
      %get3A_426 = tpu.vector_load %arg16[%get3A_425] {strides = array<i32>} : memref<4096xf32, #tpu.memory_space<vmem>>, vector<16xf32>,
      %get3A_427 = vector.shape_cast %get3A_426 : vector<16xf32> to vector<16xf32>
      %mul3A_428 = arith.constant 1.000000e-01 : f32
      %mul3A_429 = vector.broadcast %mul3A_428 : f32 to vector<16xf32>
      %mul3A_430 = arith.mulf %mul3A_429, %get3A_427 : vector<16xf32>
      %add3A_431 = arith.addf %get3A_424, %mul3A_430 : vector<16xf32>
      %swap3A_432 = arith.index_cast %mul3A_421 : i32 to index
      %swap3A_433 = tpu.vector_load %arg21[%swap3A_432] {strides = array<i32>} : memref<4096xf32, #tpu.memory_space<vmem>>, vector<16xf32>,
      %swap3A_434 = vector.shape_cast %swap3A_433 : vector<16xf32> to vector<16xf32>
      %swap3A_435 = vector.shape_cast %add3A_431 : vector<16xf32> to vector<16xf32>
      tpu.vector_store %arg21[%swap3A_432], %swap3A_435 {strides = array<i32>} : memref<4096xf32, #tpu.memory_space<vmem>>, vector<16xf32>,
    }
    %scan3A_283 = arith.constant 256 : i32
    %dma_start3A_284 = arith.constant 0 : i32
    %dma_start3A_285 = tpu.memref_slice %arg5[%dma_start3A_284] : memref<16777216xf32, #tpu.memory_space<hbm>> -> memref<16777216xf32, #tpu.memory_space<hbm>>
    tpu.enqueue_indirect_dma source(%arg21 : memref<4096xf32, #tpu.memory_space<vmem>>) target(%dma_start3A_285 : memref<16777216xf32, #tpu.memory_space<hbm>>) offsets(%arg11 : memref<4096xi32, #tpu.memory_space<vmem>>) semaphore(%arg36 : memref<!tpu.dma_semaphore, #tpu.memory_space<semaphore_mem>>)
    %dma_wait3A_286 = arith.constant 0 : i32
    %dma_wait3A_287 = tpu.memref_slice %arg2[%dma_wait3A_286] : memref<1703936xi32, #tpu.memory_space<hbm>> -> memref<4096xi32, #tpu.memory_space<hbm>>
    %dma_wait3A_288 = arith.constant 0 : i32
    %dma_wait3A_289 = tpu.memref_slice %arg2[%dma_wait3A_288] : memref<1703936xi32, #tpu.memory_space<hbm>> -> memref<4096xi32, #tpu.memory_space<hbm>>
    tpu.wait_dma2 semaphore(%arg23 : memref<!tpu.dma_semaphore, #tpu.memory_space<semaphore_mem>>) src(%dma_wait3A_289 : memref<4096xi32, #tpu.memory_space<hbm>>) dst(%arg8 : memref<4096xi32, #tpu.memory_space<vmem>>)
    %dma_wait3A_290 = arith.constant 0 : i32
    %dma_wait3A_291 = tpu.memref_slice %arg3[%dma_wait3A_290] : memref<1703936xf32, #tpu.memory_space<hbm>> -> memref<4096xf32, #tpu.memory_space<hbm>>
    %dma_wait3A_292 = arith.constant 0 : i32
    %dma_wait3A_293 = tpu.memref_slice %arg3[%dma_wait3A_292] : memref<1703936xf32, #tpu.memory_space<hbm>> -> memref<4096xf32, #tpu.memory_space<hbm>>
    tpu.wait_dma2 semaphore(%arg23 : memref<!tpu.dma_semaphore, #tpu.memory_space<semaphore_mem>>) src(%dma_wait3A_293 : memref<4096xf32, #tpu.memory_space<hbm>>) dst(%arg13 : memref<4096xf32, #tpu.memory_space<vmem>>)
    %dma_start3A_294 = arith.constant 0 : i32
    %dma_start3A_295 = tpu.memref_slice %arg4[%dma_start3A_294] : memref<16777216xf32, #tpu.memory_space<hbm>> -> memref<16777216xf32, #tpu.memory_space<hbm>>
    tpu.enqueue_indirect_dma source(%dma_start3A_295 : memref<16777216xf32, #tpu.memory_space<hbm>>) target(%arg18 : memref<4096xf32, #tpu.memory_space<vmem>>) offsets(%arg8 : memref<4096xi32, #tpu.memory_space<vmem>>) semaphore(%arg28 : memref<!tpu.dma_semaphore, #tpu.memory_space<semaphore_mem>>)
    %dma_wait3A_296 = arith.constant 0 : i32
    %dma_wait3A_297 = tpu.memref_slice %arg5[%dma_wait3A_296] : memref<16777216xf32, #tpu.memory_space<hbm>> -> memref<16777216xf32, #tpu.memory_space<hbm>>
    tpu.wait_indirect_dma semaphore(%arg34 : memref<!tpu.dma_semaphore, #tpu.memory_space<semaphore_mem>>) src(%arg19 : memref<4096xf32, #tpu.memory_space<vmem>>) dst(%dma_wait3A_297 : memref<16777216xf32, #tpu.memory_space<hbm>>)
    %add3A_298 = arith.constant 49152 : i32
    %add3A_299 = arith.addi %mul3A_2, %add3A_298 : i32
    %dma_start3A_300 = tpu.memref_slice %arg2[%add3A_299] : memref<1703936xi32, #tpu.memory_space<hbm>> -> memref<4096xi32, #tpu.memory_space<hbm>>
    %dma_start3A_301 = tpu.memref_slice %arg2[%add3A_299] : memref<1703936xi32, #tpu.memory_space<hbm>> -> memref<4096xi32, #tpu.memory_space<hbm>>
    tpu.enqueue_dma source(%dma_start3A_301 : memref<4096xi32, #tpu.memory_space<hbm>>) target(%arg9 : memref<4096xi32, #tpu.memory_space<vmem>>) target_semaphore(%arg24 : memref<!tpu.dma_semaphore, #tpu.memory_space<semaphore_mem>>)
    %dma_start3A_302 = tpu.memref_slice %arg3[%add3A_299] : memref<1703936xf32, #tpu.memory_space<hbm>> -> memref<4096xf32, #tpu.memory_space<hbm>>
    %dma_start3A_303 = tpu.memref_slice %arg3[%add3A_299] : memref<1703936xf32, #tpu.memory_space<hbm>> -> memref<4096xf32, #tpu.memory_space<hbm>>
    tpu.enqueue_dma source(%dma_start3A_303 : memref<4096xf32, #tpu.memory_space<hbm>>) target(%arg14 : memref<4096xf32, #tpu.memory_space<vmem>>) target_semaphore(%arg24 : memref<!tpu.dma_semaphore, #tpu.memory_space<semaphore_mem>>)
    %dma_wait3A_304 = arith.constant 0 : i32
    %dma_wait3A_305 = tpu.memref_slice %arg4[%dma_wait3A_304] : memref<16777216xf32, #tpu.memory_space<hbm>> -> memref<16777216xf32, #tpu.memory_space<hbm>>
    tpu.wait_indirect_dma semaphore(%arg27 : memref<!tpu.dma_semaphore, #tpu.memory_space<semaphore_mem>>) src(%dma_wait3A_305 : memref<16777216xf32, #tpu.memory_space<hbm>>) dst(%arg17 : memref<4096xf32, #tpu.memory_space<vmem>>)
    %scan3A_306 = arith.constant 0 : i32
    %scan3A_307 = arith.constant 256 : i32
    %scan3A_308 = arith.addi %scan3A_306, %scan3A_307 : i32
    %scan3A_309 = arith.constant 4 : i32
    scf.for %scan3A_351 = %scan3A_306 to %scan3A_308 step %scan3A_309  : i32 {
      %mul3A_352 = arith.constant 1 : i32
      %mul3A_353 = arith.muli %scan3A_351, %mul3A_352 : i32
      %add3A_354 = arith.constant 0 : i32
      %add3A_355 = arith.addi %add3A_354, %mul3A_353 : i32
      %mul3A_356 = arith.constant 16 : i32
      %mul3A_357 = arith.muli %add3A_355, %mul3A_356 : i32
      %get3A = arith.index_cast %mul3A_357 : i32 to index
      %get3A_358 = tpu.vector_load %arg17[%get3A] {strides = array<i32>} : memref<4096xf32, #tpu.memory_space<vmem>>, vector<16xf32>,
      %get3A_359 = vector.shape_cast %get3A_358 : vector<16xf32> to vector<16xf32>
      %get3A_360 = arith.index_cast %mul3A_357 : i32 to index
      %get3A_361 = tpu.vector_load %arg12[%get3A_360] {strides = array<i32>} : memref<4096xf32, #tpu.memory_space<vmem>>, vector<16xf32>,
      %get3A_362 = vector.shape_cast %get3A_361 : vector<16xf32> to vector<16xf32>
      %mul3A_363 = arith.constant 1.000000e-01 : f32
      %mul3A_364 = vector.broadcast %mul3A_363 : f32 to vector<16xf32>
      %mul3A_365 = arith.mulf %mul3A_364, %get3A_362 : vector<16xf32>
      %add3A_366 = arith.addf %get3A_359, %mul3A_365 : vector<16xf32>
      %swap3A = arith.index_cast %mul3A_357 : i32 to index
      %swap3A_367 = tpu.vector_load %arg17[%swap3A] {strides = array<i32>} : memref<4096xf32, #tpu.memory_space<vmem>>, vector<16xf32>,
      %swap3A_368 = vector.shape_cast %swap3A_367 : vector<16xf32> to vector<16xf32>
      %swap3A_369 = vector.shape_cast %add3A_366 : vector<16xf32> to vector<16xf32>
      tpu.vector_store %arg17[%swap3A], %swap3A_369 {strides = array<i32>} : memref<4096xf32, #tpu.memory_space<vmem>>, vector<16xf32>,
      %scan3A_370 = arith.constant 1 : i32
      %scan3A_371 = arith.addi %scan3A_351, %scan3A_370 : i32
      %mul3A_372 = arith.constant 1 : i32
      %mul3A_373 = arith.muli %scan3A_371, %mul3A_372 : i32
      %add3A_374 = arith.constant 0 : i32
      %add3A_375 = arith.addi %add3A_374, %mul3A_373 : i32
      %mul3A_376 = arith.constant 16 : i32
      %mul3A_377 = arith.muli %add3A_375, %mul3A_376 : i32
      %get3A_378 = arith.index_cast %mul3A_377 : i32 to index
      %get3A_379 = tpu.vector_load %arg17[%get3A_378] {strides = array<i32>} : memref<4096xf32, #tpu.memory_space<vmem>>, vector<16xf32>,
      %get3A_380 = vector.shape_cast %get3A_379 : vector<16xf32> to vector<16xf32>
      %get3A_381 = arith.index_cast %mul3A_377 : i32 to index
      %get3A_382 = tpu.vector_load %arg12[%get3A_381] {strides = array<i32>} : memref<4096xf32, #tpu.memory_space<vmem>>, vector<16xf32>,
      %get3A_383 = vector.shape_cast %get3A_382 : vector<16xf32> to vector<16xf32>
      %mul3A_384 = arith.constant 1.000000e-01 : f32
      %mul3A_385 = vector.broadcast %mul3A_384 : f32 to vector<16xf32>
      %mul3A_386 = arith.mulf %mul3A_385, %get3A_383 : vector<16xf32>
      %add3A_387 = arith.addf %get3A_380, %mul3A_386 : vector<16xf32>
      %swap3A_388 = arith.index_cast %mul3A_377 : i32 to index
      %swap3A_389 = tpu.vector_load %arg17[%swap3A_388] {strides = array<i32>} : memref<4096xf32, #tpu.memory_space<vmem>>, vector<16xf32>,
      %swap3A_390 = vector.shape_cast %swap3A_389 : vector<16xf32> to vector<16xf32>
      %swap3A_391 = vector.shape_cast %add3A_387 : vector<16xf32> to vector<16xf32>
      tpu.vector_store %arg17[%swap3A_388], %swap3A_391 {strides = array<i32>} : memref<4096xf32, #tpu.memory_space<vmem>>, vector<16xf32>,
      %scan3A_392 = arith.constant 2 : i32
      %scan3A_393 = arith.addi %scan3A_351, %scan3A_392 : i32
      %mul3A_394 = arith.constant 1 : i32
      %mul3A_395 = arith.muli %scan3A_393, %mul3A_394 : i32
      %add3A_396 = arith.constant 0 : i32
      %add3A_397 = arith.addi %add3A_396, %mul3A_395 : i32
      %mul3A_398 = arith.constant 16 : i32
      %mul3A_399 = arith.muli %add3A_397, %mul3A_398 : i32
      %get3A_400 = arith.index_cast %mul3A_399 : i32 to index
      %get3A_401 = tpu.vector_load %arg17[%get3A_400] {strides = array<i32>} : memref<4096xf32, #tpu.memory_space<vmem>>, vector<16xf32>,
      %get3A_402 = vector.shape_cast %get3A_401 : vector<16xf32> to vector<16xf32>
      %get3A_403 = arith.index_cast %mul3A_399 : i32 to index
      %get3A_404 = tpu.vector_load %arg12[%get3A_403] {strides = array<i32>} : memref<4096xf32, #tpu.memory_space<vmem>>, vector<16xf32>,
      %get3A_405 = vector.shape_cast %get3A_404 : vector<16xf32> to vector<16xf32>
      %mul3A_406 = arith.constant 1.000000e-01 : f32
      %mul3A_407 = vector.broadcast %mul3A_406 : f32 to vector<16xf32>
      %mul3A_408 = arith.mulf %mul3A_407, %get3A_405 : vector<16xf32>
      %add3A_409 = arith.addf %get3A_402, %mul3A_408 : vector<16xf32>
      %swap3A_410 = arith.index_cast %mul3A_399 : i32 to index
      %swap3A_411 = tpu.vector_load %arg17[%swap3A_410] {strides = array<i32>} : memref<4096xf32, #tpu.memory_space<vmem>>, vector<16xf32>,
      %swap3A_412 = vector.shape_cast %swap3A_411 : vector<16xf32> to vector<16xf32>
      %swap3A_413 = vector.shape_cast %add3A_409 : vector<16xf32> to vector<16xf32>
      tpu.vector_store %arg17[%swap3A_410], %swap3A_413 {strides = array<i32>} : memref<4096xf32, #tpu.memory_space<vmem>>, vector<16xf32>,
      %scan3A_414 = arith.constant 3 : i32
      %scan3A_415 = arith.addi %scan3A_351, %scan3A_414 : i32
      %mul3A_416 = arith.constant 1 : i32
      %mul3A_417 = arith.muli %scan3A_415, %mul3A_416 : i32
      %add3A_418 = arith.constant 0 : i32
      %add3A_419 = arith.addi %add3A_418, %mul3A_417 : i32
      %mul3A_420 = arith.constant 16 : i32
      %mul3A_421 = arith.muli %add3A_419, %mul3A_420 : i32
      %get3A_422 = arith.index_cast %mul3A_421 : i32 to index
      %get3A_423 = tpu.vector_load %arg17[%get3A_422] {strides = array<i32>} : memref<4096xf32, #tpu.memory_space<vmem>>, vector<16xf32>,
      %get3A_424 = vector.shape_cast %get3A_423 : vector<16xf32> to vector<16xf32>
      %get3A_425 = arith.index_cast %mul3A_421 : i32 to index
      %get3A_426 = tpu.vector_load %arg12[%get3A_425] {strides = array<i32>} : memref<4096xf32, #tpu.memory_space<vmem>>, vector<16xf32>,
      %get3A_427 = vector.shape_cast %get3A_426 : vector<16xf32> to vector<16xf32>
      %mul3A_428 = arith.constant 1.000000e-01 : f32
      %mul3A_429 = vector.broadcast %mul3A_428 : f32 to vector<16xf32>
      %mul3A_430 = arith.mulf %mul3A_429, %get3A_427 : vector<16xf32>
      %add3A_431 = arith.addf %get3A_424, %mul3A_430 : vector<16xf32>
      %swap3A_432 = arith.index_cast %mul3A_421 : i32 to index
      %swap3A_433 = tpu.vector_load %arg17[%swap3A_432] {strides = array<i32>} : memref<4096xf32, #tpu.memory_space<vmem>>, vector<16xf32>,
      %swap3A_434 = vector.shape_cast %swap3A_433 : vector<16xf32> to vector<16xf32>
      %swap3A_435 = vector.shape_cast %add3A_431 : vector<16xf32> to vector<16xf32>
      tpu.vector_store %arg17[%swap3A_432], %swap3A_435 {strides = array<i32>} : memref<4096xf32, #tpu.memory_space<vmem>>, vector<16xf32>,
    }
    %scan3A_310 = arith.constant 256 : i32
    %dma_start3A_311 = arith.constant 0 : i32
    %dma_start3A_312 = tpu.memref_slice %arg5[%dma_start3A_311] : memref<16777216xf32, #tpu.memory_space<hbm>> -> memref<16777216xf32, #tpu.memory_space<hbm>>
    tpu.enqueue_indirect_dma source(%arg17 : memref<4096xf32, #tpu.memory_space<vmem>>) target(%dma_start3A_312 : memref<16777216xf32, #tpu.memory_space<hbm>>) offsets(%arg7 : memref<4096xi32, #tpu.memory_space<vmem>>) semaphore(%arg32 : memref<!tpu.dma_semaphore, #tpu.memory_space<semaphore_mem>>)
    %dma_wait3A_313 = arith.constant 0 : i32
    %dma_wait3A_314 = tpu.memref_slice %arg2[%dma_wait3A_313] : memref<1703936xi32, #tpu.memory_space<hbm>> -> memref<4096xi32, #tpu.memory_space<hbm>>
    %dma_wait3A_315 = arith.constant 0 : i32
    %dma_wait3A_316 = tpu.memref_slice %arg2[%dma_wait3A_315] : memref<1703936xi32, #tpu.memory_space<hbm>> -> memref<4096xi32, #tpu.memory_space<hbm>>
    tpu.wait_dma2 semaphore(%arg24 : memref<!tpu.dma_semaphore, #tpu.memory_space<semaphore_mem>>) src(%dma_wait3A_316 : memref<4096xi32, #tpu.memory_space<hbm>>) dst(%arg9 : memref<4096xi32, #tpu.memory_space<vmem>>)
    %dma_wait3A_317 = arith.constant 0 : i32
    %dma_wait3A_318 = tpu.memref_slice %arg3[%dma_wait3A_317] : memref<1703936xf32, #tpu.memory_space<hbm>> -> memref<4096xf32, #tpu.memory_space<hbm>>
    %dma_wait3A_319 = arith.constant 0 : i32
    %dma_wait3A_320 = tpu.memref_slice %arg3[%dma_wait3A_319] : memref<1703936xf32, #tpu.memory_space<hbm>> -> memref<4096xf32, #tpu.memory_space<hbm>>
    tpu.wait_dma2 semaphore(%arg24 : memref<!tpu.dma_semaphore, #tpu.memory_space<semaphore_mem>>) src(%dma_wait3A_320 : memref<4096xf32, #tpu.memory_space<hbm>>) dst(%arg14 : memref<4096xf32, #tpu.memory_space<vmem>>)
    %dma_start3A_321 = arith.constant 0 : i32
    %dma_start3A_322 = tpu.memref_slice %arg4[%dma_start3A_321] : memref<16777216xf32, #tpu.memory_space<hbm>> -> memref<16777216xf32, #tpu.memory_space<hbm>>
    tpu.enqueue_indirect_dma source(%dma_start3A_322 : memref<16777216xf32, #tpu.memory_space<hbm>>) target(%arg19 : memref<4096xf32, #tpu.memory_space<vmem>>) offsets(%arg9 : memref<4096xi32, #tpu.memory_space<vmem>>) semaphore(%arg29 : memref<!tpu.dma_semaphore, #tpu.memory_space<semaphore_mem>>)
    %dma_wait3A_323 = arith.constant 0 : i32
    %dma_wait3A_324 = tpu.memref_slice %arg4[%dma_wait3A_323] : memref<16777216xf32, #tpu.memory_space<hbm>> -> memref<16777216xf32, #tpu.memory_space<hbm>>
    tpu.wait_indirect_dma semaphore(%arg28 : memref<!tpu.dma_semaphore, #tpu.memory_space<semaphore_mem>>) src(%dma_wait3A_324 : memref<16777216xf32, #tpu.memory_space<hbm>>) dst(%arg18 : memref<4096xf32, #tpu.memory_space<vmem>>)
    %scan3A_325 = arith.constant 0 : i32
    %scan3A_326 = arith.constant 256 : i32
    %scan3A_327 = arith.addi %scan3A_325, %scan3A_326 : i32
    %scan3A_328 = arith.constant 4 : i32
    scf.for %scan3A_351 = %scan3A_325 to %scan3A_327 step %scan3A_328  : i32 {
      %mul3A_352 = arith.constant 1 : i32
      %mul3A_353 = arith.muli %scan3A_351, %mul3A_352 : i32
      %add3A_354 = arith.constant 0 : i32
      %add3A_355 = arith.addi %add3A_354, %mul3A_353 : i32
      %mul3A_356 = arith.constant 16 : i32
      %mul3A_357 = arith.muli %add3A_355, %mul3A_356 : i32
      %get3A = arith.index_cast %mul3A_357 : i32 to index
      %get3A_358 = tpu.vector_load %arg18[%get3A] {strides = array<i32>} : memref<4096xf32, #tpu.memory_space<vmem>>, vector<16xf32>,
      %get3A_359 = vector.shape_cast %get3A_358 : vector<16xf32> to vector<16xf32>
      %get3A_360 = arith.index_cast %mul3A_357 : i32 to index
      %get3A_361 = tpu.vector_load %arg13[%get3A_360] {strides = array<i32>} : memref<4096xf32, #tpu.memory_space<vmem>>, vector<16xf32>,
      %get3A_362 = vector.shape_cast %get3A_361 : vector<16xf32> to vector<16xf32>
      %mul3A_363 = arith.constant 1.000000e-01 : f32
      %mul3A_364 = vector.broadcast %mul3A_363 : f32 to vector<16xf32>
      %mul3A_365 = arith.mulf %mul3A_364, %get3A_362 : vector<16xf32>
      %add3A_366 = arith.addf %get3A_359, %mul3A_365 : vector<16xf32>
      %swap3A = arith.index_cast %mul3A_357 : i32 to index
      %swap3A_367 = tpu.vector_load %arg18[%swap3A] {strides = array<i32>} : memref<4096xf32, #tpu.memory_space<vmem>>, vector<16xf32>,
      %swap3A_368 = vector.shape_cast %swap3A_367 : vector<16xf32> to vector<16xf32>
      %swap3A_369 = vector.shape_cast %add3A_366 : vector<16xf32> to vector<16xf32>
      tpu.vector_store %arg18[%swap3A], %swap3A_369 {strides = array<i32>} : memref<4096xf32, #tpu.memory_space<vmem>>, vector<16xf32>,
      %scan3A_370 = arith.constant 1 : i32
      %scan3A_371 = arith.addi %scan3A_351, %scan3A_370 : i32
      %mul3A_372 = arith.constant 1 : i32
      %mul3A_373 = arith.muli %scan3A_371, %mul3A_372 : i32
      %add3A_374 = arith.constant 0 : i32
      %add3A_375 = arith.addi %add3A_374, %mul3A_373 : i32
      %mul3A_376 = arith.constant 16 : i32
      %mul3A_377 = arith.muli %add3A_375, %mul3A_376 : i32
      %get3A_378 = arith.index_cast %mul3A_377 : i32 to index
      %get3A_379 = tpu.vector_load %arg18[%get3A_378] {strides = array<i32>} : memref<4096xf32, #tpu.memory_space<vmem>>, vector<16xf32>,
      %get3A_380 = vector.shape_cast %get3A_379 : vector<16xf32> to vector<16xf32>
      %get3A_381 = arith.index_cast %mul3A_377 : i32 to index
      %get3A_382 = tpu.vector_load %arg13[%get3A_381] {strides = array<i32>} : memref<4096xf32, #tpu.memory_space<vmem>>, vector<16xf32>,
      %get3A_383 = vector.shape_cast %get3A_382 : vector<16xf32> to vector<16xf32>
      %mul3A_384 = arith.constant 1.000000e-01 : f32
      %mul3A_385 = vector.broadcast %mul3A_384 : f32 to vector<16xf32>
      %mul3A_386 = arith.mulf %mul3A_385, %get3A_383 : vector<16xf32>
      %add3A_387 = arith.addf %get3A_380, %mul3A_386 : vector<16xf32>
      %swap3A_388 = arith.index_cast %mul3A_377 : i32 to index
      %swap3A_389 = tpu.vector_load %arg18[%swap3A_388] {strides = array<i32>} : memref<4096xf32, #tpu.memory_space<vmem>>, vector<16xf32>,
      %swap3A_390 = vector.shape_cast %swap3A_389 : vector<16xf32> to vector<16xf32>
      %swap3A_391 = vector.shape_cast %add3A_387 : vector<16xf32> to vector<16xf32>
      tpu.vector_store %arg18[%swap3A_388], %swap3A_391 {strides = array<i32>} : memref<4096xf32, #tpu.memory_space<vmem>>, vector<16xf32>,
      %scan3A_392 = arith.constant 2 : i32
      %scan3A_393 = arith.addi %scan3A_351, %scan3A_392 : i32
      %mul3A_394 = arith.constant 1 : i32
      %mul3A_395 = arith.muli %scan3A_393, %mul3A_394 : i32
      %add3A_396 = arith.constant 0 : i32
      %add3A_397 = arith.addi %add3A_396, %mul3A_395 : i32
      %mul3A_398 = arith.constant 16 : i32
      %mul3A_399 = arith.muli %add3A_397, %mul3A_398 : i32
      %get3A_400 = arith.index_cast %mul3A_399 : i32 to index
      %get3A_401 = tpu.vector_load %arg18[%get3A_400] {strides = array<i32>} : memref<4096xf32, #tpu.memory_space<vmem>>, vector<16xf32>,
      %get3A_402 = vector.shape_cast %get3A_401 : vector<16xf32> to vector<16xf32>
      %get3A_403 = arith.index_cast %mul3A_399 : i32 to index
      %get3A_404 = tpu.vector_load %arg13[%get3A_403] {strides = array<i32>} : memref<4096xf32, #tpu.memory_space<vmem>>, vector<16xf32>,
      %get3A_405 = vector.shape_cast %get3A_404 : vector<16xf32> to vector<16xf32>
      %mul3A_406 = arith.constant 1.000000e-01 : f32
      %mul3A_407 = vector.broadcast %mul3A_406 : f32 to vector<16xf32>
      %mul3A_408 = arith.mulf %mul3A_407, %get3A_405 : vector<16xf32>
      %add3A_409 = arith.addf %get3A_402, %mul3A_408 : vector<16xf32>
      %swap3A_410 = arith.index_cast %mul3A_399 : i32 to index
      %swap3A_411 = tpu.vector_load %arg18[%swap3A_410] {strides = array<i32>} : memref<4096xf32, #tpu.memory_space<vmem>>, vector<16xf32>,
      %swap3A_412 = vector.shape_cast %swap3A_411 : vector<16xf32> to vector<16xf32>
      %swap3A_413 = vector.shape_cast %add3A_409 : vector<16xf32> to vector<16xf32>
      tpu.vector_store %arg18[%swap3A_410], %swap3A_413 {strides = array<i32>} : memref<4096xf32, #tpu.memory_space<vmem>>, vector<16xf32>,
      %scan3A_414 = arith.constant 3 : i32
      %scan3A_415 = arith.addi %scan3A_351, %scan3A_414 : i32
      %mul3A_416 = arith.constant 1 : i32
      %mul3A_417 = arith.muli %scan3A_415, %mul3A_416 : i32
      %add3A_418 = arith.constant 0 : i32
      %add3A_419 = arith.addi %add3A_418, %mul3A_417 : i32
      %mul3A_420 = arith.constant 16 : i32
      %mul3A_421 = arith.muli %add3A_419, %mul3A_420 : i32
      %get3A_422 = arith.index_cast %mul3A_421 : i32 to index
      %get3A_423 = tpu.vector_load %arg18[%get3A_422] {strides = array<i32>} : memref<4096xf32, #tpu.memory_space<vmem>>, vector<16xf32>,
      %get3A_424 = vector.shape_cast %get3A_423 : vector<16xf32> to vector<16xf32>
      %get3A_425 = arith.index_cast %mul3A_421 : i32 to index
      %get3A_426 = tpu.vector_load %arg13[%get3A_425] {strides = array<i32>} : memref<4096xf32, #tpu.memory_space<vmem>>, vector<16xf32>,
      %get3A_427 = vector.shape_cast %get3A_426 : vector<16xf32> to vector<16xf32>
      %mul3A_428 = arith.constant 1.000000e-01 : f32
      %mul3A_429 = vector.broadcast %mul3A_428 : f32 to vector<16xf32>
      %mul3A_430 = arith.mulf %mul3A_429, %get3A_427 : vector<16xf32>
      %add3A_431 = arith.addf %get3A_424, %mul3A_430 : vector<16xf32>
      %swap3A_432 = arith.index_cast %mul3A_421 : i32 to index
      %swap3A_433 = tpu.vector_load %arg18[%swap3A_432] {strides = array<i32>} : memref<4096xf32, #tpu.memory_space<vmem>>, vector<16xf32>,
      %swap3A_434 = vector.shape_cast %swap3A_433 : vector<16xf32> to vector<16xf32>
      %swap3A_435 = vector.shape_cast %add3A_431 : vector<16xf32> to vector<16xf32>
      tpu.vector_store %arg18[%swap3A_432], %swap3A_435 {strides = array<i32>} : memref<4096xf32, #tpu.memory_space<vmem>>, vector<16xf32>,
    }
    %scan3A_329 = arith.constant 256 : i32
    %dma_start3A_330 = arith.constant 0 : i32
    %dma_start3A_331 = tpu.memref_slice %arg5[%dma_start3A_330] : memref<16777216xf32, #tpu.memory_space<hbm>> -> memref<16777216xf32, #tpu.memory_space<hbm>>
    tpu.enqueue_indirect_dma source(%arg18 : memref<4096xf32, #tpu.memory_space<vmem>>) target(%dma_start3A_331 : memref<16777216xf32, #tpu.memory_space<hbm>>) offsets(%arg8 : memref<4096xi32, #tpu.memory_space<vmem>>) semaphore(%arg33 : memref<!tpu.dma_semaphore, #tpu.memory_space<semaphore_mem>>)
    %dma_wait3A_332 = arith.constant 0 : i32
    %dma_wait3A_333 = tpu.memref_slice %arg4[%dma_wait3A_332] : memref<16777216xf32, #tpu.memory_space<hbm>> -> memref<16777216xf32, #tpu.memory_space<hbm>>
    tpu.wait_indirect_dma semaphore(%arg29 : memref<!tpu.dma_semaphore, #tpu.memory_space<semaphore_mem>>) src(%dma_wait3A_333 : memref<16777216xf32, #tpu.memory_space<hbm>>) dst(%arg19 : memref<4096xf32, #tpu.memory_space<vmem>>)
    %scan3A_334 = arith.constant 0 : i32
    %scan3A_335 = arith.constant 256 : i32
    %scan3A_336 = arith.addi %scan3A_334, %scan3A_335 : i32
    %scan3A_337 = arith.constant 4 : i32
    scf.for %scan3A_351 = %scan3A_334 to %scan3A_336 step %scan3A_337  : i32 {
      %mul3A_352 = arith.constant 1 : i32
      %mul3A_353 = arith.muli %scan3A_351, %mul3A_352 : i32
      %add3A_354 = arith.constant 0 : i32
      %add3A_355 = arith.addi %add3A_354, %mul3A_353 : i32
      %mul3A_356 = arith.constant 16 : i32
      %mul3A_357 = arith.muli %add3A_355, %mul3A_356 : i32
      %get3A = arith.index_cast %mul3A_357 : i32 to index
      %get3A_358 = tpu.vector_load %arg19[%get3A] {strides = array<i32>} : memref<4096xf32, #tpu.memory_space<vmem>>, vector<16xf32>,
      %get3A_359 = vector.shape_cast %get3A_358 : vector<16xf32> to vector<16xf32>
      %get3A_360 = arith.index_cast %mul3A_357 : i32 to index
      %get3A_361 = tpu.vector_load %arg14[%get3A_360] {strides = array<i32>} : memref<4096xf32, #tpu.memory_space<vmem>>, vector<16xf32>,
      %get3A_362 = vector.shape_cast %get3A_361 : vector<16xf32> to vector<16xf32>
      %mul3A_363 = arith.constant 1.000000e-01 : f32
      %mul3A_364 = vector.broadcast %mul3A_363 : f32 to vector<16xf32>
      %mul3A_365 = arith.mulf %mul3A_364, %get3A_362 : vector<16xf32>
      %add3A_366 = arith.addf %get3A_359, %mul3A_365 : vector<16xf32>
      %swap3A = arith.index_cast %mul3A_357 : i32 to index
      %swap3A_367 = tpu.vector_load %arg19[%swap3A] {strides = array<i32>} : memref<4096xf32, #tpu.memory_space<vmem>>, vector<16xf32>,
      %swap3A_368 = vector.shape_cast %swap3A_367 : vector<16xf32> to vector<16xf32>
      %swap3A_369 = vector.shape_cast %add3A_366 : vector<16xf32> to vector<16xf32>
      tpu.vector_store %arg19[%swap3A], %swap3A_369 {strides = array<i32>} : memref<4096xf32, #tpu.memory_space<vmem>>, vector<16xf32>,
      %scan3A_370 = arith.constant 1 : i32
      %scan3A_371 = arith.addi %scan3A_351, %scan3A_370 : i32
      %mul3A_372 = arith.constant 1 : i32
      %mul3A_373 = arith.muli %scan3A_371, %mul3A_372 : i32
      %add3A_374 = arith.constant 0 : i32
      %add3A_375 = arith.addi %add3A_374, %mul3A_373 : i32
      %mul3A_376 = arith.constant 16 : i32
      %mul3A_377 = arith.muli %add3A_375, %mul3A_376 : i32
      %get3A_378 = arith.index_cast %mul3A_377 : i32 to index
      %get3A_379 = tpu.vector_load %arg19[%get3A_378] {strides = array<i32>} : memref<4096xf32, #tpu.memory_space<vmem>>, vector<16xf32>,
      %get3A_380 = vector.shape_cast %get3A_379 : vector<16xf32> to vector<16xf32>
      %get3A_381 = arith.index_cast %mul3A_377 : i32 to index
      %get3A_382 = tpu.vector_load %arg14[%get3A_381] {strides = array<i32>} : memref<4096xf32, #tpu.memory_space<vmem>>, vector<16xf32>,
      %get3A_383 = vector.shape_cast %get3A_382 : vector<16xf32> to vector<16xf32>
      %mul3A_384 = arith.constant 1.000000e-01 : f32
      %mul3A_385 = vector.broadcast %mul3A_384 : f32 to vector<16xf32>
      %mul3A_386 = arith.mulf %mul3A_385, %get3A_383 : vector<16xf32>
      %add3A_387 = arith.addf %get3A_380, %mul3A_386 : vector<16xf32>
      %swap3A_388 = arith.index_cast %mul3A_377 : i32 to index
      %swap3A_389 = tpu.vector_load %arg19[%swap3A_388] {strides = array<i32>} : memref<4096xf32, #tpu.memory_space<vmem>>, vector<16xf32>,
      %swap3A_390 = vector.shape_cast %swap3A_389 : vector<16xf32> to vector<16xf32>
      %swap3A_391 = vector.shape_cast %add3A_387 : vector<16xf32> to vector<16xf32>
      tpu.vector_store %arg19[%swap3A_388], %swap3A_391 {strides = array<i32>} : memref<4096xf32, #tpu.memory_space<vmem>>, vector<16xf32>,
      %scan3A_392 = arith.constant 2 : i32
      %scan3A_393 = arith.addi %scan3A_351, %scan3A_392 : i32
      %mul3A_394 = arith.constant 1 : i32
      %mul3A_395 = arith.muli %scan3A_393, %mul3A_394 : i32
      %add3A_396 = arith.constant 0 : i32
      %add3A_397 = arith.addi %add3A_396, %mul3A_395 : i32
      %mul3A_398 = arith.constant 16 : i32
      %mul3A_399 = arith.muli %add3A_397, %mul3A_398 : i32
      %get3A_400 = arith.index_cast %mul3A_399 : i32 to index
      %get3A_401 = tpu.vector_load %arg19[%get3A_400] {strides = array<i32>} : memref<4096xf32, #tpu.memory_space<vmem>>, vector<16xf32>,
      %get3A_402 = vector.shape_cast %get3A_401 : vector<16xf32> to vector<16xf32>
      %get3A_403 = arith.index_cast %mul3A_399 : i32 to index
      %get3A_404 = tpu.vector_load %arg14[%get3A_403] {strides = array<i32>} : memref<4096xf32, #tpu.memory_space<vmem>>, vector<16xf32>,
      %get3A_405 = vector.shape_cast %get3A_404 : vector<16xf32> to vector<16xf32>
      %mul3A_406 = arith.constant 1.000000e-01 : f32
      %mul3A_407 = vector.broadcast %mul3A_406 : f32 to vector<16xf32>
      %mul3A_408 = arith.mulf %mul3A_407, %get3A_405 : vector<16xf32>
      %add3A_409 = arith.addf %get3A_402, %mul3A_408 : vector<16xf32>
      %swap3A_410 = arith.index_cast %mul3A_399 : i32 to index
      %swap3A_411 = tpu.vector_load %arg19[%swap3A_410] {strides = array<i32>} : memref<4096xf32, #tpu.memory_space<vmem>>, vector<16xf32>,
      %swap3A_412 = vector.shape_cast %swap3A_411 : vector<16xf32> to vector<16xf32>
      %swap3A_413 = vector.shape_cast %add3A_409 : vector<16xf32> to vector<16xf32>
      tpu.vector_store %arg19[%swap3A_410], %swap3A_413 {strides = array<i32>} : memref<4096xf32, #tpu.memory_space<vmem>>, vector<16xf32>,
      %scan3A_414 = arith.constant 3 : i32
      %scan3A_415 = arith.addi %scan3A_351, %scan3A_414 : i32
      %mul3A_416 = arith.constant 1 : i32
      %mul3A_417 = arith.muli %scan3A_415, %mul3A_416 : i32
      %add3A_418 = arith.constant 0 : i32
      %add3A_419 = arith.addi %add3A_418, %mul3A_417 : i32
      %mul3A_420 = arith.constant 16 : i32
      %mul3A_421 = arith.muli %add3A_419, %mul3A_420 : i32
      %get3A_422 = arith.index_cast %mul3A_421 : i32 to index
      %get3A_423 = tpu.vector_load %arg19[%get3A_422] {strides = array<i32>} : memref<4096xf32, #tpu.memory_space<vmem>>, vector<16xf32>,
      %get3A_424 = vector.shape_cast %get3A_423 : vector<16xf32> to vector<16xf32>
      %get3A_425 = arith.index_cast %mul3A_421 : i32 to index
      %get3A_426 = tpu.vector_load %arg14[%get3A_425] {strides = array<i32>} : memref<4096xf32, #tpu.memory_space<vmem>>, vector<16xf32>,
      %get3A_427 = vector.shape_cast %get3A_426 : vector<16xf32> to vector<16xf32>
      %mul3A_428 = arith.constant 1.000000e-01 : f32
      %mul3A_429 = vector.broadcast %mul3A_428 : f32 to vector<16xf32>
      %mul3A_430 = arith.mulf %mul3A_429, %get3A_427 : vector<16xf32>
      %add3A_431 = arith.addf %get3A_424, %mul3A_430 : vector<16xf32>
      %swap3A_432 = arith.index_cast %mul3A_421 : i32 to index
      %swap3A_433 = tpu.vector_load %arg19[%swap3A_432] {strides = array<i32>} : memref<4096xf32, #tpu.memory_space<vmem>>, vector<16xf32>,
      %swap3A_434 = vector.shape_cast %swap3A_433 : vector<16xf32> to vector<16xf32>
      %swap3A_435 = vector.shape_cast %add3A_431 : vector<16xf32> to vector<16xf32>
      tpu.vector_store %arg19[%swap3A_432], %swap3A_435 {strides = array<i32>} : memref<4096xf32, #tpu.memory_space<vmem>>, vector<16xf32>,
    }
    %scan3A_338 = arith.constant 256 : i32
    %dma_start3A_339 = arith.constant 0 : i32
    %dma_start3A_340 = tpu.memref_slice %arg5[%dma_start3A_339] : memref<16777216xf32, #tpu.memory_space<hbm>> -> memref<16777216xf32, #tpu.memory_space<hbm>>
    tpu.enqueue_indirect_dma source(%arg19 : memref<4096xf32, #tpu.memory_space<vmem>>) target(%dma_start3A_340 : memref<16777216xf32, #tpu.memory_space<hbm>>) offsets(%arg9 : memref<4096xi32, #tpu.memory_space<vmem>>) semaphore(%arg34 : memref<!tpu.dma_semaphore, #tpu.memory_space<semaphore_mem>>)
    %dma_wait3A_341 = arith.constant 0 : i32
    %dma_wait3A_342 = tpu.memref_slice %arg5[%dma_wait3A_341] : memref<16777216xf32, #tpu.memory_space<hbm>> -> memref<16777216xf32, #tpu.memory_space<hbm>>
    tpu.wait_indirect_dma semaphore(%arg35 : memref<!tpu.dma_semaphore, #tpu.memory_space<semaphore_mem>>) src(%arg20 : memref<4096xf32, #tpu.memory_space<vmem>>) dst(%dma_wait3A_342 : memref<16777216xf32, #tpu.memory_space<hbm>>)
    %dma_wait3A_343 = arith.constant 0 : i32
    %dma_wait3A_344 = tpu.memref_slice %arg5[%dma_wait3A_343] : memref<16777216xf32, #tpu.memory_space<hbm>> -> memref<16777216xf32, #tpu.memory_space<hbm>>
    tpu.wait_indirect_dma semaphore(%arg36 : memref<!tpu.dma_semaphore, #tpu.memory_space<semaphore_mem>>) src(%arg21 : memref<4096xf32, #tpu.memory_space<vmem>>) dst(%dma_wait3A_344 : memref<16777216xf32, #tpu.memory_space<hbm>>)
    %dma_wait3A_345 = arith.constant 0 : i32
    %dma_wait3A_346 = tpu.memref_slice %arg5[%dma_wait3A_345] : memref<16777216xf32, #tpu.memory_space<hbm>> -> memref<16777216xf32, #tpu.memory_space<hbm>>
    tpu.wait_indirect_dma semaphore(%arg32 : memref<!tpu.dma_semaphore, #tpu.memory_space<semaphore_mem>>) src(%arg17 : memref<4096xf32, #tpu.memory_space<vmem>>) dst(%dma_wait3A_346 : memref<16777216xf32, #tpu.memory_space<hbm>>)
    %dma_wait3A_347 = arith.constant 0 : i32
    %dma_wait3A_348 = tpu.memref_slice %arg5[%dma_wait3A_347] : memref<16777216xf32, #tpu.memory_space<hbm>> -> memref<16777216xf32, #tpu.memory_space<hbm>>
    tpu.wait_indirect_dma semaphore(%arg33 : memref<!tpu.dma_semaphore, #tpu.memory_space<semaphore_mem>>) src(%arg18 : memref<4096xf32, #tpu.memory_space<vmem>>) dst(%dma_wait3A_348 : memref<16777216xf32, #tpu.memory_space<hbm>>)
    %dma_wait3A_349 = arith.constant 0 : i32
    %dma_wait3A_350 = tpu.memref_slice %arg5[%dma_wait3A_349] : memref<16777216xf32, #tpu.memory_space<hbm>> -> memref<16777216xf32, #tpu.memory_space<hbm>>
    tpu.wait_indirect_dma semaphore(%arg34 : memref<!tpu.dma_semaphore, #tpu.memory_space<semaphore_mem>>) src(%arg19 : memref<4096xf32, #tpu.memory_space<vmem>>) dst(%dma_wait3A_350 : memref<16777216xf32, #tpu.memory_space<hbm>>)
    return
  }
}

</mosaic_0001>

<sc_bundles>
// kernel: kernel.3.cloned.1.call-start
scs
__scs_entry_jumppad:
0x0: {  	(pc) =	sbr.rel $0x88, $3  }
0x1: {  	(tag) =	ssettag $0x0;
	lr =	simm.s32 $0x1  }
0x2: {  	[smem:$0x3F9E] =	sst lr;
	_ =	strace $0xD0000000  }
0x3: {  	_ = 	snop  }
0x4: {  	_ = 	snop  }
0x5: {  	_ = 	snop  }
0x6: {  	_ = 	snop  }
0x7: {  	_ = 	snop  }
__scs_overlays_trampoline_lowered:
0x8: {  	[smem:$0x3FAD] =	sst s0  }
0x9: {  	[smem:$0x3FAE] =	sst s1  }
0xa: {  	[smem:$0x3FAF] =	sst s2  }
0xb: {  	[smem:$0x3FB0] =	sst s3  }
0xc: {  	[smem:$0x3FB1] =	sst s4  }
0xd: {  	[smem:$0x3FB2] =	sst s5  }
0xe: {  	[smem:$0x3FB3] =	sst s6  }
0xf: {  	[smem:$0x3FB4] =	sst s7  }
0x10: {  	[smem:$0x3FB5] =	sst s8  }
0x11: {  	[smem:$0x3FB6] =	sst s9;
	s0 =	simm.s32 @!p0 $0x0  }
0x12: {  	s1 =	sld [smem:$0x3F9C];
	s0 =	simm.s32 @p0 $0x1  }
0x13: {  	[smem:$0x3FB7] =	sst s0;
	s0 =	simm.s32 @!p1 $0x0  }
0x14: {  	s2 =	sld [smem:$0x3F9B];
	s0 =	simm.s32 @p1 $0x1  }
0x15: {  	[smem:$0x3FB8] =	sst s0;
	s0 =	simm.s32 @!p2 $0x0  }
0x16: {  	s3 =	sld [smem:$0x3FDB];
	s0 =	simm.s32 @p2 $0x1  }
0x17: {  	s4 =	simm.s32 $0x1BF5;
	[smem:$0x3FBA] =	sst s0  }
0x18: {  	s0 =	sld [smem:$0x3F9D];
	_ =	swait.ge [sflag:s4], $0x0  }
0x19: {  	s7 =	sld [smem:$0x3F9E]  }
0x1a: {  	s8 =	sadd.s32 $0xFFFFE003, lr  }
0x1b: {  	s9 =	sadd.s32 $0xFFFFFEF7, lr;
	s5 =	simm.s32 $0xFFFFFFFF;
	p2 =	slt.u32 s8, $0xFFFFF086  }
0x1c: {  	p1 =	slt.u32 s9, $0xF7A;
	s5 =	simm.s32 @!p2 $0x0  }
0x1d: {  	s5 =	simm.s32 @p1 $0x1;
	p0 =	seq.s32 s7, s2  }
0x1e: {  	s7 =	smul.u32 @!p0 $0xF7A, s2;
	p2 =	seq.s32 @!p0 s5, $0x0  }
0x1f: {  	s9 =	smul.u32 $0xF7A, s1;
	s8 =	simm.s32 @!p0 $0x1BF5;
	p2 =	por !p2, p0  }
0x20: {  	[sflag:s8] =	ssyncset.s32 @!p0 $0xFFFFF086;
	s6 =	sadd.s32 @!p0 s3, s7;
	s7 =	simm.s32 @!p0 $0x108  }
0x21: {  	s3 =	sadd.s32 s3, s9;
	s6 =	sadd.s32 @!p0 $0x88, s6;
	s7 =	simm.s32 @p2 $0x1082  }
0x22: {  	[simem:s7], [sflag:s8] =	dma.local @!p0 [hbm:s6], $0xF7A  }
0x23: {  	s9 =	sor.u32 $0xD0000000, s2;
	s6 =	simm.s32 $0x108;
	_ =	swait.ge @!p0 [sflag:s8], $0x0  }
0x24: {  	s3 =	sadd.s32 $0x88, s3;
	s6 =	simm.s32 @!p1 $0x1082;
	[sflag:s4] =	ssyncset.s32 $0xFFFFF086  }
0x25: {  	[simem:s6], [sflag:s4] =	dma.local [hbm:s3], $0xF7A  }
0x26: {  	[smem:$0x3F9E] =	sst s1;
	(tag) =	ssettag s2;
	_ =	strace s9  }
0x27: {  	s1 =	sld [smem:$0x3FAE]  }
0x28: {  	s2 =	sld [smem:$0x3FAF]  }
0x29: {  	s4 =	sld [smem:$0x3FB1]  }
0x2a: {  	p0 =	seq.s32 s5, $0x0;
	s5 =	sld [smem:$0x3FB2]  }
0x2b: {  	s6 =	sld [smem:$0x3FB3]  }
0x2c: {  	s7 =	sld [smem:$0x3FB4]  }
0x2d: {  	s3 =	simm.s32 $0x108;
	s8 =	sld [smem:$0x3FB5]  }
0x2e: {  	s3 =	simm.s32 @!p0 $0x1082;
	s9 =	sld [smem:$0x3FB6]  }
0x2f: {  	lr =	sadd.s32 s0, s3;
	s0 =	sld [smem:$0x3FAD]  }
0x30: {  	s3 =	sld [smem:$0x3FB0]  }
0x31: {  	[smem:$0x3FB9] =	sst s10  }
0x32: {  	s10 =	sld [smem:$0x3FB7];
	_ =	sdelay $0x3  }
0x33: {  	p0 =	seq.s32 s10, $0x1;
	s10 =	sld [smem:$0x3FB9];
	_ =	sdelay $0x3  }
0x34: {  	[smem:$0x3FB9] =	sst s10  }
0x35: {  	s10 =	sld [smem:$0x3FB8];
	_ =	sdelay $0x3  }
0x36: {  	p1 =	seq.s32 s10, $0x1;
	s10 =	sld [smem:$0x3FB9];
	_ =	sdelay $0x3  }
0x37: {  	[smem:$0x3FB9] =	sst s10  }
0x38: {  	s10 =	sld [smem:$0x3FBA]  }
0x39: {  	_ = 	snop;
	(pc) =	sbr.ind lr, $3  }
0x3a: {  	_ = 	snop  }
0x3b: {  	_ = 	snop  }
0x3c: {  	p2 =	seq.s32 s10, $0x1;
	s10 =	sld [smem:$0x3FB9]  }
0x3d: {  	_ =	shalt  }
0x3e: {  	_ =	shalt  }
0x3f: {  	_ =	shalt  }
0x40: {  	_ =	shalt  }
0x41: {  	_ =	shalt  }
0x42: {  	_ =	shalt  }
0x43: {  	_ =	shalt  }
0x44: {  	_ =	shalt  }
0x45: {  	_ =	shalt  }
0x46: {  	_ =	shalt  }
0x47: {  	_ =	shalt  }
0x48: {  	_ =	shalt  }
0x49: {  	_ =	shalt  }
0x4a: {  	_ =	shalt  }
0x4b: {  	_ =	shalt  }
0x4c: {  	_ =	shalt  }
0x4d: {  	_ =	shalt  }
0x4e: {  	_ =	shalt  }
0x4f: {  	_ =	shalt  }
0x50: {  	_ =	shalt  }
0x51: {  	_ =	shalt  }
0x52: {  	_ =	shalt  }
0x53: {  	_ =	shalt  }
0x54: {  	_ =	shalt  }
0x55: {  	_ =	shalt  }
0x56: {  	_ =	shalt  }
0x57: {  	_ =	shalt  }
0x58: {  	_ =	shalt  }
0x59: {  	_ =	shalt  }
0x5a: {  	_ =	shalt  }
0x5b: {  	_ =	shalt  }
0x5c: {  	_ =	shalt  }
0x5d: {  	_ =	shalt  }
0x5e: {  	_ =	shalt  }
0x5f: {  	_ =	shalt  }
0x60: {  	_ =	shalt  }
0x61: {  	_ =	shalt  }
0x62: {  	_ =	shalt  }
0x63: {  	_ =	shalt  }
0x64: {  	_ =	shalt  }
0x65: {  	_ =	shalt  }
0x66: {  	_ =	shalt  }
0x67: {  	_ =	shalt  }
0x68: {  	_ =	shalt  }
0x69: {  	_ =	shalt  }
0x6a: {  	_ =	shalt  }
0x6b: {  	_ =	shalt  }
0x6c: {  	_ =	shalt  }
0x6d: {  	_ =	shalt  }
0x6e: {  	_ =	shalt  }
0x6f: {  	_ =	shalt  }
0x70: {  	_ =	shalt  }
0x71: {  	_ =	shalt  }
0x72: {  	_ =	shalt  }
0x73: {  	_ =	shalt  }
0x74: {  	_ =	shalt  }
0x75: {  	_ =	shalt  }
0x76: {  	_ =	shalt  }
0x77: {  	_ =	shalt  }
0x78: {  	_ =	shalt  }
0x79: {  	_ =	shalt  }
0x7a: {  	_ =	shalt  }
0x7b: {  	_ =	shalt  }
0x7c: {  	_ =	shalt  }
0x7d: {  	_ =	shalt  }
0x7e: {  	_ =	shalt  }
0x7f: {  	_ =	shalt  }
0x80: {  	_ =	shalt  }
0x81: {  	_ =	shalt  }
0x82: {  	_ =	shalt  }
0x83: {  	_ =	shalt  }
0x84: {  	_ =	shalt  }
0x85: {  	_ =	shalt  }
0x86: {  	_ =	shalt  }
0x87: {  	_ =	shalt  }
.Lfunc_end0:
.L_simem_size_0:
called_computation_lowered:
.L_overlay_start_0:
0x88: {  	s2 =	sld [smem:$0x3FD9]  }
0x89: {  	s3 =	sld [smem:$0x3FFE];
	_ =	sdelay $0x1  }
0x8a: {  	s1 =	srdreg.scid  }
0x8b: {  	s0 =	sand.u32 $0x1, s1  }
0x8c: {  	s17 =	sshll.u32 s0, $0xA;
	s2 =	sadd.s32 s3, s2  }
0x8d: {  	s2 =	sadd.s32 s2, s17  }
0x8e: {  	[smem:$0x3FC5] =	sst s2  }
0x8f: {  	_ = 	snop  }
0x90: {  	s2 =	sld [smem:$0x3FC9]  }
0x91: {  	s18 =	sld [smem:$0x3FD0];
	(tm) =	ssettm $0x1  }
0x92: {  	s4 =	sld [smem:$0x3FFB];
	_ =	sdelay $0x3  }
0x93: {  	_ =	strace s4  }
0x94: {  	s4 =	sld [smem:$0x3FFC];
	_ =	sdelay $0x3  }
0x95: {  	_ =	strace s4  }
0x96: {  	s4 =	sld [smem:$0x3FFD];
	_ =	sdelay $0x3  }
0x97: {  	_ =	strace s4  }
0x98: {  	_ =	strace $0x8FFFFFFF  }
0x99: {  	s19 =	sld [smem:$0x3FDB];
	_ =	sdelay $0x1  }
0x9a: {  	s5 =	simm.s32 $_scs_section_size  }
0x9b: {  	s6 =	simm.s32 $_size__tile_overlayer_lowered;
	s7 =	simm.s32 $_tile_overlayer_lowered  }
0x9c: {  	s22 =	simm.s32 $0x1BFF;
	s21 =	sshll.u32 s7, $0x1;
	s4 =	sadd.s32 s5, s19  }
0x9d: {  	s8 =	simm.s32 $0x0;
	s20 =	sshll.u32 s6, $0x1;
	s6 =	sadd.s32 s21, s4  }
0x9e: {  	[timem:s8], [sflag:s22] =	dma.local [hbm:s6], s20  }
0x9f: {  	_ =	swait.ge [sflag:s22], s20  }
0xa0: {  	s5 =	ssub.s32 $0x0, s20;
	[sflag:s22] =	ssyncset.done $0x0  }
0xa1: {  	[sflag:s22] =	ssyncadd.s32 s5;
	_ =	sdelay $0x1  }
0xa2: {  	s23 =	simm.s32 $0x1B8B  }
0xa3: {  	_ =	swait.ge [sflag:s23], $0x1  }
0xa4: {  	[sflag:s23] =	ssyncset.done $0x0  }
0xa5: {  	s25 =	simm.s32 $0x1B8E;
	s24 =	sld [smem:$0x3FFE];
	[sflag:s23] =	ssyncadd.s32 $0xFFFFFFFF  }
0xa6: {  	s26 =	simm.s32 $execute0_lowered;
	[smem:$0x3FD2] =	sst s25  }
0xa7: {  	s6 =	sshll.u32 s26, $0x1;
	_ =	strace $0x80000046;
	[dreg:$0x1] =	wrdreg $0xFFFFFFFF  }
0xa8: {  	s28 =	simm.s32 $_size_execute0_lowered;
	s4 =	sadd.s32 s4, s6;
	[dreg:$0x0] =	wrdreg $0x0  }
0xa9: {  	s6 =	sshll.u32 s28, $0x1;
	[dreg:$0x2] =	wrdreg s4  }
0xaa: {  	[dreg:$0x3] =	wrdreg s6  }
0xab: {  	[dreg:$0x4] =	wrdreg $0xC0  }
0xac: {  	_ =	task [dreg:s8], $0x5FFFF  }
0xad: {  	[dreg:$0x1] =	wrdreg $0xFFFFFFFF  }
0xae: {  	[dreg:$0x0] =	wrdreg $0x60  }
0xaf: {  	[dreg:$0x2] =	wrdreg s24  }
0xb0: {  	[dreg:$0x3] =	wrdreg s2  }
0xb1: {  	[dreg:$0x4] =	wrdreg s18  }
0xb2: {  	[dreg:$0x5] =	wrdreg $0x9  }
0xb3: {  	_ =	task.clear_ibuf [dreg:s8], $0x6FFFF;
	_ =	strace $0x90000046  }
0xb4: {  	s29 =	simm.s32 $0x9;
	_ =	strace $0x80000048  }
0xb5: {  	_ =	swait.ge [sflag:s29], $0x1  }
0xb6: {  	[sflag:s29] =	ssyncadd.s32 $0xFFFFFFFF  }
0xb7: {  	_ =	strace $0x90000048  }
0xb8: {  	_ =	sfence  }
0xb9: {  	s30 =	sld [smem:$0x0];
	_ =	sdelay $0x2  }
0xba: {  	s31 =	sshll.u32 s1, $0xD;
	s1 =	sshrl.u32 s1, $0x2  }
0xbb: {  	s3 =	sand.u32 $0x4000, s31;
	s1 =	sadd.s32 s1, s30  }
0xbc: {  	s0 =	sor.u32 s3, s0;
	s1 =	sshll.u32 s1, $0x11  }
0xbd: {  	s0 =	sor.u32 s1, s0  }
0xbe: {  	s0 =	sadd.s32 $0x8F2B, s0  }
0xbf: {  	[sflag:s0] =	ssyncadd.remote.s32 $0x1  }
0xc0: {  	_ =	sfence.sel $0xFFFF  }
0xc1: {  	[dreg:$0x0] =	wrdreg $0xFFFFFFFF;
	(pc) =	sbr.abs _section_cstart, $3  }
0xc2: {  	[dreg:$0x1] =	wrdreg $0xFFFFFFFF  }
0xc3: {  	_ =	task.clear_ibuf [dreg:s8], $0x2FFFF;
	_ =	strace $0x9FFFFFFF  }
0xc4: {  	(tm) =	ssettm $0x7FFFFFFF  }
0xc5: {  	_ =	shalt  }
tec
execute0_lowered:
.L_overlay_start_1:
0x0: {  	(tag) =	ssettag $0x1  }
0x1: {  	s0 =	srdreg.scid;
	s1 =	stileid.u32  }
0x2: {  	s0 =	sand.u32 $0x1, s0;
	s1 =	sshll.u32 s1, $0x1  }
0x3: {  	s3 =	rddreg [dreg:$0x0];
	s28 =	simm.s32 $0xC;
	s2 =	sor.u32 s0, s1  }
0x4: {  	s29 =	simm.s32 $0xA;
	s4 =	sadd.s32 $0x1000, s3;
	s2 =	smul.u32 $0xD000, s2  }
0x5: {  	s3 =	sadd.s32 $0x35000, s3;
	s1 =	simm.s32 $0x0;
	s0 =	ssub.s32 $0x2, s0  }
0x6: {  	[smem:$0x7FF] =	sst s1;
	s5 =	sshrl.u32 s0, $0x1;
	s2 =	sshrl.u32 s2, $0x3  }
0x7: {  	s0 =	ssub.s32 s0, s5;
	s22 =	sadd.s32 $0x200, s2;
	s21 =	sadd.s32 s4, s2  }
0x8: {  	s6 =	sadd.s32 s4, s22;
	s5 =	sadd.s32 s3, s22;
	s22 =	rddreg [dreg:$0x1]  }
0x9: {  	s30 =	simm.s32 $0xD;
	s31 =	simm.s32 $0xF;
	[dreg:$0x18] =	wrdreg s21  }
0xa: {  	s0 =	smax.u32 s0, $0x1;
	s23 =	sadd.s32 $0x400, s2;
	[dreg:$0x4] =	wrdreg s6  }
0xb: {  	s25 =	sadd.s32 $0x600, s2;
	s24 =	sadd.s32 s4, s23;
	[dreg:$0x5] =	wrdreg s5  }
0xc: {  	s7 =	sadd.s32 $0x800, s2;
	s26 =	sadd.s32 s4, s25;
	[dreg:$0x6] =	wrdreg s24  }
0xd: {  	s9 =	sadd.s32 $0xA00, s2;
	s8 =	sadd.s32 s4, s7;
	[dreg:$0x8] =	wrdreg s26  }
0xe: {  	s11 =	sadd.s32 $0xC00, s2;
	s10 =	sadd.s32 s4, s9;
	[dreg:$0xa] =	wrdreg s8  }
0xf: {  	s13 =	sadd.s32 $0xE00, s2;
	s12 =	sadd.s32 s4, s11;
	[dreg:$0xc] =	wrdreg s10  }
0x10: {  	s15 =	sadd.s32 $0x1000, s2;
	s14 =	sadd.s32 s4, s13;
	[dreg:$0xe] =	wrdreg s12  }
0x11: {  	s17 =	sadd.s32 $0x1200, s2;
	s16 =	sadd.s32 s4, s15;
	[dreg:$0x10] =	wrdreg s14  }
0x12: {  	s19 =	sadd.s32 $0x1400, s2;
	s18 =	sadd.s32 s4, s17;
	[dreg:$0x12] =	wrdreg s16  }
0x13: {  	s20 =	sadd.s32 s4, s19;
	s21 =	simm.s32 $0x5;
	[dreg:$0x14] =	wrdreg s18  }
0x14: {  	s5 =	sadd.s32 s3, s23;
	[dreg:$0x16] =	wrdreg s20;
	s23 =	sadd.s32 s3, s2  }
0x15: {  	s24 =	sadd.s32 $0x1600, s2;
	s2 =	sadd.s32 $0x1800, s2;
	s26 =	rddreg [dreg:$0x2]  }
0x16: {  	s6 =	simm.s32 $0x2;
	s8 =	simm.s32 $0x2000;
	s10 =	simm.s32 $0x6  }
0x17: {  	s12 =	simm.s32 $0xC000;
	s16 =	simm.s32 $0x4;
	[dreg:$0x7] =	wrdreg s5  }
0x18: {  	s18 =	simm.s32 $0x4000;
	s5 =	sadd.s32 s3, s25;
	[dreg:$0x19] =	wrdreg s23  }
0x19: {  	s20 =	simm.s32 $0x8;
	s25 =	sadd.s32 s4, s24;
	[dreg:$0x9] =	wrdreg s5  }
0x1a: {  	s14 =	simm.s32 $0x9;
	s4 =	sadd.s32 s4, s2;
	[dreg:$0x1a] =	wrdreg s25  }
0x1b: {  	s2 =	sadd.s32 s3, s2;
	s23 =	simm.s32 $0xE000;
	[dreg:$0x1c] =	wrdreg s4  }
0x1c: {  	s5 =	sadd.s32 s3, s7;
	[dreg:$0x1d] =	wrdreg s2;
	s2 =	simm.s32 $0x1  }
0x1d: {  	s4 =	simm.s32 $0xA000;
	[dreg:$0xb] =	wrdreg s5;
	s5 =	sadd.s32 s3, s9  }
0x1e: {  	s7 =	simm.s32 $0xB000;
	[dreg:$0xd] =	wrdreg s5;
	s5 =	sadd.s32 s3, s11  }
0x1f: {  	s25 =	simm.s32 $0x0;
	[dreg:$0xf] =	wrdreg s5;
	s5 =	sadd.s32 s3, s13  }
0x20: {  	s11 =	simm.s32 $0x3;
	[dreg:$0x11] =	wrdreg s5;
	s5 =	sadd.s32 s3, s15  }
0x21: {  	s13 =	simm.s32 $0x3000;
	[dreg:$0x13] =	wrdreg s5;
	s5 =	sadd.s32 s3, s17  }
0x22: {  	s15 =	simm.s32 $0x7;
	[dreg:$0x15] =	wrdreg s5;
	s5 =	sadd.s32 s3, s19  }
0x23: {  	s17 =	simm.s32 $0xD000;
	[dreg:$0x17] =	wrdreg s5;
	s5 =	sadd.s32 s3, s24  }
0x24: {  	s19 =	simm.s32 $0xE;
	s3 =	simm.s32 $0x1000;
	[dreg:$0x1b] =	wrdreg s5  }
0x25: {  	s24 =	simm.s32 $0xB;
	_ =	strace $0x80000047;
	[dreg:$0x1e] =	wrdreg s0  }
.LBB2_1:
0x26: {  	s0 =	rddreg [dreg:$0x18]  }
0x27: {  	[tilespmem:s1], [sflag:$0x1] =	stream.linear.gather [hbm4b:s0+s1], $0x1000, $0x38;
	[tilespmem:$0xF000] =	vst v63  }
0x28: {  	s9 =	rddreg [dreg:$0x19];
	s5 =	simm.s32 $0x5000  }
0x29: {  	[tilespmem:s5], [sflag:$0x1] =	stream.linear.gather [hbm4b:s9+s1], $0x1000, $0x38;
	[tilespmem:$0xF000] =	vst v63  }
0x2a: {  	_ =	swait.ge [sflag:s2], $0x1000  }
0x2b: {  	[sflag:s2] =	ssyncset.done $0x0  }
0x2c: {  	[sflag:s2] =	ssyncadd.s32 $0xFFFFF000  }
0x2d: {  	_ =	swait.ge [sflag:s2], $0x1000  }
0x2e: {  	[sflag:s2] =	ssyncset.done $0x0  }
0x2f: {  	[sflag:s2] =	ssyncadd.s32 $0xFFFFF000  }
0x30: {  	[tilespmem:s4], [sflag:$0x6] =	stream.indirect.gather [hbm4b:s22+s3], $0x1, s1, s3, $0xb8;
	[tilespmem:$0xF000] =	vst v63  }
0x31: {  	s9 =	rddreg [dreg:$0x4]  }
0x32: {  	[tilespmem:s3], [sflag:$0x2] =	stream.linear.gather [hbm4b:s9+s1], $0x1000, $0x38;
	[tilespmem:$0xF000] =	vst v63  }
0x33: {  	s5 =	rddreg [dreg:$0x5];
	s9 =	simm.s32 $0x6000  }
0x34: {  	[tilespmem:s9], [sflag:$0x2] =	stream.linear.gather [hbm4b:s5+s1], $0x1000, $0x38;
	[tilespmem:$0xF000] =	vst v63  }
0x35: {  	_ =	swait.ge [sflag:s6], $0x1000  }
0x36: {  	[sflag:s6] =	ssyncset.done $0x0  }
0x37: {  	[sflag:s6] =	ssyncadd.s32 $0xFFFFF000  }
0x38: {  	_ =	swait.ge [sflag:s6], $0x1000  }
0x39: {  	[sflag:s6] =	ssyncset.done $0x0  }
0x3a: {  	[sflag:s6] =	ssyncadd.s32 $0xFFFFF000  }
0x3b: {  	[tilespmem:s7], [sflag:$0x7] =	stream.indirect.gather [hbm4b:s22+s3], $0x1, s3, s3, $0xb8;
	[tilespmem:$0xF000] =	vst v63  }
0x3c: {  	s9 =	rddreg [dreg:$0x6]  }
0x3d: {  	[tilespmem:s8], [sflag:$0x3] =	stream.linear.gather [hbm4b:s9+s1], $0x1000, $0x38;
	[tilespmem:$0xF000] =	vst v63  }
0x3e: {  	s5 =	rddreg [dreg:$0x7];
	s9 =	simm.s32 $0x7000  }
0x3f: {  	[tilespmem:s9], [sflag:$0x3] =	stream.linear.gather [hbm4b:s5+s1], $0x1000, $0x38;
	[tilespmem:$0xF000] =	vst v63  }
0x40: {  	_ =	swait.ge [sflag:s10], $0x1000  }
0x41: {  	[sflag:s10] =	ssyncset.done $0x0  }
0x42: {  	s9 =	simm.s32 $0x5020;
	[sflag:s10] =	ssyncadd.s32 $0xFFFFF000  }
0x43: {  	v0 =	vld [tilespmem:s9+$0xFFFFFFE0]  }
0x44: {  	s0 =	simm.s32 $0xA020  }
0x45: {  	v1 =	vld [tilespmem:s0+$0xFFFFFFE0];
	_ =	sdelay $0x2  }
0x46: {  	v0 =	vmul.f32 $1.000000010e-01, v0;
	_ =	sdelay $0x1  }
0x47: {  	v0 =	vadd.f32 v0, v1;
	_ =	sdelay $0x1  }
0x48: {  	[tilespmem:s0+$0xFFFFFFE0] =	vst v0  }
0x49: {  	v0 =	vld [tilespmem:s9+$0xFFFFFFF0];
	_ =	sdelay $0x1  }
0x4a: {  	v61 =	vld [tilespmem:s0+$0xFFFFFFF0];
	_ =	sdelay $0x2  }
0x4b: {  	v0 =	vmul.f32 $1.000000010e-01, v0;
	_ =	sdelay $0x1  }
0x4c: {  	v0 =	vadd.f32 v0, v61;
	_ =	sdelay $0x1  }
0x4d: {  	[tilespmem:s0+$0xFFFFFFF0] =	vst v0  }
0x4e: {  	v0 =	vld [tilespmem:s9+$0x0];
	_ =	sdelay $0x1  }
0x4f: {  	v62 =	vld [tilespmem:s0+$0x0];
	_ =	sdelay $0x2  }
0x50: {  	v0 =	vmul.f32 $1.000000010e-01, v0;
	_ =	sdelay $0x1  }
0x51: {  	v0 =	vadd.f32 v0, v62;
	_ =	sdelay $0x1  }
0x52: {  	[tilespmem:s0+$0x0] =	vst v0  }
0x53: {  	v0 =	vld [tilespmem:s9+$0x10];
	_ =	sdelay $0x1  }
0x54: {  	v63 =	vld [tilespmem:s0+$0x10];
	_ =	sdelay $0x2  }
0x55: {  	v0 =	vmul.f32 $1.000000010e-01, v0;
	_ =	sdelay $0x1  }
0x56: {  	v0 =	vadd.f32 v0, v63;
	_ =	sdelay $0x1  }
0x57: {  	s5 =	simm.s32 $0x0;
	s9 =	simm.s32 $0x5060;
	[tilespmem:s0+$0x10] =	vst v0  }
.LBB2_2:
0x58: {  	v0 =	vld [tilespmem:s9+$0xFFFFFFE0];
	s5 =	sadd.s32 $0x4, s5  }
0x59: {  	s0 =	sadd.s32 $0x40, s0;
	p0 =	slt.u32 s5, $0xFC  }
0x5a: {  	v1 =	vld [tilespmem:s0+$0xFFFFFFE0];
	_ =	sdelay $0x2  }
0x5b: {  	v0 =	vmul.f32 $1.000000010e-01, v0;
	_ =	sdelay $0x1  }
0x5c: {  	v0 =	vadd.f32 v0, v1;
	_ =	sdelay $0x1  }
0x5d: {  	[tilespmem:s0+$0xFFFFFFE0] =	vst v0  }
0x5e: {  	v0 =	vld [tilespmem:s9+$0xFFFFFFF0];
	_ =	sdelay $0x1  }
0x5f: {  	v1 =	vld [tilespmem:s0+$0xFFFFFFF0];
	_ =	sdelay $0x2  }
0x60: {  	v0 =	vmul.f32 $1.000000010e-01, v0;
	_ =	sdelay $0x1  }
0x61: {  	v0 =	vadd.f32 v0, v1;
	_ =	sdelay $0x1  }
0x62: {  	[tilespmem:s0+$0xFFFFFFF0] =	vst v0  }
0x63: {  	v0 =	vld [tilespmem:s9+$0x0];
	_ =	sdelay $0x1  }
0x64: {  	v1 =	vld [tilespmem:s0+$0x0];
	_ =	sdelay $0x2  }
0x65: {  	v0 =	vmul.f32 $1.000000010e-01, v0;
	_ =	sdelay $0x1  }
0x66: {  	v0 =	vadd.f32 v0, v1;
	_ =	sdelay $0x1  }
0x67: {  	[tilespmem:s0+$0x0] =	vst v0  }
0x68: {  	v0 =	vld [tilespmem:s9+$0x10];
	_ =	sdelay $0x1  }
0x69: {  	v1 =	vld [tilespmem:s0+$0x10];
	_ =	sdelay $0x2  }
.Ltmp0:
0x6a: {  	v0 =	vmul.f32 $1.000000010e-01, v0;
	(pc) =	sbr.rel @p0 .LBB2_2-.Ltmp0, $3  }
0x6b: {  	_ = 	snop  }
0x6c: {  	v0 =	vadd.f32 v0, v1;
	_ =	sdelay $0x1  }
0x6d: {  	s9 =	sadd.s32 $0x40, s9;
	[tilespmem:s0+$0x10] =	vst v0  }
0x6e: {  	[hbm4b:s26+s3] =	stream.indirect.scatter [tilespmem:s4], [sflag:$0xB], $0x1, s1, s3, $0xb8;
	[tilespmem:$0xF000] =	vst v63  }
0x6f: {  	_ =	swait.ge [sflag:s11], $0x1000  }
0x70: {  	[sflag:s11] =	ssyncset.done $0x0  }
0x71: {  	[sflag:s11] =	ssyncadd.s32 $0xFFFFF000  }
0x72: {  	_ =	swait.ge [sflag:s11], $0x1000  }
0x73: {  	[sflag:s11] =	ssyncset.done $0x0  }
0x74: {  	[sflag:s11] =	ssyncadd.s32 $0xFFFFF000  }
0x75: {  	[tilespmem:s12], [sflag:$0x8] =	stream.indirect.gather [hbm4b:s22+s3], $0x1, s8, s3, $0xb8;
	[tilespmem:$0xF000] =	vst v63  }
0x76: {  	s0 =	rddreg [dreg:$0x8]  }
0x77: {  	[tilespmem:s13], [sflag:$0x4] =	stream.linear.gather [hbm4b:s0+s1], $0x1000, $0x38;
	[tilespmem:$0xF000] =	vst v63  }
0x78: {  	s5 =	simm.s32 $0x8000;
	s9 =	rddreg [dreg:$0x9]  }
0x79: {  	[tilespmem:s5], [sflag:$0x4] =	stream.linear.gather [hbm4b:s9+s1], $0x1000, $0x38;
	[tilespmem:$0xF000] =	vst v63  }
0x7a: {  	_ =	swait.ge [sflag:s15], $0x1000  }
0x7b: {  	[sflag:s15] =	ssyncset.done $0x0  }
0x7c: {  	s9 =	simm.s32 $0x6020;
	[sflag:s15] =	ssyncadd.s32 $0xFFFFF000  }
0x7d: {  	v0 =	vld [tilespmem:s9+$0xFFFFFFE0]  }
0x7e: {  	s0 =	simm.s32 $0xB020  }
0x7f: {  	v1 =	vld [tilespmem:s0+$0xFFFFFFE0];
	_ =	sdelay $0x2  }
0x80: {  	v0 =	vmul.f32 $1.000000010e-01, v0;
	_ =	sdelay $0x1  }
0x81: {  	v0 =	vadd.f32 v0, v1;
	_ =	sdelay $0x1  }
0x82: {  	[tilespmem:s0+$0xFFFFFFE0] =	vst v0  }
0x83: {  	v0 =	vld [tilespmem:s9+$0xFFFFFFF0];
	_ =	sdelay $0x1  }
0x84: {  	v61 =	vld [tilespmem:s0+$0xFFFFFFF0];
	_ =	sdelay $0x2  }
0x85: {  	v0 =	vmul.f32 $1.000000010e-01, v0;
	_ =	sdelay $0x1  }
0x86: {  	v0 =	vadd.f32 v0, v61;
	_ =	sdelay $0x1  }
0x87: {  	[tilespmem:s0+$0xFFFFFFF0] =	vst v0  }
0x88: {  	v0 =	vld [tilespmem:s9+$0x0];
	_ =	sdelay $0x1  }
0x89: {  	v62 =	vld [tilespmem:s0+$0x0];
	_ =	sdelay $0x2  }
0x8a: {  	v0 =	vmul.f32 $1.000000010e-01, v0;
	_ =	sdelay $0x1  }
0x8b: {  	v0 =	vadd.f32 v0, v62;
	_ =	sdelay $0x1  }
0x8c: {  	[tilespmem:s0+$0x0] =	vst v0  }
0x8d: {  	v0 =	vld [tilespmem:s9+$0x10];
	_ =	sdelay $0x1  }
0x8e: {  	v63 =	vld [tilespmem:s0+$0x10];
	_ =	sdelay $0x2  }
0x8f: {  	v0 =	vmul.f32 $1.000000010e-01, v0;
	_ =	sdelay $0x1  }
0x90: {  	v0 =	vadd.f32 v0, v63;
	_ =	sdelay $0x1  }
0x91: {  	s5 =	simm.s32 $0x0;
	s9 =	simm.s32 $0x6060;
	[tilespmem:s0+$0x10] =	vst v0  }
.LBB2_4:
0x92: {  	v0 =	vld [tilespmem:s9+$0xFFFFFFE0];
	s5 =	sadd.s32 $0x4, s5  }
0x93: {  	s0 =	sadd.s32 $0x40, s0;
	p0 =	slt.u32 s5, $0xFC  }
0x94: {  	v1 =	vld [tilespmem:s0+$0xFFFFFFE0];
	_ =	sdelay $0x2  }
0x95: {  	v0 =	vmul.f32 $1.000000010e-01, v0;
	_ =	sdelay $0x1  }
0x96: {  	v0 =	vadd.f32 v0, v1;
	_ =	sdelay $0x1  }
0x97: {  	[tilespmem:s0+$0xFFFFFFE0] =	vst v0  }
0x98: {  	v0 =	vld [tilespmem:s9+$0xFFFFFFF0];
	_ =	sdelay $0x1  }
0x99: {  	v1 =	vld [tilespmem:s0+$0xFFFFFFF0];
	_ =	sdelay $0x2  }
0x9a: {  	v0 =	vmul.f32 $1.000000010e-01, v0;
	_ =	sdelay $0x1  }
0x9b: {  	v0 =	vadd.f32 v0, v1;
	_ =	sdelay $0x1  }
0x9c: {  	[tilespmem:s0+$0xFFFFFFF0] =	vst v0  }
0x9d: {  	v0 =	vld [tilespmem:s9+$0x0];
	_ =	sdelay $0x1  }
0x9e: {  	v1 =	vld [tilespmem:s0+$0x0];
	_ =	sdelay $0x2  }
0x9f: {  	v0 =	vmul.f32 $1.000000010e-01, v0;
	_ =	sdelay $0x1  }
0xa0: {  	v0 =	vadd.f32 v0, v1;
	_ =	sdelay $0x1  }
0xa1: {  	[tilespmem:s0+$0x0] =	vst v0  }
0xa2: {  	v0 =	vld [tilespmem:s9+$0x10];
	_ =	sdelay $0x1  }
0xa3: {  	v1 =	vld [tilespmem:s0+$0x10];
	_ =	sdelay $0x2  }
.Ltmp1:
0xa4: {  	v0 =	vmul.f32 $1.000000010e-01, v0;
	(pc) =	sbr.rel @p0 .LBB2_4-.Ltmp1, $3  }
0xa5: {  	_ = 	snop  }
0xa6: {  	v0 =	vadd.f32 v0, v1;
	_ =	sdelay $0x1  }
0xa7: {  	s9 =	sadd.s32 $0x40, s9;
	[tilespmem:s0+$0x10] =	vst v0  }
0xa8: {  	[hbm4b:s26+s3] =	stream.indirect.scatter [tilespmem:s7], [sflag:$0xC], $0x1, s3, s3, $0xb8;
	[tilespmem:$0xF000] =	vst v63  }
0xa9: {  	_ =	swait.ge [sflag:s16], $0x1000  }
0xaa: {  	[sflag:s16] =	ssyncset.done $0x0  }
0xab: {  	[sflag:s16] =	ssyncadd.s32 $0xFFFFF000  }
0xac: {  	_ =	swait.ge [sflag:s16], $0x1000  }
0xad: {  	[sflag:s16] =	ssyncset.done $0x0  }
0xae: {  	[sflag:s16] =	ssyncadd.s32 $0xFFFFF000  }
0xaf: {  	[tilespmem:s17], [sflag:$0x9] =	stream.indirect.gather [hbm4b:s22+s3], $0x1, s13, s3, $0xb8;
	[tilespmem:$0xF000] =	vst v63  }
0xb0: {  	s0 =	rddreg [dreg:$0xa]  }
0xb1: {  	[tilespmem:s18], [sflag:$0x5] =	stream.linear.gather [hbm4b:s0+s1], $0x1000, $0x38;
	[tilespmem:$0xF000] =	vst v63  }
0xb2: {  	s5 =	simm.s32 $0x9000;
	s9 =	rddreg [dreg:$0xb]  }
0xb3: {  	[tilespmem:s5], [sflag:$0x5] =	stream.linear.gather [hbm4b:s9+s1], $0x1000, $0x38;
	[tilespmem:$0xF000] =	vst v63  }
0xb4: {  	_ =	swait.ge [sflag:s20], $0x1000  }
0xb5: {  	[sflag:s20] =	ssyncset.done $0x0  }
0xb6: {  	s9 =	simm.s32 $0x7020;
	[sflag:s20] =	ssyncadd.s32 $0xFFFFF000  }
0xb7: {  	v0 =	vld [tilespmem:s9+$0xFFFFFFE0]  }
0xb8: {  	s0 =	simm.s32 $0xC020  }
0xb9: {  	v1 =	vld [tilespmem:s0+$0xFFFFFFE0];
	_ =	sdelay $0x2  }
0xba: {  	v0 =	vmul.f32 $1.000000010e-01, v0;
	_ =	sdelay $0x1  }
0xbb: {  	v0 =	vadd.f32 v0, v1;
	_ =	sdelay $0x1  }
0xbc: {  	[tilespmem:s0+$0xFFFFFFE0] =	vst v0  }
0xbd: {  	v0 =	vld [tilespmem:s9+$0xFFFFFFF0];
	_ =	sdelay $0x1  }
0xbe: {  	v61 =	vld [tilespmem:s0+$0xFFFFFFF0];
	_ =	sdelay $0x2  }
0xbf: {  	v0 =	vmul.f32 $1.000000010e-01, v0;
	_ =	sdelay $0x1  }
0xc0: {  	v0 =	vadd.f32 v0, v61;
	_ =	sdelay $0x1  }
0xc1: {  	[tilespmem:s0+$0xFFFFFFF0] =	vst v0  }
0xc2: {  	v0 =	vld [tilespmem:s9+$0x0];
	_ =	sdelay $0x1  }
0xc3: {  	v62 =	vld [tilespmem:s0+$0x0];
	_ =	sdelay $0x2  }
0xc4: {  	v0 =	vmul.f32 $1.000000010e-01, v0;
	_ =	sdelay $0x1  }
0xc5: {  	v0 =	vadd.f32 v0, v62;
	_ =	sdelay $0x1  }
0xc6: {  	[tilespmem:s0+$0x0] =	vst v0  }
0xc7: {  	v0 =	vld [tilespmem:s9+$0x10];
	_ =	sdelay $0x1  }
0xc8: {  	v63 =	vld [tilespmem:s0+$0x10];
	_ =	sdelay $0x2  }
0xc9: {  	v0 =	vmul.f32 $1.000000010e-01, v0;
	_ =	sdelay $0x1  }
0xca: {  	v0 =	vadd.f32 v0, v63;
	_ =	sdelay $0x1  }
0xcb: {  	s5 =	simm.s32 $0x0;
	s9 =	simm.s32 $0x7060;
	[tilespmem:s0+$0x10] =	vst v0  }
.LBB2_6:
0xcc: {  	v0 =	vld [tilespmem:s9+$0xFFFFFFE0];
	s5 =	sadd.s32 $0x4, s5  }
0xcd: {  	s0 =	sadd.s32 $0x40, s0;
	p0 =	slt.u32 s5, $0xFC  }
0xce: {  	v1 =	vld [tilespmem:s0+$0xFFFFFFE0];
	_ =	sdelay $0x2  }
0xcf: {  	v0 =	vmul.f32 $1.000000010e-01, v0;
	_ =	sdelay $0x1  }
0xd0: {  	v0 =	vadd.f32 v0, v1;
	_ =	sdelay $0x1  }
0xd1: {  	[tilespmem:s0+$0xFFFFFFE0] =	vst v0  }
0xd2: {  	v0 =	vld [tilespmem:s9+$0xFFFFFFF0];
	_ =	sdelay $0x1  }
0xd3: {  	v1 =	vld [tilespmem:s0+$0xFFFFFFF0];
	_ =	sdelay $0x2  }
0xd4: {  	v0 =	vmul.f32 $1.000000010e-01, v0;
	_ =	sdelay $0x1  }
0xd5: {  	v0 =	vadd.f32 v0, v1;
	_ =	sdelay $0x1  }
0xd6: {  	[tilespmem:s0+$0xFFFFFFF0] =	vst v0  }
0xd7: {  	v0 =	vld [tilespmem:s9+$0x0];
	_ =	sdelay $0x1  }
0xd8: {  	v1 =	vld [tilespmem:s0+$0x0];
	_ =	sdelay $0x2  }
0xd9: {  	v0 =	vmul.f32 $1.000000010e-01, v0;
	_ =	sdelay $0x1  }
0xda: {  	v0 =	vadd.f32 v0, v1;
	_ =	sdelay $0x1  }
0xdb: {  	[tilespmem:s0+$0x0] =	vst v0  }
0xdc: {  	v0 =	vld [tilespmem:s9+$0x10];
	_ =	sdelay $0x1  }
0xdd: {  	v1 =	vld [tilespmem:s0+$0x10];
	_ =	sdelay $0x2  }
.Ltmp2:
0xde: {  	v0 =	vmul.f32 $1.000000010e-01, v0;
	(pc) =	sbr.rel @p0 .LBB2_6-.Ltmp2, $3  }
0xdf: {  	_ = 	snop  }
0xe0: {  	v0 =	vadd.f32 v0, v1;
	_ =	sdelay $0x1  }
0xe1: {  	s9 =	sadd.s32 $0x40, s9;
	[tilespmem:s0+$0x10] =	vst v0  }
0xe2: {  	[hbm4b:s26+s3] =	stream.indirect.scatter [tilespmem:s12], [sflag:$0xD], $0x1, s8, s3, $0xb8;
	[tilespmem:$0xF000] =	vst v63  }
0xe3: {  	_ =	swait.ge [sflag:s21], $0x1000  }
0xe4: {  	[sflag:s21] =	ssyncset.done $0x0  }
0xe5: {  	[sflag:s21] =	ssyncadd.s32 $0xFFFFF000  }
0xe6: {  	_ =	swait.ge [sflag:s21], $0x1000  }
0xe7: {  	[sflag:s21] =	ssyncset.done $0x0  }
0xe8: {  	[sflag:s21] =	ssyncadd.s32 $0xFFFFF000  }
0xe9: {  	[tilespmem:s23], [sflag:$0xA] =	stream.indirect.gather [hbm4b:s22+s3], $0x1, s18, s3, $0xb8;
	[tilespmem:$0xF000] =	vst v63  }
0xea: {  	_ =	swait.ge [sflag:s24], $0x1000  }
0xeb: {  	[sflag:s24] =	ssyncset.done $0x0  }
0xec: {  	s0 =	rddreg [dreg:$0xc];
	[sflag:s24] =	ssyncadd.s32 $0xFFFFF000  }
0xed: {  	[tilespmem:s1], [sflag:$0x1] =	stream.linear.gather [hbm4b:s0+s1], $0x1000, $0x38;
	[tilespmem:$0xF000] =	vst v63  }
0xee: {  	s5 =	simm.s32 $0x5000;
	s9 =	rddreg [dreg:$0xd]  }
0xef: {  	[tilespmem:s5], [sflag:$0x1] =	stream.linear.gather [hbm4b:s9+s1], $0x1000, $0x38;
	[tilespmem:$0xF000] =	vst v63  }
0xf0: {  	_ =	swait.ge [sflag:s14], $0x1000  }
0xf1: {  	[sflag:s14] =	ssyncset.done $0x0  }
0xf2: {  	s9 =	simm.s32 $0x8020;
	[sflag:s14] =	ssyncadd.s32 $0xFFFFF000  }
0xf3: {  	v0 =	vld [tilespmem:s9+$0xFFFFFFE0]  }
0xf4: {  	s0 =	simm.s32 $0xD020  }
0xf5: {  	v1 =	vld [tilespmem:s0+$0xFFFFFFE0];
	_ =	sdelay $0x2  }
0xf6: {  	v0 =	vmul.f32 $1.000000010e-01, v0;
	_ =	sdelay $0x1  }
0xf7: {  	v0 =	vadd.f32 v0, v1;
	_ =	sdelay $0x1  }
0xf8: {  	[tilespmem:s0+$0xFFFFFFE0] =	vst v0  }
0xf9: {  	v0 =	vld [tilespmem:s9+$0xFFFFFFF0];
	_ =	sdelay $0x1  }
0xfa: {  	v61 =	vld [tilespmem:s0+$0xFFFFFFF0];
	_ =	sdelay $0x2  }
0xfb: {  	v0 =	vmul.f32 $1.000000010e-01, v0;
	_ =	sdelay $0x1  }
0xfc: {  	v0 =	vadd.f32 v0, v61;
	_ =	sdelay $0x1  }
0xfd: {  	[tilespmem:s0+$0xFFFFFFF0] =	vst v0  }
0xfe: {  	v0 =	vld [tilespmem:s9+$0x0];
	_ =	sdelay $0x1  }
0xff: {  	v62 =	vld [tilespmem:s0+$0x0];
	_ =	sdelay $0x2  }
0x100: {  	v0 =	vmul.f32 $1.000000010e-01, v0;
	_ =	sdelay $0x1  }
0x101: {  	v0 =	vadd.f32 v0, v62;
	_ =	sdelay $0x1  }
0x102: {  	[tilespmem:s0+$0x0] =	vst v0  }
0x103: {  	v0 =	vld [tilespmem:s9+$0x10];
	_ =	sdelay $0x1  }
0x104: {  	v63 =	vld [tilespmem:s0+$0x10];
	_ =	sdelay $0x2  }
0x105: {  	v0 =	vmul.f32 $1.000000010e-01, v0;
	_ =	sdelay $0x1  }
0x106: {  	v0 =	vadd.f32 v0, v63;
	_ =	sdelay $0x1  }
0x107: {  	s5 =	simm.s32 $0x0;
	s9 =	simm.s32 $0x8060;
	[tilespmem:s0+$0x10] =	vst v0  }
.LBB2_8:
0x108: {  	v0 =	vld [tilespmem:s9+$0xFFFFFFE0];
	s5 =	sadd.s32 $0x4, s5  }
0x109: {  	s0 =	sadd.s32 $0x40, s0;
	p0 =	slt.u32 s5, $0xFC  }
0x10a: {  	v1 =	vld [tilespmem:s0+$0xFFFFFFE0];
	_ =	sdelay $0x2  }
0x10b: {  	v0 =	vmul.f32 $1.000000010e-01, v0;
	_ =	sdelay $0x1  }
0x10c: {  	v0 =	vadd.f32 v0, v1;
	_ =	sdelay $0x1  }
0x10d: {  	[tilespmem:s0+$0xFFFFFFE0] =	vst v0  }
0x10e: {  	v0 =	vld [tilespmem:s9+$0xFFFFFFF0];
	_ =	sdelay $0x1  }
0x10f: {  	v1 =	vld [tilespmem:s0+$0xFFFFFFF0];
	_ =	sdelay $0x2  }
0x110: {  	v0 =	vmul.f32 $1.000000010e-01, v0;
	_ =	sdelay $0x1  }
0x111: {  	v0 =	vadd.f32 v0, v1;
	_ =	sdelay $0x1  }
0x112: {  	[tilespmem:s0+$0xFFFFFFF0] =	vst v0  }
0x113: {  	v0 =	vld [tilespmem:s9+$0x0];
	_ =	sdelay $0x1  }
0x114: {  	v1 =	vld [tilespmem:s0+$0x0];
	_ =	sdelay $0x2  }
0x115: {  	v0 =	vmul.f32 $1.000000010e-01, v0;
	_ =	sdelay $0x1  }
0x116: {  	v0 =	vadd.f32 v0, v1;
	_ =	sdelay $0x1  }
0x117: {  	[tilespmem:s0+$0x0] =	vst v0  }
0x118: {  	v0 =	vld [tilespmem:s9+$0x10];
	_ =	sdelay $0x1  }
0x119: {  	v1 =	vld [tilespmem:s0+$0x10];
	_ =	sdelay $0x2  }
.Ltmp3:
0x11a: {  	v0 =	vmul.f32 $1.000000010e-01, v0;
	(pc) =	sbr.rel @p0 .LBB2_8-.Ltmp3, $3  }
0x11b: {  	_ = 	snop  }
0x11c: {  	v0 =	vadd.f32 v0, v1;
	_ =	sdelay $0x1  }
0x11d: {  	s9 =	sadd.s32 $0x40, s9;
	[tilespmem:s0+$0x10] =	vst v0  }
0x11e: {  	[hbm4b:s26+s3] =	stream.indirect.scatter [tilespmem:s17], [sflag:$0xE], $0x1, s13, s3, $0xb8;
	[tilespmem:$0xF000] =	vst v63  }
0x11f: {  	_ =	swait.ge [sflag:s2], $0x1000  }
0x120: {  	[sflag:s2] =	ssyncset.done $0x0  }
0x121: {  	[sflag:s2] =	ssyncadd.s32 $0xFFFFF000  }
0x122: {  	_ =	swait.ge [sflag:s2], $0x1000  }
0x123: {  	[sflag:s2] =	ssyncset.done $0x0  }
0x124: {  	[sflag:s2] =	ssyncadd.s32 $0xFFFFF000  }
0x125: {  	[tilespmem:s4], [sflag:$0x6] =	stream.indirect.gather [hbm4b:s22+s3], $0x1, s1, s3, $0xb8;
	[tilespmem:$0xF000] =	vst v63  }
0x126: {  	_ =	swait.ge [sflag:s28], $0x1000  }
0x127: {  	[sflag:s28] =	ssyncset.done $0x0  }
0x128: {  	s0 =	rddreg [dreg:$0xe];
	[sflag:s28] =	ssyncadd.s32 $0xFFFFF000  }
0x129: {  	[tilespmem:s3], [sflag:$0x2] =	stream.linear.gather [hbm4b:s0+s1], $0x1000, $0x38;
	[tilespmem:$0xF000] =	vst v63  }
0x12a: {  	s5 =	simm.s32 $0x6000;
	s9 =	rddreg [dreg:$0xf]  }
0x12b: {  	[tilespmem:s5], [sflag:$0x2] =	stream.linear.gather [hbm4b:s9+s1], $0x1000, $0x38;
	[tilespmem:$0xF000] =	vst v63  }
0x12c: {  	_ =	swait.ge [sflag:s29], $0x1000  }
0x12d: {  	[sflag:s29] =	ssyncset.done $0x0  }
0x12e: {  	s9 =	simm.s32 $0x9020;
	[sflag:s29] =	ssyncadd.s32 $0xFFFFF000  }
0x12f: {  	v0 =	vld [tilespmem:s9+$0xFFFFFFE0]  }
0x130: {  	s0 =	simm.s32 $0xE020  }
0x131: {  	v1 =	vld [tilespmem:s0+$0xFFFFFFE0];
	_ =	sdelay $0x2  }
0x132: {  	v0 =	vmul.f32 $1.000000010e-01, v0;
	_ =	sdelay $0x1  }
0x133: {  	v0 =	vadd.f32 v0, v1;
	_ =	sdelay $0x1  }
0x134: {  	[tilespmem:s0+$0xFFFFFFE0] =	vst v0  }
0x135: {  	v0 =	vld [tilespmem:s9+$0xFFFFFFF0];
	_ =	sdelay $0x1  }
0x136: {  	v61 =	vld [tilespmem:s0+$0xFFFFFFF0];
	_ =	sdelay $0x2  }
0x137: {  	v0 =	vmul.f32 $1.000000010e-01, v0;
	_ =	sdelay $0x1  }
0x138: {  	v0 =	vadd.f32 v0, v61;
	_ =	sdelay $0x1  }
0x139: {  	[tilespmem:s0+$0xFFFFFFF0] =	vst v0  }
0x13a: {  	v0 =	vld [tilespmem:s9+$0x0];
	_ =	sdelay $0x1  }
0x13b: {  	v62 =	vld [tilespmem:s0+$0x0];
	_ =	sdelay $0x2  }
0x13c: {  	v0 =	vmul.f32 $1.000000010e-01, v0;
	_ =	sdelay $0x1  }
0x13d: {  	v0 =	vadd.f32 v0, v62;
	_ =	sdelay $0x1  }
0x13e: {  	[tilespmem:s0+$0x0] =	vst v0  }
0x13f: {  	v0 =	vld [tilespmem:s9+$0x10];
	_ =	sdelay $0x1  }
0x140: {  	v63 =	vld [tilespmem:s0+$0x10];
	_ =	sdelay $0x2  }
0x141: {  	v0 =	vmul.f32 $1.000000010e-01, v0;
	_ =	sdelay $0x1  }
0x142: {  	v0 =	vadd.f32 v0, v63;
	_ =	sdelay $0x1  }
0x143: {  	s5 =	simm.s32 $0x0;
	s9 =	simm.s32 $0x9060;
	[tilespmem:s0+$0x10] =	vst v0  }
.LBB2_10:
0x144: {  	v0 =	vld [tilespmem:s9+$0xFFFFFFE0];
	s5 =	sadd.s32 $0x4, s5  }
0x145: {  	s0 =	sadd.s32 $0x40, s0;
	p0 =	slt.u32 s5, $0xFC  }
0x146: {  	v1 =	vld [tilespmem:s0+$0xFFFFFFE0];
	_ =	sdelay $0x2  }
0x147: {  	v0 =	vmul.f32 $1.000000010e-01, v0;
	_ =	sdelay $0x1  }
0x148: {  	v0 =	vadd.f32 v0, v1;
	_ =	sdelay $0x1  }
0x149: {  	[tilespmem:s0+$0xFFFFFFE0] =	vst v0  }
0x14a: {  	v0 =	vld [tilespmem:s9+$0xFFFFFFF0];
	_ =	sdelay $0x1  }
0x14b: {  	v1 =	vld [tilespmem:s0+$0xFFFFFFF0];
	_ =	sdelay $0x2  }
0x14c: {  	v0 =	vmul.f32 $1.000000010e-01, v0;
	_ =	sdelay $0x1  }
0x14d: {  	v0 =	vadd.f32 v0, v1;
	_ =	sdelay $0x1  }
0x14e: {  	[tilespmem:s0+$0xFFFFFFF0] =	vst v0  }
0x14f: {  	v0 =	vld [tilespmem:s9+$0x0];
	_ =	sdelay $0x1  }
0x150: {  	v1 =	vld [tilespmem:s0+$0x0];
	_ =	sdelay $0x2  }
0x151: {  	v0 =	vmul.f32 $1.000000010e-01, v0;
	_ =	sdelay $0x1  }
0x152: {  	v0 =	vadd.f32 v0, v1;
	_ =	sdelay $0x1  }
0x153: {  	[tilespmem:s0+$0x0] =	vst v0  }
0x154: {  	v0 =	vld [tilespmem:s9+$0x10];
	_ =	sdelay $0x1  }
0x155: {  	v1 =	vld [tilespmem:s0+$0x10];
	_ =	sdelay $0x2  }
.Ltmp4:
0x156: {  	v0 =	vmul.f32 $1.000000010e-01, v0;
	(pc) =	sbr.rel @p0 .LBB2_10-.Ltmp4, $3  }
0x157: {  	_ = 	snop  }
0x158: {  	v0 =	vadd.f32 v0, v1;
	_ =	sdelay $0x1  }
0x159: {  	s9 =	sadd.s32 $0x40, s9;
	[tilespmem:s0+$0x10] =	vst v0  }
0x15a: {  	[hbm4b:s26+s3] =	stream.indirect.scatter [tilespmem:s23], [sflag:$0xF], $0x1, s18, s3, $0xb8;
	[tilespmem:$0xF000] =	vst v63  }
0x15b: {  	_ =	swait.ge [sflag:s6], $0x1000  }
0x15c: {  	[sflag:s6] =	ssyncset.done $0x0  }
0x15d: {  	[sflag:s6] =	ssyncadd.s32 $0xFFFFF000  }
0x15e: {  	_ =	swait.ge [sflag:s6], $0x1000  }
0x15f: {  	[sflag:s6] =	ssyncset.done $0x0  }
0x160: {  	[sflag:s6] =	ssyncadd.s32 $0xFFFFF000  }
0x161: {  	[tilespmem:s7], [sflag:$0x7] =	stream.indirect.gather [hbm4b:s22+s3], $0x1, s3, s3, $0xb8;
	[tilespmem:$0xF000] =	vst v63  }
0x162: {  	_ =	swait.ge [sflag:s30], $0x1000  }
0x163: {  	[sflag:s30] =	ssyncset.done $0x0  }
0x164: {  	s0 =	rddreg [dreg:$0x10];
	[sflag:s30] =	ssyncadd.s32 $0xFFFFF000  }
0x165: {  	[tilespmem:s8], [sflag:$0x3] =	stream.linear.gather [hbm4b:s0+s1], $0x1000, $0x38;
	[tilespmem:$0xF000] =	vst v63  }
0x166: {  	s5 =	simm.s32 $0x7000;
	s9 =	rddreg [dreg:$0x11]  }
0x167: {  	[tilespmem:s5], [sflag:$0x3] =	stream.linear.gather [hbm4b:s9+s1], $0x1000, $0x38;
	[tilespmem:$0xF000] =	vst v63  }
0x168: {  	_ =	swait.ge [sflag:s10], $0x1000  }
0x169: {  	[sflag:s10] =	ssyncset.done $0x0  }
0x16a: {  	s9 =	simm.s32 $0x5020;
	[sflag:s10] =	ssyncadd.s32 $0xFFFFF000  }
0x16b: {  	v0 =	vld [tilespmem:s9+$0xFFFFFFE0]  }
0x16c: {  	s0 =	simm.s32 $0xA020  }
0x16d: {  	v1 =	vld [tilespmem:s0+$0xFFFFFFE0];
	_ =	sdelay $0x2  }
0x16e: {  	v0 =	vmul.f32 $1.000000010e-01, v0;
	_ =	sdelay $0x1  }
0x16f: {  	v0 =	vadd.f32 v0, v1;
	_ =	sdelay $0x1  }
0x170: {  	[tilespmem:s0+$0xFFFFFFE0] =	vst v0  }
0x171: {  	v0 =	vld [tilespmem:s9+$0xFFFFFFF0];
	_ =	sdelay $0x1  }
0x172: {  	v61 =	vld [tilespmem:s0+$0xFFFFFFF0];
	_ =	sdelay $0x2  }
0x173: {  	v0 =	vmul.f32 $1.000000010e-01, v0;
	_ =	sdelay $0x1  }
0x174: {  	v0 =	vadd.f32 v0, v61;
	_ =	sdelay $0x1  }
0x175: {  	[tilespmem:s0+$0xFFFFFFF0] =	vst v0  }
0x176: {  	v0 =	vld [tilespmem:s9+$0x0];
	_ =	sdelay $0x1  }
0x177: {  	v62 =	vld [tilespmem:s0+$0x0];
	_ =	sdelay $0x2  }
0x178: {  	v0 =	vmul.f32 $1.000000010e-01, v0;
	_ =	sdelay $0x1  }
0x179: {  	v0 =	vadd.f32 v0, v62;
	_ =	sdelay $0x1  }
0x17a: {  	[tilespmem:s0+$0x0] =	vst v0  }
0x17b: {  	v0 =	vld [tilespmem:s9+$0x10];
	_ =	sdelay $0x1  }
0x17c: {  	v63 =	vld [tilespmem:s0+$0x10];
	_ =	sdelay $0x2  }
0x17d: {  	v0 =	vmul.f32 $1.000000010e-01, v0;
	_ =	sdelay $0x1  }
0x17e: {  	v0 =	vadd.f32 v0, v63;
	_ =	sdelay $0x1  }
0x17f: {  	s5 =	simm.s32 $0x0;
	s9 =	simm.s32 $0x5060;
	[tilespmem:s0+$0x10] =	vst v0  }
.LBB2_12:
0x180: {  	v0 =	vld [tilespmem:s9+$0xFFFFFFE0];
	s5 =	sadd.s32 $0x4, s5  }
0x181: {  	s0 =	sadd.s32 $0x40, s0;
	p0 =	slt.u32 s5, $0xFC  }
0x182: {  	v1 =	vld [tilespmem:s0+$0xFFFFFFE0];
	_ =	sdelay $0x2  }
0x183: {  	v0 =	vmul.f32 $1.000000010e-01, v0;
	_ =	sdelay $0x1  }
0x184: {  	v0 =	vadd.f32 v0, v1;
	_ =	sdelay $0x1  }
0x185: {  	[tilespmem:s0+$0xFFFFFFE0] =	vst v0  }
0x186: {  	v0 =	vld [tilespmem:s9+$0xFFFFFFF0];
	_ =	sdelay $0x1  }
0x187: {  	v1 =	vld [tilespmem:s0+$0xFFFFFFF0];
	_ =	sdelay $0x2  }
0x188: {  	v0 =	vmul.f32 $1.000000010e-01, v0;
	_ =	sdelay $0x1  }
0x189: {  	v0 =	vadd.f32 v0, v1;
	_ =	sdelay $0x1  }
0x18a: {  	[tilespmem:s0+$0xFFFFFFF0] =	vst v0  }
0x18b: {  	v0 =	vld [tilespmem:s9+$0x0];
	_ =	sdelay $0x1  }
0x18c: {  	v1 =	vld [tilespmem:s0+$0x0];
	_ =	sdelay $0x2  }
0x18d: {  	v0 =	vmul.f32 $1.000000010e-01, v0;
	_ =	sdelay $0x1  }
0x18e: {  	v0 =	vadd.f32 v0, v1;
	_ =	sdelay $0x1  }
0x18f: {  	[tilespmem:s0+$0x0] =	vst v0  }
0x190: {  	v0 =	vld [tilespmem:s9+$0x10];
	_ =	sdelay $0x1  }
0x191: {  	v1 =	vld [tilespmem:s0+$0x10];
	_ =	sdelay $0x2  }
.Ltmp5:
0x192: {  	v0 =	vmul.f32 $1.000000010e-01, v0;
	(pc) =	sbr.rel @p0 .LBB2_12-.Ltmp5, $3  }
0x193: {  	_ = 	snop  }
0x194: {  	v0 =	vadd.f32 v0, v1;
	_ =	sdelay $0x1  }
0x195: {  	s9 =	sadd.s32 $0x40, s9;
	[tilespmem:s0+$0x10] =	vst v0  }
0x196: {  	[hbm4b:s26+s3] =	stream.indirect.scatter [tilespmem:s4], [sflag:$0xB], $0x1, s1, s3, $0xb8;
	[tilespmem:$0xF000] =	vst v63  }
0x197: {  	_ =	swait.ge [sflag:s11], $0x1000  }
0x198: {  	[sflag:s11] =	ssyncset.done $0x0  }
0x199: {  	[sflag:s11] =	ssyncadd.s32 $0xFFFFF000  }
0x19a: {  	_ =	swait.ge [sflag:s11], $0x1000  }
0x19b: {  	[sflag:s11] =	ssyncset.done $0x0  }
0x19c: {  	[sflag:s11] =	ssyncadd.s32 $0xFFFFF000  }
0x19d: {  	[tilespmem:s12], [sflag:$0x8] =	stream.indirect.gather [hbm4b:s22+s3], $0x1, s8, s3, $0xb8;
	[tilespmem:$0xF000] =	vst v63  }
0x19e: {  	_ =	swait.ge [sflag:s19], $0x1000  }
0x19f: {  	[sflag:s19] =	ssyncset.done $0x0  }
0x1a0: {  	s0 =	rddreg [dreg:$0x12];
	[sflag:s19] =	ssyncadd.s32 $0xFFFFF000  }
0x1a1: {  	[tilespmem:s13], [sflag:$0x4] =	stream.linear.gather [hbm4b:s0+s1], $0x1000, $0x38;
	[tilespmem:$0xF000] =	vst v63  }
0x1a2: {  	s5 =	simm.s32 $0x8000;
	s9 =	rddreg [dreg:$0x13]  }
0x1a3: {  	[tilespmem:s5], [sflag:$0x4] =	stream.linear.gather [hbm4b:s9+s1], $0x1000, $0x38;
	[tilespmem:$0xF000] =	vst v63  }
0x1a4: {  	_ =	swait.ge [sflag:s15], $0x1000  }
0x1a5: {  	[sflag:s15] =	ssyncset.done $0x0  }
0x1a6: {  	s9 =	simm.s32 $0x6020;
	[sflag:s15] =	ssyncadd.s32 $0xFFFFF000  }
0x1a7: {  	v0 =	vld [tilespmem:s9+$0xFFFFFFE0]  }
0x1a8: {  	s0 =	simm.s32 $0xB020  }
0x1a9: {  	v1 =	vld [tilespmem:s0+$0xFFFFFFE0];
	_ =	sdelay $0x2  }
0x1aa: {  	v0 =	vmul.f32 $1.000000010e-01, v0;
	_ =	sdelay $0x1  }
0x1ab: {  	v0 =	vadd.f32 v0, v1;
	_ =	sdelay $0x1  }
0x1ac: {  	[tilespmem:s0+$0xFFFFFFE0] =	vst v0  }
0x1ad: {  	v0 =	vld [tilespmem:s9+$0xFFFFFFF0];
	_ =	sdelay $0x1  }
0x1ae: {  	v61 =	vld [tilespmem:s0+$0xFFFFFFF0];
	_ =	sdelay $0x2  }
0x1af: {  	v0 =	vmul.f32 $1.000000010e-01, v0;
	_ =	sdelay $0x1  }
0x1b0: {  	v0 =	vadd.f32 v0, v61;
	_ =	sdelay $0x1  }
0x1b1: {  	[tilespmem:s0+$0xFFFFFFF0] =	vst v0  }
0x1b2: {  	v0 =	vld [tilespmem:s9+$0x0];
	_ =	sdelay $0x1  }
0x1b3: {  	v62 =	vld [tilespmem:s0+$0x0];
	_ =	sdelay $0x2  }
0x1b4: {  	v0 =	vmul.f32 $1.000000010e-01, v0;
	_ =	sdelay $0x1  }
0x1b5: {  	v0 =	vadd.f32 v0, v62;
	_ =	sdelay $0x1  }
0x1b6: {  	[tilespmem:s0+$0x0] =	vst v0  }
0x1b7: {  	v0 =	vld [tilespmem:s9+$0x10];
	_ =	sdelay $0x1  }
0x1b8: {  	v63 =	vld [tilespmem:s0+$0x10];
	_ =	sdelay $0x2  }
0x1b9: {  	v0 =	vmul.f32 $1.000000010e-01, v0;
	_ =	sdelay $0x1  }
0x1ba: {  	v0 =	vadd.f32 v0, v63;
	_ =	sdelay $0x1  }
0x1bb: {  	s5 =	simm.s32 $0x0;
	s9 =	simm.s32 $0x6060;
	[tilespmem:s0+$0x10] =	vst v0  }
.LBB2_14:
0x1bc: {  	v0 =	vld [tilespmem:s9+$0xFFFFFFE0];
	s5 =	sadd.s32 $0x4, s5  }
0x1bd: {  	s0 =	sadd.s32 $0x40, s0;
	p0 =	slt.u32 s5, $0xFC  }
0x1be: {  	v1 =	vld [tilespmem:s0+$0xFFFFFFE0];
	_ =	sdelay $0x2  }
0x1bf: {  	v0 =	vmul.f32 $1.000000010e-01, v0;
	_ =	sdelay $0x1  }
0x1c0: {  	v0 =	vadd.f32 v0, v1;
	_ =	sdelay $0x1  }
0x1c1: {  	[tilespmem:s0+$0xFFFFFFE0] =	vst v0  }
0x1c2: {  	v0 =	vld [tilespmem:s9+$0xFFFFFFF0];
	_ =	sdelay $0x1  }
0x1c3: {  	v1 =	vld [tilespmem:s0+$0xFFFFFFF0];
	_ =	sdelay $0x2  }
0x1c4: {  	v0 =	vmul.f32 $1.000000010e-01, v0;
	_ =	sdelay $0x1  }
0x1c5: {  	v0 =	vadd.f32 v0, v1;
	_ =	sdelay $0x1  }
0x1c6: {  	[tilespmem:s0+$0xFFFFFFF0] =	vst v0  }
0x1c7: {  	v0 =	vld [tilespmem:s9+$0x0];
	_ =	sdelay $0x1  }
0x1c8: {  	v1 =	vld [tilespmem:s0+$0x0];
	_ =	sdelay $0x2  }
0x1c9: {  	v0 =	vmul.f32 $1.000000010e-01, v0;
	_ =	sdelay $0x1  }
0x1ca: {  	v0 =	vadd.f32 v0, v1;
	_ =	sdelay $0x1  }
0x1cb: {  	[tilespmem:s0+$0x0] =	vst v0  }
0x1cc: {  	v0 =	vld [tilespmem:s9+$0x10];
	_ =	sdelay $0x1  }
0x1cd: {  	v1 =	vld [tilespmem:s0+$0x10];
	_ =	sdelay $0x2  }
.Ltmp6:
0x1ce: {  	v0 =	vmul.f32 $1.000000010e-01, v0;
	(pc) =	sbr.rel @p0 .LBB2_14-.Ltmp6, $3  }
0x1cf: {  	_ = 	snop  }
0x1d0: {  	v0 =	vadd.f32 v0, v1;
	_ =	sdelay $0x1  }
0x1d1: {  	s9 =	sadd.s32 $0x40, s9;
	[tilespmem:s0+$0x10] =	vst v0  }
0x1d2: {  	[hbm4b:s26+s3] =	stream.indirect.scatter [tilespmem:s7], [sflag:$0xC], $0x1, s3, s3, $0xb8;
	[tilespmem:$0xF000] =	vst v63  }
0x1d3: {  	_ =	swait.ge [sflag:s16], $0x1000  }
0x1d4: {  	[sflag:s16] =	ssyncset.done $0x0  }
0x1d5: {  	[sflag:s16] =	ssyncadd.s32 $0xFFFFF000  }
0x1d6: {  	_ =	swait.ge [sflag:s16], $0x1000  }
0x1d7: {  	[sflag:s16] =	ssyncset.done $0x0  }
0x1d8: {  	[sflag:s16] =	ssyncadd.s32 $0xFFFFF000  }
0x1d9: {  	[tilespmem:s17], [sflag:$0x9] =	stream.indirect.gather [hbm4b:s22+s3], $0x1, s13, s3, $0xb8;
	[tilespmem:$0xF000] =	vst v63  }
0x1da: {  	_ =	swait.ge [sflag:s31], $0x1000  }
0x1db: {  	[sflag:s31] =	ssyncset.done $0x0  }
0x1dc: {  	s0 =	rddreg [dreg:$0x14];
	[sflag:s31] =	ssyncadd.s32 $0xFFFFF000  }
0x1dd: {  	[tilespmem:s18], [sflag:$0x5] =	stream.linear.gather [hbm4b:s0+s1], $0x1000, $0x38;
	[tilespmem:$0xF000] =	vst v63  }
0x1de: {  	s5 =	simm.s32 $0x9000;
	s9 =	rddreg [dreg:$0x15]  }
0x1df: {  	[tilespmem:s5], [sflag:$0x5] =	stream.linear.gather [hbm4b:s9+s1], $0x1000, $0x38;
	[tilespmem:$0xF000] =	vst v63  }
0x1e0: {  	_ =	swait.ge [sflag:s20], $0x1000  }
0x1e1: {  	[sflag:s20] =	ssyncset.done $0x0  }
0x1e2: {  	s9 =	simm.s32 $0x7020;
	[sflag:s20] =	ssyncadd.s32 $0xFFFFF000  }
0x1e3: {  	v0 =	vld [tilespmem:s9+$0xFFFFFFE0]  }
0x1e4: {  	s0 =	simm.s32 $0xC020  }
0x1e5: {  	v1 =	vld [tilespmem:s0+$0xFFFFFFE0];
	_ =	sdelay $0x2  }
0x1e6: {  	v0 =	vmul.f32 $1.000000010e-01, v0;
	_ =	sdelay $0x1  }
0x1e7: {  	v0 =	vadd.f32 v0, v1;
	_ =	sdelay $0x1  }
0x1e8: {  	[tilespmem:s0+$0xFFFFFFE0] =	vst v0  }
0x1e9: {  	v0 =	vld [tilespmem:s9+$0xFFFFFFF0];
	_ =	sdelay $0x1  }
0x1ea: {  	v61 =	vld [tilespmem:s0+$0xFFFFFFF0];
	_ =	sdelay $0x2  }
0x1eb: {  	v0 =	vmul.f32 $1.000000010e-01, v0;
	_ =	sdelay $0x1  }
0x1ec: {  	v0 =	vadd.f32 v0, v61;
	_ =	sdelay $0x1  }
0x1ed: {  	[tilespmem:s0+$0xFFFFFFF0] =	vst v0  }
0x1ee: {  	v0 =	vld [tilespmem:s9+$0x0];
	_ =	sdelay $0x1  }
0x1ef: {  	v62 =	vld [tilespmem:s0+$0x0];
	_ =	sdelay $0x2  }
0x1f0: {  	v0 =	vmul.f32 $1.000000010e-01, v0;
	_ =	sdelay $0x1  }
0x1f1: {  	v0 =	vadd.f32 v0, v62;
	_ =	sdelay $0x1  }
0x1f2: {  	[tilespmem:s0+$0x0] =	vst v0  }
0x1f3: {  	v0 =	vld [tilespmem:s9+$0x10];
	_ =	sdelay $0x1  }
0x1f4: {  	v63 =	vld [tilespmem:s0+$0x10];
	_ =	sdelay $0x2  }
0x1f5: {  	v0 =	vmul.f32 $1.000000010e-01, v0;
	_ =	sdelay $0x1  }
0x1f6: {  	v0 =	vadd.f32 v0, v63;
	_ =	sdelay $0x1  }
0x1f7: {  	s5 =	simm.s32 $0x0;
	s9 =	simm.s32 $0x7060;
	[tilespmem:s0+$0x10] =	vst v0  }
.LBB2_16:
0x1f8: {  	v0 =	vld [tilespmem:s9+$0xFFFFFFE0];
	s5 =	sadd.s32 $0x4, s5  }
0x1f9: {  	s0 =	sadd.s32 $0x40, s0;
	p0 =	slt.u32 s5, $0xFC  }
0x1fa: {  	v1 =	vld [tilespmem:s0+$0xFFFFFFE0];
	_ =	sdelay $0x2  }
0x1fb: {  	v0 =	vmul.f32 $1.000000010e-01, v0;
	_ =	sdelay $0x1  }
0x1fc: {  	v0 =	vadd.f32 v0, v1;
	_ =	sdelay $0x1  }
0x1fd: {  	[tilespmem:s0+$0xFFFFFFE0] =	vst v0  }
0x1fe: {  	v0 =	vld [tilespmem:s9+$0xFFFFFFF0];
	_ =	sdelay $0x1  }
0x1ff: {  	v1 =	vld [tilespmem:s0+$0xFFFFFFF0];
	_ =	sdelay $0x2  }
0x200: {  	v0 =	vmul.f32 $1.000000010e-01, v0;
	_ =	sdelay $0x1  }
0x201: {  	v0 =	vadd.f32 v0, v1;
	_ =	sdelay $0x1  }
0x202: {  	[tilespmem:s0+$0xFFFFFFF0] =	vst v0  }
0x203: {  	v0 =	vld [tilespmem:s9+$0x0];
	_ =	sdelay $0x1  }
0x204: {  	v1 =	vld [tilespmem:s0+$0x0];
	_ =	sdelay $0x2  }
0x205: {  	v0 =	vmul.f32 $1.000000010e-01, v0;
	_ =	sdelay $0x1  }
0x206: {  	v0 =	vadd.f32 v0, v1;
	_ =	sdelay $0x1  }
0x207: {  	[tilespmem:s0+$0x0] =	vst v0  }
0x208: {  	v0 =	vld [tilespmem:s9+$0x10];
	_ =	sdelay $0x1  }
0x209: {  	v1 =	vld [tilespmem:s0+$0x10];
	_ =	sdelay $0x2  }
.Ltmp7:
0x20a: {  	v0 =	vmul.f32 $1.000000010e-01, v0;
	(pc) =	sbr.rel @p0 .LBB2_16-.Ltmp7, $3  }
0x20b: {  	_ = 	snop  }
0x20c: {  	v0 =	vadd.f32 v0, v1;
	_ =	sdelay $0x1  }
0x20d: {  	s9 =	sadd.s32 $0x40, s9;
	[tilespmem:s0+$0x10] =	vst v0  }
0x20e: {  	[hbm4b:s26+s3] =	stream.indirect.scatter [tilespmem:s12], [sflag:$0xD], $0x1, s8, s3, $0xb8;
	[tilespmem:$0xF000] =	vst v63  }
0x20f: {  	_ =	swait.ge [sflag:s21], $0x1000  }
0x210: {  	[sflag:s21] =	ssyncset.done $0x0  }
0x211: {  	[sflag:s21] =	ssyncadd.s32 $0xFFFFF000  }
0x212: {  	_ =	swait.ge [sflag:s21], $0x1000  }
0x213: {  	[sflag:s21] =	ssyncset.done $0x0  }
0x214: {  	[sflag:s21] =	ssyncadd.s32 $0xFFFFF000  }
0x215: {  	[tilespmem:s23], [sflag:$0xA] =	stream.indirect.gather [hbm4b:s22+s3], $0x1, s18, s3, $0xb8;
	[tilespmem:$0xF000] =	vst v63  }
0x216: {  	_ =	swait.ge [sflag:s24], $0x1000  }
0x217: {  	[sflag:s24] =	ssyncset.done $0x0  }
0x218: {  	s0 =	rddreg [dreg:$0x16];
	[sflag:s24] =	ssyncadd.s32 $0xFFFFF000  }
0x219: {  	[tilespmem:s1], [sflag:$0x1] =	stream.linear.gather [hbm4b:s0+s1], $0x1000, $0x38;
	[tilespmem:$0xF000] =	vst v63  }
0x21a: {  	s5 =	simm.s32 $0x5000;
	s9 =	rddreg [dreg:$0x17]  }
0x21b: {  	[tilespmem:s5], [sflag:$0x1] =	stream.linear.gather [hbm4b:s9+s1], $0x1000, $0x38;
	[tilespmem:$0xF000] =	vst v63  }
0x21c: {  	_ =	swait.ge [sflag:s14], $0x1000  }
0x21d: {  	[sflag:s14] =	ssyncset.done $0x0  }
0x21e: {  	s9 =	simm.s32 $0x8020;
	[sflag:s14] =	ssyncadd.s32 $0xFFFFF000  }
0x21f: {  	v0 =	vld [tilespmem:s9+$0xFFFFFFE0]  }
0x220: {  	s0 =	simm.s32 $0xD020  }
0x221: {  	v1 =	vld [tilespmem:s0+$0xFFFFFFE0];
	_ =	sdelay $0x2  }
0x222: {  	v0 =	vmul.f32 $1.000000010e-01, v0;
	_ =	sdelay $0x1  }
0x223: {  	v0 =	vadd.f32 v0, v1;
	_ =	sdelay $0x1  }
0x224: {  	[tilespmem:s0+$0xFFFFFFE0] =	vst v0  }
0x225: {  	v0 =	vld [tilespmem:s9+$0xFFFFFFF0];
	_ =	sdelay $0x1  }
0x226: {  	v61 =	vld [tilespmem:s0+$0xFFFFFFF0];
	_ =	sdelay $0x2  }
0x227: {  	v0 =	vmul.f32 $1.000000010e-01, v0;
	_ =	sdelay $0x1  }
0x228: {  	v0 =	vadd.f32 v0, v61;
	_ =	sdelay $0x1  }
0x229: {  	[tilespmem:s0+$0xFFFFFFF0] =	vst v0  }
0x22a: {  	v0 =	vld [tilespmem:s9+$0x0];
	_ =	sdelay $0x1  }
0x22b: {  	v62 =	vld [tilespmem:s0+$0x0];
	_ =	sdelay $0x2  }
0x22c: {  	v0 =	vmul.f32 $1.000000010e-01, v0;
	_ =	sdelay $0x1  }
0x22d: {  	v0 =	vadd.f32 v0, v62;
	_ =	sdelay $0x1  }
0x22e: {  	[tilespmem:s0+$0x0] =	vst v0  }
0x22f: {  	v0 =	vld [tilespmem:s9+$0x10];
	_ =	sdelay $0x1  }
0x230: {  	v63 =	vld [tilespmem:s0+$0x10];
	_ =	sdelay $0x2  }
0x231: {  	v0 =	vmul.f32 $1.000000010e-01, v0;
	_ =	sdelay $0x1  }
0x232: {  	v0 =	vadd.f32 v0, v63;
	_ =	sdelay $0x1  }
0x233: {  	s5 =	simm.s32 $0x0;
	s9 =	simm.s32 $0x8060;
	[tilespmem:s0+$0x10] =	vst v0  }
.LBB2_18:
0x234: {  	v0 =	vld [tilespmem:s9+$0xFFFFFFE0];
	s5 =	sadd.s32 $0x4, s5  }
0x235: {  	s0 =	sadd.s32 $0x40, s0;
	p0 =	slt.u32 s5, $0xFC  }
0x236: {  	v1 =	vld [tilespmem:s0+$0xFFFFFFE0];
	_ =	sdelay $0x2  }
0x237: {  	v0 =	vmul.f32 $1.000000010e-01, v0;
	_ =	sdelay $0x1  }
0x238: {  	v0 =	vadd.f32 v0, v1;
	_ =	sdelay $0x1  }
0x239: {  	[tilespmem:s0+$0xFFFFFFE0] =	vst v0  }
0x23a: {  	v0 =	vld [tilespmem:s9+$0xFFFFFFF0];
	_ =	sdelay $0x1  }
0x23b: {  	v1 =	vld [tilespmem:s0+$0xFFFFFFF0];
	_ =	sdelay $0x2  }
0x23c: {  	v0 =	vmul.f32 $1.000000010e-01, v0;
	_ =	sdelay $0x1  }
0x23d: {  	v0 =	vadd.f32 v0, v1;
	_ =	sdelay $0x1  }
0x23e: {  	[tilespmem:s0+$0xFFFFFFF0] =	vst v0  }
0x23f: {  	v0 =	vld [tilespmem:s9+$0x0];
	_ =	sdelay $0x1  }
0x240: {  	v1 =	vld [tilespmem:s0+$0x0];
	_ =	sdelay $0x2  }
0x241: {  	v0 =	vmul.f32 $1.000000010e-01, v0;
	_ =	sdelay $0x1  }
0x242: {  	v0 =	vadd.f32 v0, v1;
	_ =	sdelay $0x1  }
0x243: {  	[tilespmem:s0+$0x0] =	vst v0  }
0x244: {  	v0 =	vld [tilespmem:s9+$0x10];
	_ =	sdelay $0x1  }
0x245: {  	v1 =	vld [tilespmem:s0+$0x10];
	_ =	sdelay $0x2  }
.Ltmp8:
0x246: {  	v0 =	vmul.f32 $1.000000010e-01, v0;
	(pc) =	sbr.rel @p0 .LBB2_18-.Ltmp8, $3  }
0x247: {  	_ = 	snop  }
0x248: {  	v0 =	vadd.f32 v0, v1;
	_ =	sdelay $0x1  }
0x249: {  	s9 =	sadd.s32 $0x40, s9;
	[tilespmem:s0+$0x10] =	vst v0  }
0x24a: {  	[hbm4b:s26+s3] =	stream.indirect.scatter [tilespmem:s17], [sflag:$0xE], $0x1, s13, s3, $0xb8;
	[tilespmem:$0xF000] =	vst v63  }
0x24b: {  	_ =	swait.ge [sflag:s2], $0x1000  }
0x24c: {  	[sflag:s2] =	ssyncset.done $0x0  }
0x24d: {  	[sflag:s2] =	ssyncadd.s32 $0xFFFFF000  }
0x24e: {  	_ =	swait.ge [sflag:s2], $0x1000  }
0x24f: {  	[sflag:s2] =	ssyncset.done $0x0  }
0x250: {  	[sflag:s2] =	ssyncadd.s32 $0xFFFFF000  }
0x251: {  	[tilespmem:s4], [sflag:$0x6] =	stream.indirect.gather [hbm4b:s22+s3], $0x1, s1, s3, $0xb8;
	[tilespmem:$0xF000] =	vst v63  }
0x252: {  	_ =	swait.ge [sflag:s28], $0x1000  }
0x253: {  	[sflag:s28] =	ssyncset.done $0x0  }
0x254: {  	s0 =	rddreg [dreg:$0x1a];
	[sflag:s28] =	ssyncadd.s32 $0xFFFFF000  }
0x255: {  	[tilespmem:s3], [sflag:$0x2] =	stream.linear.gather [hbm4b:s0+s1], $0x1000, $0x38;
	[tilespmem:$0xF000] =	vst v63  }
0x256: {  	s5 =	simm.s32 $0x6000;
	s9 =	rddreg [dreg:$0x1b]  }
0x257: {  	[tilespmem:s5], [sflag:$0x2] =	stream.linear.gather [hbm4b:s9+s1], $0x1000, $0x38;
	[tilespmem:$0xF000] =	vst v63  }
0x258: {  	_ =	swait.ge [sflag:s29], $0x1000  }
0x259: {  	[sflag:s29] =	ssyncset.done $0x0  }
0x25a: {  	s9 =	simm.s32 $0x9020;
	[sflag:s29] =	ssyncadd.s32 $0xFFFFF000  }
0x25b: {  	v0 =	vld [tilespmem:s9+$0xFFFFFFE0]  }
0x25c: {  	s0 =	simm.s32 $0xE020  }
0x25d: {  	v1 =	vld [tilespmem:s0+$0xFFFFFFE0];
	_ =	sdelay $0x2  }
0x25e: {  	v0 =	vmul.f32 $1.000000010e-01, v0;
	_ =	sdelay $0x1  }
0x25f: {  	v0 =	vadd.f32 v0, v1;
	_ =	sdelay $0x1  }
0x260: {  	[tilespmem:s0+$0xFFFFFFE0] =	vst v0  }
0x261: {  	v0 =	vld [tilespmem:s9+$0xFFFFFFF0];
	_ =	sdelay $0x1  }
0x262: {  	v61 =	vld [tilespmem:s0+$0xFFFFFFF0];
	_ =	sdelay $0x2  }
0x263: {  	v0 =	vmul.f32 $1.000000010e-01, v0;
	_ =	sdelay $0x1  }
0x264: {  	v0 =	vadd.f32 v0, v61;
	_ =	sdelay $0x1  }
0x265: {  	[tilespmem:s0+$0xFFFFFFF0] =	vst v0  }
0x266: {  	v0 =	vld [tilespmem:s9+$0x0];
	_ =	sdelay $0x1  }
0x267: {  	v62 =	vld [tilespmem:s0+$0x0];
	_ =	sdelay $0x2  }
0x268: {  	v0 =	vmul.f32 $1.000000010e-01, v0;
	_ =	sdelay $0x1  }
0x269: {  	v0 =	vadd.f32 v0, v62;
	_ =	sdelay $0x1  }
0x26a: {  	[tilespmem:s0+$0x0] =	vst v0  }
0x26b: {  	v0 =	vld [tilespmem:s9+$0x10];
	_ =	sdelay $0x1  }
0x26c: {  	v63 =	vld [tilespmem:s0+$0x10];
	_ =	sdelay $0x2  }
0x26d: {  	v0 =	vmul.f32 $1.000000010e-01, v0;
	_ =	sdelay $0x1  }
0x26e: {  	v0 =	vadd.f32 v0, v63;
	_ =	sdelay $0x1  }
0x26f: {  	s5 =	simm.s32 $0x0;
	s9 =	simm.s32 $0x9060;
	[tilespmem:s0+$0x10] =	vst v0  }
.LBB2_20:
0x270: {  	v0 =	vld [tilespmem:s9+$0xFFFFFFE0];
	s5 =	sadd.s32 $0x4, s5  }
0x271: {  	s0 =	sadd.s32 $0x40, s0;
	p0 =	slt.u32 s5, $0xFC  }
0x272: {  	v1 =	vld [tilespmem:s0+$0xFFFFFFE0];
	_ =	sdelay $0x2  }
0x273: {  	v0 =	vmul.f32 $1.000000010e-01, v0;
	_ =	sdelay $0x1  }
0x274: {  	v0 =	vadd.f32 v0, v1;
	_ =	sdelay $0x1  }
0x275: {  	[tilespmem:s0+$0xFFFFFFE0] =	vst v0  }
0x276: {  	v0 =	vld [tilespmem:s9+$0xFFFFFFF0];
	_ =	sdelay $0x1  }
0x277: {  	v1 =	vld [tilespmem:s0+$0xFFFFFFF0];
	_ =	sdelay $0x2  }
0x278: {  	v0 =	vmul.f32 $1.000000010e-01, v0;
	_ =	sdelay $0x1  }
0x279: {  	v0 =	vadd.f32 v0, v1;
	_ =	sdelay $0x1  }
0x27a: {  	[tilespmem:s0+$0xFFFFFFF0] =	vst v0  }
0x27b: {  	v0 =	vld [tilespmem:s9+$0x0];
	_ =	sdelay $0x1  }
0x27c: {  	v1 =	vld [tilespmem:s0+$0x0];
	_ =	sdelay $0x2  }
0x27d: {  	v0 =	vmul.f32 $1.000000010e-01, v0;
	_ =	sdelay $0x1  }
0x27e: {  	v0 =	vadd.f32 v0, v1;
	_ =	sdelay $0x1  }
0x27f: {  	[tilespmem:s0+$0x0] =	vst v0  }
0x280: {  	v0 =	vld [tilespmem:s9+$0x10];
	_ =	sdelay $0x1  }
0x281: {  	v1 =	vld [tilespmem:s0+$0x10];
	_ =	sdelay $0x2  }
.Ltmp9:
0x282: {  	v0 =	vmul.f32 $1.000000010e-01, v0;
	(pc) =	sbr.rel @p0 .LBB2_20-.Ltmp9, $3  }
0x283: {  	_ = 	snop  }
0x284: {  	v0 =	vadd.f32 v0, v1;
	_ =	sdelay $0x1  }
0x285: {  	s9 =	sadd.s32 $0x40, s9;
	[tilespmem:s0+$0x10] =	vst v0  }
0x286: {  	[hbm4b:s26+s3] =	stream.indirect.scatter [tilespmem:s23], [sflag:$0xF], $0x1, s18, s3, $0xb8;
	[tilespmem:$0xF000] =	vst v63  }
0x287: {  	_ =	swait.ge [sflag:s6], $0x1000  }
0x288: {  	[sflag:s6] =	ssyncset.done $0x0  }
0x289: {  	[sflag:s6] =	ssyncadd.s32 $0xFFFFF000  }
0x28a: {  	_ =	swait.ge [sflag:s6], $0x1000  }
0x28b: {  	[sflag:s6] =	ssyncset.done $0x0  }
0x28c: {  	[sflag:s6] =	ssyncadd.s32 $0xFFFFF000  }
0x28d: {  	[tilespmem:s7], [sflag:$0x7] =	stream.indirect.gather [hbm4b:s22+s3], $0x1, s3, s3, $0xb8;
	[tilespmem:$0xF000] =	vst v63  }
0x28e: {  	_ =	swait.ge [sflag:s30], $0x1000  }
0x28f: {  	[sflag:s30] =	ssyncset.done $0x0  }
0x290: {  	s0 =	rddreg [dreg:$0x1c];
	[sflag:s30] =	ssyncadd.s32 $0xFFFFF000  }
0x291: {  	[tilespmem:s8], [sflag:$0x3] =	stream.linear.gather [hbm4b:s0+s1], $0x1000, $0x38;
	[tilespmem:$0xF000] =	vst v63  }
0x292: {  	s5 =	simm.s32 $0x7000;
	s9 =	rddreg [dreg:$0x1d]  }
0x293: {  	[tilespmem:s5], [sflag:$0x3] =	stream.linear.gather [hbm4b:s9+s1], $0x1000, $0x38;
	[tilespmem:$0xF000] =	vst v63  }
0x294: {  	_ =	swait.ge [sflag:s10], $0x1000  }
0x295: {  	[sflag:s10] =	ssyncset.done $0x0  }
0x296: {  	s9 =	simm.s32 $0x5020;
	[sflag:s10] =	ssyncadd.s32 $0xFFFFF000  }
0x297: {  	v0 =	vld [tilespmem:s9+$0xFFFFFFE0]  }
0x298: {  	s0 =	simm.s32 $0xA020  }
0x299: {  	v1 =	vld [tilespmem:s0+$0xFFFFFFE0];
	_ =	sdelay $0x2  }
0x29a: {  	v0 =	vmul.f32 $1.000000010e-01, v0;
	_ =	sdelay $0x1  }
0x29b: {  	v0 =	vadd.f32 v0, v1;
	_ =	sdelay $0x1  }
0x29c: {  	[tilespmem:s0+$0xFFFFFFE0] =	vst v0  }
0x29d: {  	v0 =	vld [tilespmem:s9+$0xFFFFFFF0];
	_ =	sdelay $0x1  }
0x29e: {  	v61 =	vld [tilespmem:s0+$0xFFFFFFF0];
	_ =	sdelay $0x2  }
0x29f: {  	v0 =	vmul.f32 $1.000000010e-01, v0;
	_ =	sdelay $0x1  }
0x2a0: {  	v0 =	vadd.f32 v0, v61;
	_ =	sdelay $0x1  }
0x2a1: {  	[tilespmem:s0+$0xFFFFFFF0] =	vst v0  }
0x2a2: {  	v0 =	vld [tilespmem:s9+$0x0];
	_ =	sdelay $0x1  }
0x2a3: {  	v62 =	vld [tilespmem:s0+$0x0];
	_ =	sdelay $0x2  }
0x2a4: {  	v0 =	vmul.f32 $1.000000010e-01, v0;
	_ =	sdelay $0x1  }
0x2a5: {  	v0 =	vadd.f32 v0, v62;
	_ =	sdelay $0x1  }
0x2a6: {  	[tilespmem:s0+$0x0] =	vst v0  }
0x2a7: {  	v0 =	vld [tilespmem:s9+$0x10];
	_ =	sdelay $0x1  }
0x2a8: {  	v63 =	vld [tilespmem:s0+$0x10];
	_ =	sdelay $0x2  }
0x2a9: {  	v0 =	vmul.f32 $1.000000010e-01, v0;
	_ =	sdelay $0x1  }
0x2aa: {  	v0 =	vadd.f32 v0, v63;
	_ =	sdelay $0x1  }
0x2ab: {  	s5 =	simm.s32 $0x0;
	s9 =	simm.s32 $0x5060;
	[tilespmem:s0+$0x10] =	vst v0  }
.LBB2_22:
0x2ac: {  	v0 =	vld [tilespmem:s9+$0xFFFFFFE0];
	s5 =	sadd.s32 $0x4, s5  }
0x2ad: {  	s0 =	sadd.s32 $0x40, s0;
	p0 =	slt.u32 s5, $0xFC  }
0x2ae: {  	v1 =	vld [tilespmem:s0+$0xFFFFFFE0];
	_ =	sdelay $0x2  }
0x2af: {  	v0 =	vmul.f32 $1.000000010e-01, v0;
	_ =	sdelay $0x1  }
0x2b0: {  	v0 =	vadd.f32 v0, v1;
	_ =	sdelay $0x1  }
0x2b1: {  	[tilespmem:s0+$0xFFFFFFE0] =	vst v0  }
0x2b2: {  	v0 =	vld [tilespmem:s9+$0xFFFFFFF0];
	_ =	sdelay $0x1  }
0x2b3: {  	v1 =	vld [tilespmem:s0+$0xFFFFFFF0];
	_ =	sdelay $0x2  }
0x2b4: {  	v0 =	vmul.f32 $1.000000010e-01, v0;
	_ =	sdelay $0x1  }
0x2b5: {  	v0 =	vadd.f32 v0, v1;
	_ =	sdelay $0x1  }
0x2b6: {  	[tilespmem:s0+$0xFFFFFFF0] =	vst v0  }
0x2b7: {  	v0 =	vld [tilespmem:s9+$0x0];
	_ =	sdelay $0x1  }
0x2b8: {  	v1 =	vld [tilespmem:s0+$0x0];
	_ =	sdelay $0x2  }
0x2b9: {  	v0 =	vmul.f32 $1.000000010e-01, v0;
	_ =	sdelay $0x1  }
0x2ba: {  	v0 =	vadd.f32 v0, v1;
	_ =	sdelay $0x1  }
0x2bb: {  	[tilespmem:s0+$0x0] =	vst v0  }
0x2bc: {  	v0 =	vld [tilespmem:s9+$0x10];
	_ =	sdelay $0x1  }
0x2bd: {  	v1 =	vld [tilespmem:s0+$0x10];
	_ =	sdelay $0x2  }
.Ltmp10:
0x2be: {  	v0 =	vmul.f32 $1.000000010e-01, v0;
	(pc) =	sbr.rel @p0 .LBB2_22-.Ltmp10, $3  }
0x2bf: {  	_ = 	snop  }
0x2c0: {  	v0 =	vadd.f32 v0, v1;
	_ =	sdelay $0x1  }
0x2c1: {  	s9 =	sadd.s32 $0x40, s9;
	[tilespmem:s0+$0x10] =	vst v0  }
0x2c2: {  	[hbm4b:s26+s3] =	stream.indirect.scatter [tilespmem:s4], [sflag:$0xB], $0x1, s1, s3, $0xb8;
	[tilespmem:$0xF000] =	vst v63  }
0x2c3: {  	_ =	swait.ge [sflag:s11], $0x1000  }
0x2c4: {  	[sflag:s11] =	ssyncset.done $0x0  }
0x2c5: {  	[sflag:s11] =	ssyncadd.s32 $0xFFFFF000  }
0x2c6: {  	_ =	swait.ge [sflag:s11], $0x1000  }
0x2c7: {  	[sflag:s11] =	ssyncset.done $0x0  }
0x2c8: {  	[sflag:s11] =	ssyncadd.s32 $0xFFFFF000  }
0x2c9: {  	[tilespmem:s12], [sflag:$0x8] =	stream.indirect.gather [hbm4b:s22+s3], $0x1, s8, s3, $0xb8;
	[tilespmem:$0xF000] =	vst v63  }
0x2ca: {  	_ =	swait.ge [sflag:s15], $0x1000  }
0x2cb: {  	[sflag:s15] =	ssyncset.done $0x0  }
0x2cc: {  	s5 =	simm.s32 $0x6020;
	[sflag:s15] =	ssyncadd.s32 $0xFFFFF000  }
0x2cd: {  	v0 =	vld [tilespmem:s5+$0xFFFFFFE0]  }
0x2ce: {  	s0 =	simm.s32 $0xB020  }
0x2cf: {  	v1 =	vld [tilespmem:s0+$0xFFFFFFE0];
	_ =	sdelay $0x2  }
0x2d0: {  	v0 =	vmul.f32 $1.000000010e-01, v0;
	_ =	sdelay $0x1  }
0x2d1: {  	v0 =	vadd.f32 v0, v1;
	_ =	sdelay $0x1  }
0x2d2: {  	[tilespmem:s0+$0xFFFFFFE0] =	vst v0  }
0x2d3: {  	v0 =	vld [tilespmem:s5+$0xFFFFFFF0];
	_ =	sdelay $0x1  }
0x2d4: {  	v61 =	vld [tilespmem:s0+$0xFFFFFFF0];
	_ =	sdelay $0x2  }
0x2d5: {  	v0 =	vmul.f32 $1.000000010e-01, v0;
	_ =	sdelay $0x1  }
0x2d6: {  	v0 =	vadd.f32 v0, v61;
	_ =	sdelay $0x1  }
0x2d7: {  	[tilespmem:s0+$0xFFFFFFF0] =	vst v0  }
0x2d8: {  	v0 =	vld [tilespmem:s5+$0x0];
	_ =	sdelay $0x1  }
0x2d9: {  	v62 =	vld [tilespmem:s0+$0x0];
	_ =	sdelay $0x2  }
0x2da: {  	v0 =	vmul.f32 $1.000000010e-01, v0;
	_ =	sdelay $0x1  }
0x2db: {  	v0 =	vadd.f32 v0, v62;
	_ =	sdelay $0x1  }
0x2dc: {  	[tilespmem:s0+$0x0] =	vst v0  }
0x2dd: {  	v0 =	vld [tilespmem:s5+$0x10];
	_ =	sdelay $0x1  }
0x2de: {  	v63 =	vld [tilespmem:s0+$0x10];
	_ =	sdelay $0x2  }
0x2df: {  	v0 =	vmul.f32 $1.000000010e-01, v0;
	_ =	sdelay $0x1  }
0x2e0: {  	v0 =	vadd.f32 v0, v63;
	_ =	sdelay $0x1  }
0x2e1: {  	s9 =	simm.s32 $0x6060;
	s5 =	simm.s32 $0x0;
	[tilespmem:s0+$0x10] =	vst v0  }
.LBB2_24:
0x2e2: {  	v0 =	vld [tilespmem:s9+$0xFFFFFFE0];
	s5 =	sadd.s32 $0x4, s5  }
0x2e3: {  	s0 =	sadd.s32 $0x40, s0;
	p0 =	slt.u32 s5, $0xFC  }
0x2e4: {  	v1 =	vld [tilespmem:s0+$0xFFFFFFE0];
	_ =	sdelay $0x2  }
0x2e5: {  	v0 =	vmul.f32 $1.000000010e-01, v0;
	_ =	sdelay $0x1  }
0x2e6: {  	v0 =	vadd.f32 v0, v1;
	_ =	sdelay $0x1  }
0x2e7: {  	[tilespmem:s0+$0xFFFFFFE0] =	vst v0  }
0x2e8: {  	v0 =	vld [tilespmem:s9+$0xFFFFFFF0];
	_ =	sdelay $0x1  }
0x2e9: {  	v1 =	vld [tilespmem:s0+$0xFFFFFFF0];
	_ =	sdelay $0x2  }
0x2ea: {  	v0 =	vmul.f32 $1.000000010e-01, v0;
	_ =	sdelay $0x1  }
0x2eb: {  	v0 =	vadd.f32 v0, v1;
	_ =	sdelay $0x1  }
0x2ec: {  	[tilespmem:s0+$0xFFFFFFF0] =	vst v0  }
0x2ed: {  	v0 =	vld [tilespmem:s9+$0x0];
	_ =	sdelay $0x1  }
0x2ee: {  	v1 =	vld [tilespmem:s0+$0x0];
	_ =	sdelay $0x2  }
0x2ef: {  	v0 =	vmul.f32 $1.000000010e-01, v0;
	_ =	sdelay $0x1  }
0x2f0: {  	v0 =	vadd.f32 v0, v1;
	_ =	sdelay $0x1  }
0x2f1: {  	[tilespmem:s0+$0x0] =	vst v0  }
0x2f2: {  	v0 =	vld [tilespmem:s9+$0x10];
	_ =	sdelay $0x1  }
0x2f3: {  	v1 =	vld [tilespmem:s0+$0x10];
	_ =	sdelay $0x2  }
.Ltmp11:
0x2f4: {  	v0 =	vmul.f32 $1.000000010e-01, v0;
	(pc) =	sbr.rel @p0 .LBB2_24-.Ltmp11, $3  }
0x2f5: {  	_ = 	snop  }
0x2f6: {  	v0 =	vadd.f32 v0, v1;
	_ =	sdelay $0x1  }
0x2f7: {  	s9 =	sadd.s32 $0x40, s9;
	[tilespmem:s0+$0x10] =	vst v0  }
0x2f8: {  	[hbm4b:s26+s3] =	stream.indirect.scatter [tilespmem:s7], [sflag:$0xC], $0x1, s3, s3, $0xb8;
	[tilespmem:$0xF000] =	vst v63  }
0x2f9: {  	_ =	swait.ge [sflag:s20], $0x1000  }
0x2fa: {  	[sflag:s20] =	ssyncset.done $0x0  }
0x2fb: {  	s5 =	simm.s32 $0x7020;
	[sflag:s20] =	ssyncadd.s32 $0xFFFFF000  }
0x2fc: {  	v0 =	vld [tilespmem:s5+$0xFFFFFFE0]  }
0x2fd: {  	s0 =	simm.s32 $0xC020  }
0x2fe: {  	v1 =	vld [tilespmem:s0+$0xFFFFFFE0];
	_ =	sdelay $0x2  }
0x2ff: {  	v0 =	vmul.f32 $1.000000010e-01, v0;
	_ =	sdelay $0x1  }
0x300: {  	v0 =	vadd.f32 v0, v1;
	_ =	sdelay $0x1  }
0x301: {  	[tilespmem:s0+$0xFFFFFFE0] =	vst v0  }
0x302: {  	v0 =	vld [tilespmem:s5+$0xFFFFFFF0];
	_ =	sdelay $0x1  }
0x303: {  	v61 =	vld [tilespmem:s0+$0xFFFFFFF0];
	_ =	sdelay $0x2  }
0x304: {  	v0 =	vmul.f32 $1.000000010e-01, v0;
	_ =	sdelay $0x1  }
0x305: {  	v0 =	vadd.f32 v0, v61;
	_ =	sdelay $0x1  }
0x306: {  	[tilespmem:s0+$0xFFFFFFF0] =	vst v0  }
0x307: {  	v0 =	vld [tilespmem:s5+$0x0];
	_ =	sdelay $0x1  }
0x308: {  	v62 =	vld [tilespmem:s0+$0x0];
	_ =	sdelay $0x2  }
0x309: {  	v0 =	vmul.f32 $1.000000010e-01, v0;
	_ =	sdelay $0x1  }
0x30a: {  	v0 =	vadd.f32 v0, v62;
	_ =	sdelay $0x1  }
0x30b: {  	[tilespmem:s0+$0x0] =	vst v0  }
0x30c: {  	v0 =	vld [tilespmem:s5+$0x10];
	_ =	sdelay $0x1  }
0x30d: {  	v63 =	vld [tilespmem:s0+$0x10];
	_ =	sdelay $0x2  }
0x30e: {  	v0 =	vmul.f32 $1.000000010e-01, v0;
	_ =	sdelay $0x1  }
0x30f: {  	v0 =	vadd.f32 v0, v63;
	_ =	sdelay $0x1  }
0x310: {  	s9 =	simm.s32 $0x7060;
	s5 =	simm.s32 $0x0;
	[tilespmem:s0+$0x10] =	vst v0  }
.LBB2_26:
0x311: {  	v0 =	vld [tilespmem:s9+$0xFFFFFFE0];
	s5 =	sadd.s32 $0x4, s5  }
0x312: {  	s0 =	sadd.s32 $0x40, s0;
	p0 =	slt.u32 s5, $0xFC  }
0x313: {  	v1 =	vld [tilespmem:s0+$0xFFFFFFE0];
	_ =	sdelay $0x2  }
0x314: {  	v0 =	vmul.f32 $1.000000010e-01, v0;
	_ =	sdelay $0x1  }
0x315: {  	v0 =	vadd.f32 v0, v1;
	_ =	sdelay $0x1  }
0x316: {  	[tilespmem:s0+$0xFFFFFFE0] =	vst v0  }
0x317: {  	v0 =	vld [tilespmem:s9+$0xFFFFFFF0];
	_ =	sdelay $0x1  }
0x318: {  	v1 =	vld [tilespmem:s0+$0xFFFFFFF0];
	_ =	sdelay $0x2  }
0x319: {  	v0 =	vmul.f32 $1.000000010e-01, v0;
	_ =	sdelay $0x1  }
0x31a: {  	v0 =	vadd.f32 v0, v1;
	_ =	sdelay $0x1  }
0x31b: {  	[tilespmem:s0+$0xFFFFFFF0] =	vst v0  }
0x31c: {  	v0 =	vld [tilespmem:s9+$0x0];
	_ =	sdelay $0x1  }
0x31d: {  	v1 =	vld [tilespmem:s0+$0x0];
	_ =	sdelay $0x2  }
0x31e: {  	v0 =	vmul.f32 $1.000000010e-01, v0;
	_ =	sdelay $0x1  }
0x31f: {  	v0 =	vadd.f32 v0, v1;
	_ =	sdelay $0x1  }
0x320: {  	[tilespmem:s0+$0x0] =	vst v0  }
0x321: {  	v0 =	vld [tilespmem:s9+$0x10];
	_ =	sdelay $0x1  }
0x322: {  	v1 =	vld [tilespmem:s0+$0x10];
	_ =	sdelay $0x2  }
.Ltmp12:
0x323: {  	v0 =	vmul.f32 $1.000000010e-01, v0;
	(pc) =	sbr.rel @p0 .LBB2_26-.Ltmp12, $3  }
0x324: {  	_ = 	snop  }
0x325: {  	v0 =	vadd.f32 v0, v1;
	_ =	sdelay $0x1  }
0x326: {  	s9 =	sadd.s32 $0x40, s9;
	[tilespmem:s0+$0x10] =	vst v0  }
0x327: {  	[hbm4b:s26+s3] =	stream.indirect.scatter [tilespmem:s12], [sflag:$0xD], $0x1, s8, s3, $0xb8;
	[tilespmem:$0xF000] =	vst v63  }
0x328: {  	_ =	swait.ge [sflag:s19], $0x1000  }
0x329: {  	[sflag:s19] =	ssyncset.done $0x0  }
0x32a: {  	[sflag:s19] =	ssyncadd.s32 $0xFFFFF000  }
0x32b: {  	_ =	swait.ge [sflag:s31], $0x1000  }
0x32c: {  	[sflag:s31] =	ssyncset.done $0x0  }
0x32d: {  	[sflag:s31] =	ssyncadd.s32 $0xFFFFF000  }
0x32e: {  	_ =	swait.ge [sflag:s24], $0x1000  }
0x32f: {  	[sflag:s24] =	ssyncset.done $0x0  }
0x330: {  	[sflag:s24] =	ssyncadd.s32 $0xFFFFF000  }
0x331: {  	_ =	swait.ge [sflag:s28], $0x1000  }
0x332: {  	[sflag:s28] =	ssyncset.done $0x0  }
0x333: {  	[sflag:s28] =	ssyncadd.s32 $0xFFFFF000  }
0x334: {  	_ =	swait.ge [sflag:s30], $0x1000  }
0x335: {  	s25 =	sadd.s32 $0x1, s25;
	s0 =	rddreg [dreg:$0x1e]  }
0x336: {  	p0 =	sne.s32 s25, s0  }
.Ltmp13:
0x337: {  	_ = 	snop;
	(pc) =	sbr.rel @p0 .LBB2_1-.Ltmp13, $3  }
0x338: {  	_ =	sdelay $0x1  }
0x339: {  	[sflag:s30] =	ssyncset.done $0x0  }
0x33a: {  	[sflag:s30] =	ssyncadd.s32 $0xFFFFF000  }
0x33b: {  	_ =	sfence.sel $0x180000  }
0x33c: {  	[bflag:$0x0] =	sbarrier.arrive $0xFFFF  }
0x33d: {  	_ =	strace $0x90000047  }
0x33e: {  	s0 =	stileid.u32;
	[bflag:$0x2] =	sbarrier.arrive $0xFFFF  }
0x33f: {  	p0 =	sne.s32 s0, $0x0;
	s0 =	rddreg [dreg:$0x3]  }
0x340: {  	s0 =	sadd.s32 @!p0 $0x100000, s0  }
0x341: {  	[sflag:s0] =	ssyncadd.tile.s32 @!p0 $0x1;
	_ =	shalt  }
.Lfunc_end2:
_tile_overlayer_lowered:
.L_overlay_start_2:
0x342: {  	(tag) =	ssettag $0x2  }
0x343: {  	s0 =	rddreg [dreg:$0x0];
	s2 =	stileid.u32  }
0x344: {  	s1 =	rddreg [dreg:$0x1];
	p0 =	sne.s32 s2, $0x0  }
0x345: {  	s3 =	rddreg [dreg:$0x2];
	[bflag:$0x3] =	sbarrier.arrive $0xFFFF;
	s2 =	simm.s32 @!p0 $0x1C10  }
0x346: {  	[timem:s3], [sflag:s2] =	dma.local @!p0 [hbm:s0], s1  }
0x347: {  	s0 =	simm.s32 @!p0 $0x10  }
0x348: {  	_ =	swait.ge @!p0 [sflag:s0], s1  }
0x349: {  	s1 =	ssub.s32 @!p0 $0x0, s1;
	[sflag:s0] =	ssyncset.done @!p0 $0x0  }
0x34a: {  	[sflag:s0] =	ssyncadd.s32 @!p0 s1  }
0x34b: {  	[bflag:$0x3] =	sbarrier.arrive $0xFFFF  }
0x34c: {  	_ =	shalt  }

</sc_bundles>
